<compile_context>
chip_gen: v7x
topology: tpu7x:2x2x1
jax: 0.10.2.dev20260603
libtpu: 0.0.44.dev20260713+nightly
codegen_flags: <defaults>
</compile_context>

<pallas_src>
import functools

import jax
import jax.numpy as jnp
from jax import lax
from jax.experimental import pallas as pl
from jax.experimental.pallas import tpu as pltpu
from jax.experimental.pallas import tpu_sc as plsc

N_NODES = 10000
N_EDGES = 160000
D_FEAT = 256
H = 128
NSUB = 16
CHUNK = 128
CHUNKS = 80
HALF = CHUNKS // 2
E_PAD = NSUB * CHUNKS * CHUNK
N_PAD = 10240
STRIPE = N_PAD // NSUB
STRIPE_CHUNK = 128
W_STRIPE = 632
W_LAST = N_NODES - 15 * W_STRIPE


def _sc_agg_body(y0, y1, b0, b1, eidx, out,
                 acc, idx_h, rows0, rows1, gsem0, gsem1):
    c = lax.axis_index("c")
    s = lax.axis_index("s")
    base_row = s * STRIPE

    def init(b_ref):
        nk = STRIPE // STRIPE_CHUNK
        bufs = (rows0, rows1)
        sems = (gsem0, gsem1)
        pltpu.async_copy(b_ref.at[pl.ds(base_row, STRIPE_CHUNK)], rows0,
                         gsem0)
        for k in range(nk):
            rows = pl.ds(base_row + k * STRIPE_CHUNK, STRIPE_CHUNK)
            b, sem = bufs[k % 2], sems[k % 2]
            pltpu.make_async_copy(b_ref.at[rows], b, sem).wait()
            if k + 1 < nk:
                nrows = pl.ds(base_row + (k + 1) * STRIPE_CHUNK,
                              STRIPE_CHUNK)
                pltpu.async_copy(b_ref.at[nrows], bufs[(k + 1) % 2],
                                 sems[(k + 1) % 2])
            pltpu.sync_copy(b, acc.at[rows])

    pl.when(c == 0)(lambda: init(b0))
    pl.when(c == 1)(lambda: init(b1))
    plsc.subcore_barrier()

    def edge_loop(y_ref):
        def half_loop(h):
            pltpu.sync_copy(eidx.at[pl.ds(s * CHUNKS + h * HALF, HALF)],
                            idx_h)
            pltpu.async_copy(y_ref.at[idx_h.at[0, 0]], rows0, gsem0)

            def body(i, carry):
                j = i * 2
                pltpu.make_async_copy(y_ref.at[idx_h.at[0, 0]], rows0,
                                      gsem0).wait()
                pltpu.async_copy(y_ref.at[idx_h.at[j + 1, 0]], rows1, gsem1)
                pltpu.sync_copy(rows0, acc.at[idx_h.at[j, 1]], add=True)
                pltpu.make_async_copy(y_ref.at[idx_h.at[0, 0]], rows1,
                                      gsem1).wait()

                @pl.when(i < HALF // 2 - 1)
                def _():
                    pltpu.async_copy(y_ref.at[idx_h.at[j + 2, 0]], rows0,
                                     gsem0)
                pltpu.sync_copy(rows1, acc.at[idx_h.at[j + 1, 1]], add=True)
                return carry

            lax.fori_loop(0, HALF // 2, body, 0)

        for h in range(2):
            half_loop(h)

    pl.when(c == 0)(lambda: edge_loop(y0))
    pl.when(c == 1)(lambda: edge_loop(y1))

    plsc.subcore_barrier()

    def writeout(col0, row0, sizes):
        bufs = (rows0, rows1)
        sems = (gsem0, gsem1)
        offs = [sum(sizes[:k]) for k in range(len(sizes))]
        pltpu.async_copy(acc.at[pl.ds(row0, sizes[0])],
                         rows0.at[pl.ds(0, sizes[0])], gsem0)
        for k, sz in enumerate(sizes):
            b, sem = bufs[k % 2], sems[k % 2]
            pltpu.make_async_copy(acc.at[pl.ds(row0 + offs[k], sz)],
                                  b.at[pl.ds(0, sz)], sem).wait()
            if k + 1 < len(sizes):
                pltpu.async_copy(
                    acc.at[pl.ds(row0 + offs[k + 1], sizes[k + 1])],
                    bufs[(k + 1) % 2].at[pl.ds(0, sizes[k + 1])],
                    sems[(k + 1) % 2])
            pltpu.sync_copy(b.at[pl.ds(0, sz)],
                            out.at[pl.ds(row0 + offs[k], sz),
                                   pl.ds(col0, H)])

    full = [STRIPE_CHUNK] * (W_STRIPE // STRIPE_CHUNK)
    sizes_std = full + [W_STRIPE - sum(full)]
    full_l = [STRIPE_CHUNK] * (W_LAST // STRIPE_CHUNK)
    sizes_last = full_l + [W_LAST - sum(full_l)]
    for cc, col0 in ((0, 0), (1, H)):
        pl.when(jnp.logical_and(c == cc, s < 15))(
            functools.partial(writeout, col0, s * W_STRIPE, sizes_std))
        pl.when(jnp.logical_and(c == cc, s == 15))(
            functools.partial(writeout, col0, 15 * W_STRIPE, sizes_last))


_sc_agg = functools.partial(
    pl.kernel,
    out_type=jax.ShapeDtypeStruct((N_NODES, D_FEAT), jnp.float32),
    mesh=plsc.VectorSubcoreMesh(core_axis_name="c", subcore_axis_name="s"),
    scratch_types=[
        pltpu.VMEM_SHARED((N_PAD, H), jnp.float32),
        pltpu.VMEM((HALF, 2, CHUNK), jnp.int32),
        pltpu.VMEM((CHUNK, H), jnp.float32),
        pltpu.VMEM((CHUNK, H), jnp.float32),
        pltpu.SemaphoreType.DMA,
        pltpu.SemaphoreType.DMA,
    ],
)(_sc_agg_body)


def _tc_body(xu_ref, xi_ref, ws_ref, wm_ref, b_ref,
             y0_ref, y1_ref, b0_ref, b1_ref):
    f32 = jnp.float32
    y = jnp.dot(xu_ref[...], wm_ref[...], preferred_element_type=f32)
    base = jnp.dot(xi_ref[...], ws_ref[...],
                   preferred_element_type=f32) + b_ref[...]
    y0_ref[...] = y[:, :H]
    y1_ref[...] = y[:, H:]
    b0_ref[...] = base[:, :H]
    b1_ref[...] = base[:, H:]


_TC_ROWS = 2000


def _tc_transform(x_user, x_item, W_self, W_msg, b2):
    half = jax.ShapeDtypeStruct((N_PAD, H), jnp.float32)
    return pl.pallas_call(
        _tc_body,
        grid=(N_NODES // _TC_ROWS,),
        in_specs=[
            pl.BlockSpec((_TC_ROWS, D_FEAT), lambda i: (i, 0)),
            pl.BlockSpec((_TC_ROWS, D_FEAT), lambda i: (i, 0)),
            pl.BlockSpec((D_FEAT, D_FEAT), lambda i: (0, 0)),
            pl.BlockSpec((D_FEAT, D_FEAT), lambda i: (0, 0)),
            pl.BlockSpec((1, D_FEAT), lambda i: (0, 0)),
        ],
        out_specs=[pl.BlockSpec((_TC_ROWS, H), lambda i: (i, 0))] * 4,
        out_shape=[half, half, half, half],
    )(x_user, x_item, W_self, W_msg, b2)


def kernel(emb_user, emb_item, edge_index, W_self, W_msg, b):
    src = edge_index[0]
    dst = edge_index[1]
    pad = E_PAD - N_EDGES
    pad_i = jnp.arange(pad, dtype=jnp.int32)
    src_p = jnp.concatenate([src, (pad_i * 53) % N_NODES])
    dst_p = jnp.concatenate([dst, N_NODES + (pad_i % (N_PAD - N_NODES))])
    eidx = jnp.stack([src_p.reshape(NSUB * CHUNKS, CHUNK),
                      dst_p.reshape(NSUB * CHUNKS, CHUNK)], axis=1)

    y0, y1, b0, b1 = _tc_transform(emb_user, emb_item, W_self, W_msg,
                                   b.reshape(1, D_FEAT))
    out_item = _sc_agg(y0, y1, b0, b1, eidx)
    return (emb_user, out_item)

# --- scband reference (transcript-rebuilt; emitter-appended) ---
"""Pipeline reference for scband-gnn-59090160059137 (READ-ONLY COPY).

The authoritative reference and input builder live on the scoring server;
editing this copy changes nothing except your own understanding.
"""

import jax, jax.numpy as jnp
import numpy as np

N_NODES = 10000
N_EDGES = 160000
D_FEAT = 256


def setup_inputs(seed: int = 0) -> dict:
    key = jax.random.key(seed)
    k1, k2, k3, k4, k5 = jax.random.split(key, 5)
    emb_user = jax.random.normal(k1, (N_NODES, D_FEAT), dtype=jnp.float32)
    emb_item = jax.random.normal(k2, (N_NODES, D_FEAT), dtype=jnp.float32)
    edge_index = jax.random.randint(k3, (2, N_EDGES), 0, N_NODES, dtype=jnp.int32)
    W_self = jax.random.normal(k4, (D_FEAT, D_FEAT), dtype=jnp.float32) / jnp.sqrt(D_FEAT)
    W_msg = jax.random.normal(k5, (D_FEAT, D_FEAT), dtype=jnp.float32) / jnp.sqrt(D_FEAT)
    b = jnp.zeros((D_FEAT,), dtype=jnp.float32)
    return {
        "emb_user": emb_user,
        "emb_item": emb_item,
        "edge_index": edge_index,
        "W_self": W_self,
        "W_msg": W_msg,
        "b": b,
    }


def reference(emb_user, emb_item, edge_index, W_self, W_msg, b):
    # x_dict = {node_type: deepcopy(embedding.weight)} -> plain arrays per node type
    x_user = emb_user
    x_item = emb_item
    # single hetero conv layer over edge type ('user','to','item'), aggr='sum'
    src = edge_index[0]
    dst = edge_index[1]
    msgs = jnp.take(x_user, src, axis=0)                      # gather source node features per edge
    agg = jax.ops.segment_sum(msgs, dst, num_segments=x_item.shape[0])  # sum-aggregate to dst
    x_item_new = x_item @ W_self + agg @ W_msg + b
    # node types that receive no messages pass through unchanged
    return (x_user, x_item_new)

if __name__ == "__main__":
    import jax
    _d = setup_inputs()
    print(jax.jit(kernel)(*tuple(_d.values())))

</pallas_src>

<mosaic_0001>
#map = affine_map<(d0, d1) -> (0, 0)>
#map1 = affine_map<(d0, d1) -> (0, 0, 0)>
module attributes {stable_mosaic.version = 14 : i64} {
  func.func @_sc_agg_body(%arg0: i32, %arg1: i32, %arg2: memref<10240x128xf32, #tpu.memory_space<hbm>>, %arg3: memref<10240x128xf32, #tpu.memory_space<hbm>>, %arg4: memref<10240x128xf32, #tpu.memory_space<hbm>>, %arg5: memref<10240x128xf32, #tpu.memory_space<hbm>>, %arg6: memref<1280x2x128xi32, #tpu.memory_space<hbm>>, %arg7: memref<10000x256xf32, #tpu.memory_space<hbm>>, %arg8: memref<10240x128xf32, #tpu.memory_space<vmem_shared>>, %arg9: memref<40x2x128xi32, #tpu.memory_space<vmem>>, %arg10: memref<128x128xf32, #tpu.memory_space<vmem>>, %arg11: memref<128x128xf32, #tpu.memory_space<vmem>>, %arg12: memref<!tpu.dma_semaphore, #tpu.memory_space<semaphore_mem>>, %arg13: memref<!tpu.dma_semaphore, #tpu.memory_space<semaphore_mem>>) attributes {dimension_semantics = [#tpu.dimension_semantics<core_parallel>, #tpu.dimension_semantics<subcore_parallel>], iteration_bounds = array<i64: 2, 16>, scalar_prefetch = 0 : i64, scratch_operands = 6 : i64, tpu.core_type = #tpu.core_type<sc_vector_subcore>, window_params = [{transform_indices = #map}, {transform_indices = #map}, {transform_indices = #map}, {transform_indices = #map}, {transform_indices = #map1}, {transform_indices = #map}]} {
    %mul3A = arith.constant 640 : i32
    %mul3A_0 = arith.muli %arg1, %mul3A : i32
    %eq3A = arith.constant 0 : i32
    %eq3A_1 = arith.cmpi eq, %arg0, %eq3A : i32
    %convert_element_type3A = arith.extui %eq3A_1 : i1 to i32
    %cond3A = arith.constant 0 : i32
    %cond3A_2 = arith.cmpi ne, %convert_element_type3A, %cond3A : i32
    scf.if %cond3A_2 {
      %dma_start3A = arith.constant 0 : i32
      %dma_start3A_53 = tpu.memref_slice %arg4[%mul3A_0, %dma_start3A] : memref<10240x128xf32, #tpu.memory_space<hbm>> -> memref<128x128xf32, #tpu.memory_space<hbm>>
      %dma_start3A_54 = arith.constant 0 : i32
      %dma_start3A_55 = tpu.memref_slice %arg4[%mul3A_0, %dma_start3A_54] : memref<10240x128xf32, #tpu.memory_space<hbm>> -> memref<128x128xf32, #tpu.memory_space<hbm>>
      tpu.enqueue_dma source(%dma_start3A_55 : memref<128x128xf32, #tpu.memory_space<hbm>>) target(%arg10 : memref<128x128xf32, #tpu.memory_space<vmem>>) target_semaphore(%arg12 : memref<!tpu.dma_semaphore, #tpu.memory_space<semaphore_mem>>)
      %add3A = arith.constant 0 : i32
      %add3A_56 = arith.addi %mul3A_0, %add3A : i32
      %dma_wait3A = arith.constant 0 : i32
      %dma_wait3A_57 = tpu.memref_slice %arg4[%add3A_56, %dma_wait3A] : memref<10240x128xf32, #tpu.memory_space<hbm>> -> memref<128x128xf32, #tpu.memory_space<hbm>>
      %dma_wait3A_58 = arith.constant 0 : i32
      %dma_wait3A_59 = tpu.memref_slice %arg4[%add3A_56, %dma_wait3A_58] : memref<10240x128xf32, #tpu.memory_space<hbm>> -> memref<128x128xf32, #tpu.memory_space<hbm>>
      tpu.wait_dma2 semaphore(%arg12 : memref<!tpu.dma_semaphore, #tpu.memory_space<semaphore_mem>>) src(%dma_wait3A_59 : memref<128x128xf32, #tpu.memory_space<hbm>>) dst(%arg10 : memref<128x128xf32, #tpu.memory_space<vmem>>)
      %add3A_60 = arith.constant 128 : i32
      %add3A_61 = arith.addi %mul3A_0, %add3A_60 : i32
      %dma_start3A_62 = arith.constant 0 : i32
      %dma_start3A_63 = tpu.memref_slice %arg4[%add3A_61, %dma_start3A_62] : memref<10240x128xf32, #tpu.memory_space<hbm>> -> memref<128x128xf32, #tpu.memory_space<hbm>>
      %dma_start3A_64 = arith.constant 0 : i32
      %dma_start3A_65 = tpu.memref_slice %arg4[%add3A_61, %dma_start3A_64] : memref<10240x128xf32, #tpu.memory_space<hbm>> -> memref<128x128xf32, #tpu.memory_space<hbm>>
      tpu.enqueue_dma source(%dma_start3A_65 : memref<128x128xf32, #tpu.memory_space<hbm>>) target(%arg11 : memref<128x128xf32, #tpu.memory_space<vmem>>) target_semaphore(%arg13 : memref<!tpu.dma_semaphore, #tpu.memory_space<semaphore_mem>>)
      "tpu.region"() ({
        %run_scoped3A = tpu.sem_alloc : memref<!tpu.dma_semaphore, #tpu.memory_space<semaphore_mem>>
        %dma_start3A_108 = arith.constant 0 : i32
        %dma_start3A_109 = tpu.memref_slice %arg8[%add3A_56, %dma_start3A_108] : memref<10240x128xf32, #tpu.memory_space<vmem_shared>> -> memref<128x128xf32, #tpu.memory_space<vmem_shared>>
        %dma_start3A_110 = arith.constant 0 : i32
        %dma_start3A_111 = tpu.memref_slice %arg8[%add3A_56, %dma_start3A_110] : memref<10240x128xf32, #tpu.memory_space<vmem_shared>> -> memref<128x128xf32, #tpu.memory_space<vmem_shared>>
        tpu.enqueue_dma source(%arg10 : memref<128x128xf32, #tpu.memory_space<vmem>>) target(%dma_start3A_111 : memref<128x128xf32, #tpu.memory_space<vmem_shared>>) target_semaphore(%run_scoped3A : memref<!tpu.dma_semaphore, #tpu.memory_space<semaphore_mem>>)
        %dma_wait3A_112 = arith.constant 0 : i32
        %dma_wait3A_113 = tpu.memref_slice %arg8[%add3A_56, %dma_wait3A_112] : memref<10240x128xf32, #tpu.memory_space<vmem_shared>> -> memref<128x128xf32, #tpu.memory_space<vmem_shared>>
        %dma_wait3A_114 = arith.constant 0 : i32
        %dma_wait3A_115 = tpu.memref_slice %arg8[%add3A_56, %dma_wait3A_114] : memref<10240x128xf32, #tpu.memory_space<vmem_shared>> -> memref<128x128xf32, #tpu.memory_space<vmem_shared>>
        tpu.wait_dma2 semaphore(%run_scoped3A : memref<!tpu.dma_semaphore, #tpu.memory_space<semaphore_mem>>) src(%arg10 : memref<128x128xf32, #tpu.memory_space<vmem>>) dst(%dma_wait3A_115 : memref<128x128xf32, #tpu.memory_space<vmem_shared>>)
        tpu.yield
      }) : () -> ()
      %add3A_66 = arith.constant 128 : i32
      %add3A_67 = arith.addi %mul3A_0, %add3A_66 : i32
      %dma_wait3A_68 = arith.constant 0 : i32
      %dma_wait3A_69 = tpu.memref_slice %arg4[%add3A_67, %dma_wait3A_68] : memref<10240x128xf32, #tpu.memory_space<hbm>> -> memref<128x128xf32, #tpu.memory_space<hbm>>
      %dma_wait3A_70 = arith.constant 0 : i32
      %dma_wait3A_71 = tpu.memref_slice %arg4[%add3A_67, %dma_wait3A_70] : memref<10240x128xf32, #tpu.memory_space<hbm>> -> memref<128x128xf32, #tpu.memory_space<hbm>>
      tpu.wait_dma2 semaphore(%arg13 : memref<!tpu.dma_semaphore, #tpu.memory_space<semaphore_mem>>) src(%dma_wait3A_71 : memref<128x128xf32, #tpu.memory_space<hbm>>) dst(%arg11 : memref<128x128xf32, #tpu.memory_space<vmem>>)
      %add3A_72 = arith.constant 256 : i32
      %add3A_73 = arith.addi %mul3A_0, %add3A_72 : i32
      %dma_start3A_74 = arith.constant 0 : i32
      %dma_start3A_75 = tpu.memref_slice %arg4[%add3A_73, %dma_start3A_74] : memref<10240x128xf32, #tpu.memory_space<hbm>> -> memref<128x128xf32, #tpu.memory_space<hbm>>
      %dma_start3A_76 = arith.constant 0 : i32
      %dma_start3A_77 = tpu.memref_slice %arg4[%add3A_73, %dma_start3A_76] : memref<10240x128xf32, #tpu.memory_space<hbm>> -> memref<128x128xf32, #tpu.memory_space<hbm>>
      tpu.enqueue_dma source(%dma_start3A_77 : memref<128x128xf32, #tpu.memory_space<hbm>>) target(%arg10 : memref<128x128xf32, #tpu.memory_space<vmem>>) target_semaphore(%arg12 : memref<!tpu.dma_semaphore, #tpu.memory_space<semaphore_mem>>)
      "tpu.region"() ({
        %run_scoped3A = tpu.sem_alloc : memref<!tpu.dma_semaphore, #tpu.memory_space<semaphore_mem>>
        %dma_start3A_108 = arith.constant 0 : i32
        %dma_start3A_109 = tpu.memref_slice %arg8[%add3A_67, %dma_start3A_108] : memref<10240x128xf32, #tpu.memory_space<vmem_shared>> -> memref<128x128xf32, #tpu.memory_space<vmem_shared>>
        %dma_start3A_110 = arith.constant 0 : i32
        %dma_start3A_111 = tpu.memref_slice %arg8[%add3A_67, %dma_start3A_110] : memref<10240x128xf32, #tpu.memory_space<vmem_shared>> -> memref<128x128xf32, #tpu.memory_space<vmem_shared>>
        tpu.enqueue_dma source(%arg11 : memref<128x128xf32, #tpu.memory_space<vmem>>) target(%dma_start3A_111 : memref<128x128xf32, #tpu.memory_space<vmem_shared>>) target_semaphore(%run_scoped3A : memref<!tpu.dma_semaphore, #tpu.memory_space<semaphore_mem>>)
        %dma_wait3A_112 = arith.constant 0 : i32
        %dma_wait3A_113 = tpu.memref_slice %arg8[%add3A_67, %dma_wait3A_112] : memref<10240x128xf32, #tpu.memory_space<vmem_shared>> -> memref<128x128xf32, #tpu.memory_space<vmem_shared>>
        %dma_wait3A_114 = arith.constant 0 : i32
        %dma_wait3A_115 = tpu.memref_slice %arg8[%add3A_67, %dma_wait3A_114] : memref<10240x128xf32, #tpu.memory_space<vmem_shared>> -> memref<128x128xf32, #tpu.memory_space<vmem_shared>>
        tpu.wait_dma2 semaphore(%run_scoped3A : memref<!tpu.dma_semaphore, #tpu.memory_space<semaphore_mem>>) src(%arg11 : memref<128x128xf32, #tpu.memory_space<vmem>>) dst(%dma_wait3A_115 : memref<128x128xf32, #tpu.memory_space<vmem_shared>>)
        tpu.yield
      }) : () -> ()
      %add3A_78 = arith.constant 256 : i32
      %add3A_79 = arith.addi %mul3A_0, %add3A_78 : i32
      %dma_wait3A_80 = arith.constant 0 : i32
      %dma_wait3A_81 = tpu.memref_slice %arg4[%add3A_79, %dma_wait3A_80] : memref<10240x128xf32, #tpu.memory_space<hbm>> -> memref<128x128xf32, #tpu.memory_space<hbm>>
      %dma_wait3A_82 = arith.constant 0 : i32
      %dma_wait3A_83 = tpu.memref_slice %arg4[%add3A_79, %dma_wait3A_82] : memref<10240x128xf32, #tpu.memory_space<hbm>> -> memref<128x128xf32, #tpu.memory_space<hbm>>
      tpu.wait_dma2 semaphore(%arg12 : memref<!tpu.dma_semaphore, #tpu.memory_space<semaphore_mem>>) src(%dma_wait3A_83 : memref<128x128xf32, #tpu.memory_space<hbm>>) dst(%arg10 : memref<128x128xf32, #tpu.memory_space<vmem>>)
      %add3A_84 = arith.constant 384 : i32
      %add3A_85 = arith.addi %mul3A_0, %add3A_84 : i32
      %dma_start3A_86 = arith.constant 0 : i32
      %dma_start3A_87 = tpu.memref_slice %arg4[%add3A_85, %dma_start3A_86] : memref<10240x128xf32, #tpu.memory_space<hbm>> -> memref<128x128xf32, #tpu.memory_space<hbm>>
      %dma_start3A_88 = arith.constant 0 : i32
      %dma_start3A_89 = tpu.memref_slice %arg4[%add3A_85, %dma_start3A_88] : memref<10240x128xf32, #tpu.memory_space<hbm>> -> memref<128x128xf32, #tpu.memory_space<hbm>>
      tpu.enqueue_dma source(%dma_start3A_89 : memref<128x128xf32, #tpu.memory_space<hbm>>) target(%arg11 : memref<128x128xf32, #tpu.memory_space<vmem>>) target_semaphore(%arg13 : memref<!tpu.dma_semaphore, #tpu.memory_space<semaphore_mem>>)
      "tpu.region"() ({
        %run_scoped3A = tpu.sem_alloc : memref<!tpu.dma_semaphore, #tpu.memory_space<semaphore_mem>>
        %dma_start3A_108 = arith.constant 0 : i32
        %dma_start3A_109 = tpu.memref_slice %arg8[%add3A_79, %dma_start3A_108] : memref<10240x128xf32, #tpu.memory_space<vmem_shared>> -> memref<128x128xf32, #tpu.memory_space<vmem_shared>>
        %dma_start3A_110 = arith.constant 0 : i32
        %dma_start3A_111 = tpu.memref_slice %arg8[%add3A_79, %dma_start3A_110] : memref<10240x128xf32, #tpu.memory_space<vmem_shared>> -> memref<128x128xf32, #tpu.memory_space<vmem_shared>>
        tpu.enqueue_dma source(%arg10 : memref<128x128xf32, #tpu.memory_space<vmem>>) target(%dma_start3A_111 : memref<128x128xf32, #tpu.memory_space<vmem_shared>>) target_semaphore(%run_scoped3A : memref<!tpu.dma_semaphore, #tpu.memory_space<semaphore_mem>>)
        %dma_wait3A_112 = arith.constant 0 : i32
        %dma_wait3A_113 = tpu.memref_slice %arg8[%add3A_79, %dma_wait3A_112] : memref<10240x128xf32, #tpu.memory_space<vmem_shared>> -> memref<128x128xf32, #tpu.memory_space<vmem_shared>>
        %dma_wait3A_114 = arith.constant 0 : i32
        %dma_wait3A_115 = tpu.memref_slice %arg8[%add3A_79, %dma_wait3A_114] : memref<10240x128xf32, #tpu.memory_space<vmem_shared>> -> memref<128x128xf32, #tpu.memory_space<vmem_shared>>
        tpu.wait_dma2 semaphore(%run_scoped3A : memref<!tpu.dma_semaphore, #tpu.memory_space<semaphore_mem>>) src(%arg10 : memref<128x128xf32, #tpu.memory_space<vmem>>) dst(%dma_wait3A_115 : memref<128x128xf32, #tpu.memory_space<vmem_shared>>)
        tpu.yield
      }) : () -> ()
      %add3A_90 = arith.constant 384 : i32
      %add3A_91 = arith.addi %mul3A_0, %add3A_90 : i32
      %dma_wait3A_92 = arith.constant 0 : i32
      %dma_wait3A_93 = tpu.memref_slice %arg4[%add3A_91, %dma_wait3A_92] : memref<10240x128xf32, #tpu.memory_space<hbm>> -> memref<128x128xf32, #tpu.memory_space<hbm>>
      %dma_wait3A_94 = arith.constant 0 : i32
      %dma_wait3A_95 = tpu.memref_slice %arg4[%add3A_91, %dma_wait3A_94] : memref<10240x128xf32, #tpu.memory_space<hbm>> -> memref<128x128xf32, #tpu.memory_space<hbm>>
      tpu.wait_dma2 semaphore(%arg13 : memref<!tpu.dma_semaphore, #tpu.memory_space<semaphore_mem>>) src(%dma_wait3A_95 : memref<128x128xf32, #tpu.memory_space<hbm>>) dst(%arg11 : memref<128x128xf32, #tpu.memory_space<vmem>>)
      %add3A_96 = arith.constant 512 : i32
      %add3A_97 = arith.addi %mul3A_0, %add3A_96 : i32
      %dma_start3A_98 = arith.constant 0 : i32
      %dma_start3A_99 = tpu.memref_slice %arg4[%add3A_97, %dma_start3A_98] : memref<10240x128xf32, #tpu.memory_space<hbm>> -> memref<128x128xf32, #tpu.memory_space<hbm>>
      %dma_start3A_100 = arith.constant 0 : i32
      %dma_start3A_101 = tpu.memref_slice %arg4[%add3A_97, %dma_start3A_100] : memref<10240x128xf32, #tpu.memory_space<hbm>> -> memref<128x128xf32, #tpu.memory_space<hbm>>
      tpu.enqueue_dma source(%dma_start3A_101 : memref<128x128xf32, #tpu.memory_space<hbm>>) target(%arg10 : memref<128x128xf32, #tpu.memory_space<vmem>>) target_semaphore(%arg12 : memref<!tpu.dma_semaphore, #tpu.memory_space<semaphore_mem>>)
      "tpu.region"() ({
        %run_scoped3A = tpu.sem_alloc : memref<!tpu.dma_semaphore, #tpu.memory_space<semaphore_mem>>
        %dma_start3A_108 = arith.constant 0 : i32
        %dma_start3A_109 = tpu.memref_slice %arg8[%add3A_91, %dma_start3A_108] : memref<10240x128xf32, #tpu.memory_space<vmem_shared>> -> memref<128x128xf32, #tpu.memory_space<vmem_shared>>
        %dma_start3A_110 = arith.constant 0 : i32
        %dma_start3A_111 = tpu.memref_slice %arg8[%add3A_91, %dma_start3A_110] : memref<10240x128xf32, #tpu.memory_space<vmem_shared>> -> memref<128x128xf32, #tpu.memory_space<vmem_shared>>
        tpu.enqueue_dma source(%arg11 : memref<128x128xf32, #tpu.memory_space<vmem>>) target(%dma_start3A_111 : memref<128x128xf32, #tpu.memory_space<vmem_shared>>) target_semaphore(%run_scoped3A : memref<!tpu.dma_semaphore, #tpu.memory_space<semaphore_mem>>)
        %dma_wait3A_112 = arith.constant 0 : i32
        %dma_wait3A_113 = tpu.memref_slice %arg8[%add3A_91, %dma_wait3A_112] : memref<10240x128xf32, #tpu.memory_space<vmem_shared>> -> memref<128x128xf32, #tpu.memory_space<vmem_shared>>
        %dma_wait3A_114 = arith.constant 0 : i32
        %dma_wait3A_115 = tpu.memref_slice %arg8[%add3A_91, %dma_wait3A_114] : memref<10240x128xf32, #tpu.memory_space<vmem_shared>> -> memref<128x128xf32, #tpu.memory_space<vmem_shared>>
        tpu.wait_dma2 semaphore(%run_scoped3A : memref<!tpu.dma_semaphore, #tpu.memory_space<semaphore_mem>>) src(%arg11 : memref<128x128xf32, #tpu.memory_space<vmem>>) dst(%dma_wait3A_115 : memref<128x128xf32, #tpu.memory_space<vmem_shared>>)
        tpu.yield
      }) : () -> ()
      %add3A_102 = arith.constant 512 : i32
      %add3A_103 = arith.addi %mul3A_0, %add3A_102 : i32
      %dma_wait3A_104 = arith.constant 0 : i32
      %dma_wait3A_105 = tpu.memref_slice %arg4[%add3A_103, %dma_wait3A_104] : memref<10240x128xf32, #tpu.memory_space<hbm>> -> memref<128x128xf32, #tpu.memory_space<hbm>>
      %dma_wait3A_106 = arith.constant 0 : i32
      %dma_wait3A_107 = tpu.memref_slice %arg4[%add3A_103, %dma_wait3A_106] : memref<10240x128xf32, #tpu.memory_space<hbm>> -> memref<128x128xf32, #tpu.memory_space<hbm>>
      tpu.wait_dma2 semaphore(%arg12 : memref<!tpu.dma_semaphore, #tpu.memory_space<semaphore_mem>>) src(%dma_wait3A_107 : memref<128x128xf32, #tpu.memory_space<hbm>>) dst(%arg10 : memref<128x128xf32, #tpu.memory_space<vmem>>)
      "tpu.region"() ({
        %run_scoped3A = tpu.sem_alloc : memref<!tpu.dma_semaphore, #tpu.memory_space<semaphore_mem>>
        %dma_start3A_108 = arith.constant 0 : i32
        %dma_start3A_109 = tpu.memref_slice %arg8[%add3A_103, %dma_start3A_108] : memref<10240x128xf32, #tpu.memory_space<vmem_shared>> -> memref<128x128xf32, #tpu.memory_space<vmem_shared>>
        %dma_start3A_110 = arith.constant 0 : i32
        %dma_start3A_111 = tpu.memref_slice %arg8[%add3A_103, %dma_start3A_110] : memref<10240x128xf32, #tpu.memory_space<vmem_shared>> -> memref<128x128xf32, #tpu.memory_space<vmem_shared>>
        tpu.enqueue_dma source(%arg10 : memref<128x128xf32, #tpu.memory_space<vmem>>) target(%dma_start3A_111 : memref<128x128xf32, #tpu.memory_space<vmem_shared>>) target_semaphore(%run_scoped3A : memref<!tpu.dma_semaphore, #tpu.memory_space<semaphore_mem>>)
        %dma_wait3A_112 = arith.constant 0 : i32
        %dma_wait3A_113 = tpu.memref_slice %arg8[%add3A_103, %dma_wait3A_112] : memref<10240x128xf32, #tpu.memory_space<vmem_shared>> -> memref<128x128xf32, #tpu.memory_space<vmem_shared>>
        %dma_wait3A_114 = arith.constant 0 : i32
        %dma_wait3A_115 = tpu.memref_slice %arg8[%add3A_103, %dma_wait3A_114] : memref<10240x128xf32, #tpu.memory_space<vmem_shared>> -> memref<128x128xf32, #tpu.memory_space<vmem_shared>>
        tpu.wait_dma2 semaphore(%run_scoped3A : memref<!tpu.dma_semaphore, #tpu.memory_space<semaphore_mem>>) src(%arg10 : memref<128x128xf32, #tpu.memory_space<vmem>>) dst(%dma_wait3A_115 : memref<128x128xf32, #tpu.memory_space<vmem_shared>>)
        tpu.yield
      }) : () -> ()
    } else {
    }
    %eq3A_3 = arith.constant 1 : i32
    %eq3A_4 = arith.cmpi eq, %arg0, %eq3A_3 : i32
    %convert_element_type3A_5 = arith.extui %eq3A_4 : i1 to i32
    %cond3A_6 = arith.constant 0 : i32
    %cond3A_7 = arith.cmpi ne, %convert_element_type3A_5, %cond3A_6 : i32
    scf.if %cond3A_7 {
      %dma_start3A = arith.constant 0 : i32
      %dma_start3A_53 = tpu.memref_slice %arg5[%mul3A_0, %dma_start3A] : memref<10240x128xf32, #tpu.memory_space<hbm>> -> memref<128x128xf32, #tpu.memory_space<hbm>>
      %dma_start3A_54 = arith.constant 0 : i32
      %dma_start3A_55 = tpu.memref_slice %arg5[%mul3A_0, %dma_start3A_54] : memref<10240x128xf32, #tpu.memory_space<hbm>> -> memref<128x128xf32, #tpu.memory_space<hbm>>
      tpu.enqueue_dma source(%dma_start3A_55 : memref<128x128xf32, #tpu.memory_space<hbm>>) target(%arg10 : memref<128x128xf32, #tpu.memory_space<vmem>>) target_semaphore(%arg12 : memref<!tpu.dma_semaphore, #tpu.memory_space<semaphore_mem>>)
      %add3A = arith.constant 0 : i32
      %add3A_56 = arith.addi %mul3A_0, %add3A : i32
      %dma_wait3A = arith.constant 0 : i32
      %dma_wait3A_57 = tpu.memref_slice %arg5[%add3A_56, %dma_wait3A] : memref<10240x128xf32, #tpu.memory_space<hbm>> -> memref<128x128xf32, #tpu.memory_space<hbm>>
      %dma_wait3A_58 = arith.constant 0 : i32
      %dma_wait3A_59 = tpu.memref_slice %arg5[%add3A_56, %dma_wait3A_58] : memref<10240x128xf32, #tpu.memory_space<hbm>> -> memref<128x128xf32, #tpu.memory_space<hbm>>
      tpu.wait_dma2 semaphore(%arg12 : memref<!tpu.dma_semaphore, #tpu.memory_space<semaphore_mem>>) src(%dma_wait3A_59 : memref<128x128xf32, #tpu.memory_space<hbm>>) dst(%arg10 : memref<128x128xf32, #tpu.memory_space<vmem>>)
      %add3A_60 = arith.constant 128 : i32
      %add3A_61 = arith.addi %mul3A_0, %add3A_60 : i32
      %dma_start3A_62 = arith.constant 0 : i32
      %dma_start3A_63 = tpu.memref_slice %arg5[%add3A_61, %dma_start3A_62] : memref<10240x128xf32, #tpu.memory_space<hbm>> -> memref<128x128xf32, #tpu.memory_space<hbm>>
      %dma_start3A_64 = arith.constant 0 : i32
      %dma_start3A_65 = tpu.memref_slice %arg5[%add3A_61, %dma_start3A_64] : memref<10240x128xf32, #tpu.memory_space<hbm>> -> memref<128x128xf32, #tpu.memory_space<hbm>>
      tpu.enqueue_dma source(%dma_start3A_65 : memref<128x128xf32, #tpu.memory_space<hbm>>) target(%arg11 : memref<128x128xf32, #tpu.memory_space<vmem>>) target_semaphore(%arg13 : memref<!tpu.dma_semaphore, #tpu.memory_space<semaphore_mem>>)
      "tpu.region"() ({
        %run_scoped3A = tpu.sem_alloc : memref<!tpu.dma_semaphore, #tpu.memory_space<semaphore_mem>>
        %dma_start3A_108 = arith.constant 0 : i32
        %dma_start3A_109 = tpu.memref_slice %arg8[%add3A_56, %dma_start3A_108] : memref<10240x128xf32, #tpu.memory_space<vmem_shared>> -> memref<128x128xf32, #tpu.memory_space<vmem_shared>>
        %dma_start3A_110 = arith.constant 0 : i32
        %dma_start3A_111 = tpu.memref_slice %arg8[%add3A_56, %dma_start3A_110] : memref<10240x128xf32, #tpu.memory_space<vmem_shared>> -> memref<128x128xf32, #tpu.memory_space<vmem_shared>>
        tpu.enqueue_dma source(%arg10 : memref<128x128xf32, #tpu.memory_space<vmem>>) target(%dma_start3A_111 : memref<128x128xf32, #tpu.memory_space<vmem_shared>>) target_semaphore(%run_scoped3A : memref<!tpu.dma_semaphore, #tpu.memory_space<semaphore_mem>>)
        %dma_wait3A_112 = arith.constant 0 : i32
        %dma_wait3A_113 = tpu.memref_slice %arg8[%add3A_56, %dma_wait3A_112] : memref<10240x128xf32, #tpu.memory_space<vmem_shared>> -> memref<128x128xf32, #tpu.memory_space<vmem_shared>>
        %dma_wait3A_114 = arith.constant 0 : i32
        %dma_wait3A_115 = tpu.memref_slice %arg8[%add3A_56, %dma_wait3A_114] : memref<10240x128xf32, #tpu.memory_space<vmem_shared>> -> memref<128x128xf32, #tpu.memory_space<vmem_shared>>
        tpu.wait_dma2 semaphore(%run_scoped3A : memref<!tpu.dma_semaphore, #tpu.memory_space<semaphore_mem>>) src(%arg10 : memref<128x128xf32, #tpu.memory_space<vmem>>) dst(%dma_wait3A_115 : memref<128x128xf32, #tpu.memory_space<vmem_shared>>)
        tpu.yield
      }) : () -> ()
      %add3A_66 = arith.constant 128 : i32
      %add3A_67 = arith.addi %mul3A_0, %add3A_66 : i32
      %dma_wait3A_68 = arith.constant 0 : i32
      %dma_wait3A_69 = tpu.memref_slice %arg5[%add3A_67, %dma_wait3A_68] : memref<10240x128xf32, #tpu.memory_space<hbm>> -> memref<128x128xf32, #tpu.memory_space<hbm>>
      %dma_wait3A_70 = arith.constant 0 : i32
      %dma_wait3A_71 = tpu.memref_slice %arg5[%add3A_67, %dma_wait3A_70] : memref<10240x128xf32, #tpu.memory_space<hbm>> -> memref<128x128xf32, #tpu.memory_space<hbm>>
      tpu.wait_dma2 semaphore(%arg13 : memref<!tpu.dma_semaphore, #tpu.memory_space<semaphore_mem>>) src(%dma_wait3A_71 : memref<128x128xf32, #tpu.memory_space<hbm>>) dst(%arg11 : memref<128x128xf32, #tpu.memory_space<vmem>>)
      %add3A_72 = arith.constant 256 : i32
      %add3A_73 = arith.addi %mul3A_0, %add3A_72 : i32
      %dma_start3A_74 = arith.constant 0 : i32
      %dma_start3A_75 = tpu.memref_slice %arg5[%add3A_73, %dma_start3A_74] : memref<10240x128xf32, #tpu.memory_space<hbm>> -> memref<128x128xf32, #tpu.memory_space<hbm>>
      %dma_start3A_76 = arith.constant 0 : i32
      %dma_start3A_77 = tpu.memref_slice %arg5[%add3A_73, %dma_start3A_76] : memref<10240x128xf32, #tpu.memory_space<hbm>> -> memref<128x128xf32, #tpu.memory_space<hbm>>
      tpu.enqueue_dma source(%dma_start3A_77 : memref<128x128xf32, #tpu.memory_space<hbm>>) target(%arg10 : memref<128x128xf32, #tpu.memory_space<vmem>>) target_semaphore(%arg12 : memref<!tpu.dma_semaphore, #tpu.memory_space<semaphore_mem>>)
      "tpu.region"() ({
        %run_scoped3A = tpu.sem_alloc : memref<!tpu.dma_semaphore, #tpu.memory_space<semaphore_mem>>
        %dma_start3A_108 = arith.constant 0 : i32
        %dma_start3A_109 = tpu.memref_slice %arg8[%add3A_67, %dma_start3A_108] : memref<10240x128xf32, #tpu.memory_space<vmem_shared>> -> memref<128x128xf32, #tpu.memory_space<vmem_shared>>
        %dma_start3A_110 = arith.constant 0 : i32
        %dma_start3A_111 = tpu.memref_slice %arg8[%add3A_67, %dma_start3A_110] : memref<10240x128xf32, #tpu.memory_space<vmem_shared>> -> memref<128x128xf32, #tpu.memory_space<vmem_shared>>
        tpu.enqueue_dma source(%arg11 : memref<128x128xf32, #tpu.memory_space<vmem>>) target(%dma_start3A_111 : memref<128x128xf32, #tpu.memory_space<vmem_shared>>) target_semaphore(%run_scoped3A : memref<!tpu.dma_semaphore, #tpu.memory_space<semaphore_mem>>)
        %dma_wait3A_112 = arith.constant 0 : i32
        %dma_wait3A_113 = tpu.memref_slice %arg8[%add3A_67, %dma_wait3A_112] : memref<10240x128xf32, #tpu.memory_space<vmem_shared>> -> memref<128x128xf32, #tpu.memory_space<vmem_shared>>
        %dma_wait3A_114 = arith.constant 0 : i32
        %dma_wait3A_115 = tpu.memref_slice %arg8[%add3A_67, %dma_wait3A_114] : memref<10240x128xf32, #tpu.memory_space<vmem_shared>> -> memref<128x128xf32, #tpu.memory_space<vmem_shared>>
        tpu.wait_dma2 semaphore(%run_scoped3A : memref<!tpu.dma_semaphore, #tpu.memory_space<semaphore_mem>>) src(%arg11 : memref<128x128xf32, #tpu.memory_space<vmem>>) dst(%dma_wait3A_115 : memref<128x128xf32, #tpu.memory_space<vmem_shared>>)
        tpu.yield
      }) : () -> ()
      %add3A_78 = arith.constant 256 : i32
      %add3A_79 = arith.addi %mul3A_0, %add3A_78 : i32
      %dma_wait3A_80 = arith.constant 0 : i32
      %dma_wait3A_81 = tpu.memref_slice %arg5[%add3A_79, %dma_wait3A_80] : memref<10240x128xf32, #tpu.memory_space<hbm>> -> memref<128x128xf32, #tpu.memory_space<hbm>>
      %dma_wait3A_82 = arith.constant 0 : i32
      %dma_wait3A_83 = tpu.memref_slice %arg5[%add3A_79, %dma_wait3A_82] : memref<10240x128xf32, #tpu.memory_space<hbm>> -> memref<128x128xf32, #tpu.memory_space<hbm>>
      tpu.wait_dma2 semaphore(%arg12 : memref<!tpu.dma_semaphore, #tpu.memory_space<semaphore_mem>>) src(%dma_wait3A_83 : memref<128x128xf32, #tpu.memory_space<hbm>>) dst(%arg10 : memref<128x128xf32, #tpu.memory_space<vmem>>)
      %add3A_84 = arith.constant 384 : i32
      %add3A_85 = arith.addi %mul3A_0, %add3A_84 : i32
      %dma_start3A_86 = arith.constant 0 : i32
      %dma_start3A_87 = tpu.memref_slice %arg5[%add3A_85, %dma_start3A_86] : memref<10240x128xf32, #tpu.memory_space<hbm>> -> memref<128x128xf32, #tpu.memory_space<hbm>>
      %dma_start3A_88 = arith.constant 0 : i32
      %dma_start3A_89 = tpu.memref_slice %arg5[%add3A_85, %dma_start3A_88] : memref<10240x128xf32, #tpu.memory_space<hbm>> -> memref<128x128xf32, #tpu.memory_space<hbm>>
      tpu.enqueue_dma source(%dma_start3A_89 : memref<128x128xf32, #tpu.memory_space<hbm>>) target(%arg11 : memref<128x128xf32, #tpu.memory_space<vmem>>) target_semaphore(%arg13 : memref<!tpu.dma_semaphore, #tpu.memory_space<semaphore_mem>>)
      "tpu.region"() ({
        %run_scoped3A = tpu.sem_alloc : memref<!tpu.dma_semaphore, #tpu.memory_space<semaphore_mem>>
        %dma_start3A_108 = arith.constant 0 : i32
        %dma_start3A_109 = tpu.memref_slice %arg8[%add3A_79, %dma_start3A_108] : memref<10240x128xf32, #tpu.memory_space<vmem_shared>> -> memref<128x128xf32, #tpu.memory_space<vmem_shared>>
        %dma_start3A_110 = arith.constant 0 : i32
        %dma_start3A_111 = tpu.memref_slice %arg8[%add3A_79, %dma_start3A_110] : memref<10240x128xf32, #tpu.memory_space<vmem_shared>> -> memref<128x128xf32, #tpu.memory_space<vmem_shared>>
        tpu.enqueue_dma source(%arg10 : memref<128x128xf32, #tpu.memory_space<vmem>>) target(%dma_start3A_111 : memref<128x128xf32, #tpu.memory_space<vmem_shared>>) target_semaphore(%run_scoped3A : memref<!tpu.dma_semaphore, #tpu.memory_space<semaphore_mem>>)
        %dma_wait3A_112 = arith.constant 0 : i32
        %dma_wait3A_113 = tpu.memref_slice %arg8[%add3A_79, %dma_wait3A_112] : memref<10240x128xf32, #tpu.memory_space<vmem_shared>> -> memref<128x128xf32, #tpu.memory_space<vmem_shared>>
        %dma_wait3A_114 = arith.constant 0 : i32
        %dma_wait3A_115 = tpu.memref_slice %arg8[%add3A_79, %dma_wait3A_114] : memref<10240x128xf32, #tpu.memory_space<vmem_shared>> -> memref<128x128xf32, #tpu.memory_space<vmem_shared>>
        tpu.wait_dma2 semaphore(%run_scoped3A : memref<!tpu.dma_semaphore, #tpu.memory_space<semaphore_mem>>) src(%arg10 : memref<128x128xf32, #tpu.memory_space<vmem>>) dst(%dma_wait3A_115 : memref<128x128xf32, #tpu.memory_space<vmem_shared>>)
        tpu.yield
      }) : () -> ()
      %add3A_90 = arith.constant 384 : i32
      %add3A_91 = arith.addi %mul3A_0, %add3A_90 : i32
      %dma_wait3A_92 = arith.constant 0 : i32
      %dma_wait3A_93 = tpu.memref_slice %arg5[%add3A_91, %dma_wait3A_92] : memref<10240x128xf32, #tpu.memory_space<hbm>> -> memref<128x128xf32, #tpu.memory_space<hbm>>
      %dma_wait3A_94 = arith.constant 0 : i32
      %dma_wait3A_95 = tpu.memref_slice %arg5[%add3A_91, %dma_wait3A_94] : memref<10240x128xf32, #tpu.memory_space<hbm>> -> memref<128x128xf32, #tpu.memory_space<hbm>>
      tpu.wait_dma2 semaphore(%arg13 : memref<!tpu.dma_semaphore, #tpu.memory_space<semaphore_mem>>) src(%dma_wait3A_95 : memref<128x128xf32, #tpu.memory_space<hbm>>) dst(%arg11 : memref<128x128xf32, #tpu.memory_space<vmem>>)
      %add3A_96 = arith.constant 512 : i32
      %add3A_97 = arith.addi %mul3A_0, %add3A_96 : i32
      %dma_start3A_98 = arith.constant 0 : i32
      %dma_start3A_99 = tpu.memref_slice %arg5[%add3A_97, %dma_start3A_98] : memref<10240x128xf32, #tpu.memory_space<hbm>> -> memref<128x128xf32, #tpu.memory_space<hbm>>
      %dma_start3A_100 = arith.constant 0 : i32
      %dma_start3A_101 = tpu.memref_slice %arg5[%add3A_97, %dma_start3A_100] : memref<10240x128xf32, #tpu.memory_space<hbm>> -> memref<128x128xf32, #tpu.memory_space<hbm>>
      tpu.enqueue_dma source(%dma_start3A_101 : memref<128x128xf32, #tpu.memory_space<hbm>>) target(%arg10 : memref<128x128xf32, #tpu.memory_space<vmem>>) target_semaphore(%arg12 : memref<!tpu.dma_semaphore, #tpu.memory_space<semaphore_mem>>)
      "tpu.region"() ({
        %run_scoped3A = tpu.sem_alloc : memref<!tpu.dma_semaphore, #tpu.memory_space<semaphore_mem>>
        %dma_start3A_108 = arith.constant 0 : i32
        %dma_start3A_109 = tpu.memref_slice %arg8[%add3A_91, %dma_start3A_108] : memref<10240x128xf32, #tpu.memory_space<vmem_shared>> -> memref<128x128xf32, #tpu.memory_space<vmem_shared>>
        %dma_start3A_110 = arith.constant 0 : i32
        %dma_start3A_111 = tpu.memref_slice %arg8[%add3A_91, %dma_start3A_110] : memref<10240x128xf32, #tpu.memory_space<vmem_shared>> -> memref<128x128xf32, #tpu.memory_space<vmem_shared>>
        tpu.enqueue_dma source(%arg11 : memref<128x128xf32, #tpu.memory_space<vmem>>) target(%dma_start3A_111 : memref<128x128xf32, #tpu.memory_space<vmem_shared>>) target_semaphore(%run_scoped3A : memref<!tpu.dma_semaphore, #tpu.memory_space<semaphore_mem>>)
        %dma_wait3A_112 = arith.constant 0 : i32
        %dma_wait3A_113 = tpu.memref_slice %arg8[%add3A_91, %dma_wait3A_112] : memref<10240x128xf32, #tpu.memory_space<vmem_shared>> -> memref<128x128xf32, #tpu.memory_space<vmem_shared>>
        %dma_wait3A_114 = arith.constant 0 : i32
        %dma_wait3A_115 = tpu.memref_slice %arg8[%add3A_91, %dma_wait3A_114] : memref<10240x128xf32, #tpu.memory_space<vmem_shared>> -> memref<128x128xf32, #tpu.memory_space<vmem_shared>>
        tpu.wait_dma2 semaphore(%run_scoped3A : memref<!tpu.dma_semaphore, #tpu.memory_space<semaphore_mem>>) src(%arg11 : memref<128x128xf32, #tpu.memory_space<vmem>>) dst(%dma_wait3A_115 : memref<128x128xf32, #tpu.memory_space<vmem_shared>>)
        tpu.yield
      }) : () -> ()
      %add3A_102 = arith.constant 512 : i32
      %add3A_103 = arith.addi %mul3A_0, %add3A_102 : i32
      %dma_wait3A_104 = arith.constant 0 : i32
      %dma_wait3A_105 = tpu.memref_slice %arg5[%add3A_103, %dma_wait3A_104] : memref<10240x128xf32, #tpu.memory_space<hbm>> -> memref<128x128xf32, #tpu.memory_space<hbm>>
      %dma_wait3A_106 = arith.constant 0 : i32
      %dma_wait3A_107 = tpu.memref_slice %arg5[%add3A_103, %dma_wait3A_106] : memref<10240x128xf32, #tpu.memory_space<hbm>> -> memref<128x128xf32, #tpu.memory_space<hbm>>
      tpu.wait_dma2 semaphore(%arg12 : memref<!tpu.dma_semaphore, #tpu.memory_space<semaphore_mem>>) src(%dma_wait3A_107 : memref<128x128xf32, #tpu.memory_space<hbm>>) dst(%arg10 : memref<128x128xf32, #tpu.memory_space<vmem>>)
      "tpu.region"() ({
        %run_scoped3A = tpu.sem_alloc : memref<!tpu.dma_semaphore, #tpu.memory_space<semaphore_mem>>
        %dma_start3A_108 = arith.constant 0 : i32
        %dma_start3A_109 = tpu.memref_slice %arg8[%add3A_103, %dma_start3A_108] : memref<10240x128xf32, #tpu.memory_space<vmem_shared>> -> memref<128x128xf32, #tpu.memory_space<vmem_shared>>
        %dma_start3A_110 = arith.constant 0 : i32
        %dma_start3A_111 = tpu.memref_slice %arg8[%add3A_103, %dma_start3A_110] : memref<10240x128xf32, #tpu.memory_space<vmem_shared>> -> memref<128x128xf32, #tpu.memory_space<vmem_shared>>
        tpu.enqueue_dma source(%arg10 : memref<128x128xf32, #tpu.memory_space<vmem>>) target(%dma_start3A_111 : memref<128x128xf32, #tpu.memory_space<vmem_shared>>) target_semaphore(%run_scoped3A : memref<!tpu.dma_semaphore, #tpu.memory_space<semaphore_mem>>)
        %dma_wait3A_112 = arith.constant 0 : i32
        %dma_wait3A_113 = tpu.memref_slice %arg8[%add3A_103, %dma_wait3A_112] : memref<10240x128xf32, #tpu.memory_space<vmem_shared>> -> memref<128x128xf32, #tpu.memory_space<vmem_shared>>
        %dma_wait3A_114 = arith.constant 0 : i32
        %dma_wait3A_115 = tpu.memref_slice %arg8[%add3A_103, %dma_wait3A_114] : memref<10240x128xf32, #tpu.memory_space<vmem_shared>> -> memref<128x128xf32, #tpu.memory_space<vmem_shared>>
        tpu.wait_dma2 semaphore(%run_scoped3A : memref<!tpu.dma_semaphore, #tpu.memory_space<semaphore_mem>>) src(%arg10 : memref<128x128xf32, #tpu.memory_space<vmem>>) dst(%dma_wait3A_115 : memref<128x128xf32, #tpu.memory_space<vmem_shared>>)
        tpu.yield
      }) : () -> ()
    } else {
    }
    %barrier3A = arith.constant 0 : index
    tpu.barrier barrier_id(%barrier3A)
    %eq3A_8 = arith.constant 0 : i32
    %eq3A_9 = arith.cmpi eq, %arg0, %eq3A_8 : i32
    %convert_element_type3A_10 = arith.extui %eq3A_9 : i1 to i32
    %cond3A_11 = arith.constant 0 : i32
    %cond3A_12 = arith.cmpi ne, %convert_element_type3A_10, %cond3A_11 : i32
    scf.if %cond3A_12 {
      %mul3A_53 = arith.constant 80 : i32
      %mul3A_54 = arith.muli %arg1, %mul3A_53 : i32
      %add3A = arith.constant 0 : i32
      %add3A_55 = arith.addi %mul3A_54, %add3A : i32
      "tpu.region"() ({
        %run_scoped3A = tpu.sem_alloc : memref<!tpu.dma_semaphore, #tpu.memory_space<semaphore_mem>>
        %dma_start3A_86 = arith.constant 0 : i32
        %dma_start3A_87 = arith.constant 0 : i32
        %dma_start3A_88 = tpu.memref_slice %arg6[%add3A_55, %dma_start3A_86, %dma_start3A_87] : memref<1280x2x128xi32, #tpu.memory_space<hbm>> -> memref<40x2x128xi32, #tpu.memory_space<hbm>>
        %dma_start3A_89 = arith.constant 0 : i32
        %dma_start3A_90 = arith.constant 0 : i32
        %dma_start3A_91 = tpu.memref_slice %arg6[%add3A_55, %dma_start3A_89, %dma_start3A_90] : memref<1280x2x128xi32, #tpu.memory_space<hbm>> -> memref<40x2x128xi32, #tpu.memory_space<hbm>>
        tpu.enqueue_dma source(%dma_start3A_91 : memref<40x2x128xi32, #tpu.memory_space<hbm>>) target(%arg9 : memref<40x2x128xi32, #tpu.memory_space<vmem>>) target_semaphore(%run_scoped3A : memref<!tpu.dma_semaphore, #tpu.memory_space<semaphore_mem>>)
        %dma_wait3A = arith.constant 0 : i32
        %dma_wait3A_92 = arith.constant 0 : i32
        %dma_wait3A_93 = tpu.memref_slice %arg6[%add3A_55, %dma_wait3A, %dma_wait3A_92] : memref<1280x2x128xi32, #tpu.memory_space<hbm>> -> memref<40x2x128xi32, #tpu.memory_space<hbm>>
        %dma_wait3A_94 = arith.constant 0 : i32
        %dma_wait3A_95 = arith.constant 0 : i32
        %dma_wait3A_96 = tpu.memref_slice %arg6[%add3A_55, %dma_wait3A_94, %dma_wait3A_95] : memref<1280x2x128xi32, #tpu.memory_space<hbm>> -> memref<40x2x128xi32, #tpu.memory_space<hbm>>
        tpu.wait_dma2 semaphore(%run_scoped3A : memref<!tpu.dma_semaphore, #tpu.memory_space<semaphore_mem>>) src(%dma_wait3A_96 : memref<40x2x128xi32, #tpu.memory_space<hbm>>) dst(%arg9 : memref<40x2x128xi32, #tpu.memory_space<vmem>>)
        tpu.yield
      }) : () -> ()
      %dma_start3A = arith.constant 0 : i32
      %dma_start3A_56 = arith.constant 0 : i32
      %dma_start3A_57 = arith.constant 0 : i32
      %dma_start3A_58 = tpu.memref_slice %arg9[%dma_start3A, %dma_start3A_56, %dma_start3A_57] : memref<40x2x128xi32, #tpu.memory_space<vmem>> -> memref<1x1x128xi32, #tpu.memory_space<vmem>>
      %dma_start3A_59 = tpu.memref_squeeze %dma_start3A_58 : memref<1x1x128xi32, #tpu.memory_space<vmem>> -> memref<128xi32, #tpu.memory_space<vmem>>
      %dma_start3A_60 = arith.constant 0 : i32
      %dma_start3A_61 = arith.constant 0 : i32
      %dma_start3A_62 = tpu.memref_slice %arg2[%dma_start3A_60, %dma_start3A_61] : memref<10240x128xf32, #tpu.memory_space<hbm>> -> memref<10240x128xf32, #tpu.memory_space<hbm>>
      tpu.enqueue_indirect_dma source(%dma_start3A_62 : memref<10240x128xf32, #tpu.memory_space<hbm>>) target(%arg10 : memref<128x128xf32, #tpu.memory_space<vmem>>) offsets(%dma_start3A_59 : memref<128xi32, #tpu.memory_space<vmem>>) semaphore(%arg12 : memref<!tpu.dma_semaphore, #tpu.memory_space<semaphore_mem>>)
      %scan3A = arith.constant 0 : i32
      %scan3A_63 = arith.constant 0 : i32
      %scan3A_64 = arith.constant 20 : i32
      %scan3A_65 = arith.addi %scan3A_63, %scan3A_64 : i32
      %scan3A_66 = arith.constant 1 : i32
      scf.for %scan3A_86 = %scan3A_63 to %scan3A_65 step %scan3A_66  : i32 {
        %mul3A_87 = arith.constant 2 : i32
        %mul3A_88 = arith.muli %scan3A_86, %mul3A_87 : i32
        %dma_wait3A = arith.constant 0 : i32
        %dma_wait3A_89 = arith.constant 0 : i32
        %dma_wait3A_90 = arith.constant 0 : i32
        %dma_wait3A_91 = tpu.memref_slice %arg9[%dma_wait3A, %dma_wait3A_89, %dma_wait3A_90] : memref<40x2x128xi32, #tpu.memory_space<vmem>> -> memref<1x1x128xi32, #tpu.memory_space<vmem>>
        %dma_wait3A_92 = tpu.memref_squeeze %dma_wait3A_91 : memref<1x1x128xi32, #tpu.memory_space<vmem>> -> memref<128xi32, #tpu.memory_space<vmem>>
        %dma_wait3A_93 = arith.constant 0 : i32
        %dma_wait3A_94 = arith.constant 0 : i32
        %dma_wait3A_95 = tpu.memref_slice %arg2[%dma_wait3A_93, %dma_wait3A_94] : memref<10240x128xf32, #tpu.memory_space<hbm>> -> memref<10240x128xf32, #tpu.memory_space<hbm>>
        tpu.wait_indirect_dma semaphore(%arg12 : memref<!tpu.dma_semaphore, #tpu.memory_space<semaphore_mem>>) src(%dma_wait3A_95 : memref<10240x128xf32, #tpu.memory_space<hbm>>) dst(%arg10 : memref<128x128xf32, #tpu.memory_space<vmem>>)
        %add3A_96 = arith.constant 1 : i32
        %add3A_97 = arith.addi %mul3A_88, %add3A_96 : i32
        %dma_start3A_98 = arith.constant 0 : i32
        %dma_start3A_99 = arith.constant 0 : i32
        %dma_start3A_100 = tpu.memref_slice %arg9[%add3A_97, %dma_start3A_98, %dma_start3A_99] : memref<40x2x128xi32, #tpu.memory_space<vmem>> -> memref<1x1x128xi32, #tpu.memory_space<vmem>>
        %dma_start3A_101 = tpu.memref_squeeze %dma_start3A_100 : memref<1x1x128xi32, #tpu.memory_space<vmem>> -> memref<128xi32, #tpu.memory_space<vmem>>
        %dma_start3A_102 = arith.constant 0 : i32
        %dma_start3A_103 = arith.constant 0 : i32
        %dma_start3A_104 = tpu.memref_slice %arg2[%dma_start3A_102, %dma_start3A_103] : memref<10240x128xf32, #tpu.memory_space<hbm>> -> memref<10240x128xf32, #tpu.memory_space<hbm>>
        tpu.enqueue_indirect_dma source(%dma_start3A_104 : memref<10240x128xf32, #tpu.memory_space<hbm>>) target(%arg11 : memref<128x128xf32, #tpu.memory_space<vmem>>) offsets(%dma_start3A_101 : memref<128xi32, #tpu.memory_space<vmem>>) semaphore(%arg13 : memref<!tpu.dma_semaphore, #tpu.memory_space<semaphore_mem>>)
        %run_scoped3A = arith.constant 1 : i32
        "tpu.region"() ({
          %run_scoped3A_121 = tpu.sem_alloc : memref<!tpu.dma_semaphore, #tpu.memory_space<semaphore_mem>>
          %dma_start3A_122 = arith.constant 0 : i32
          %dma_start3A_123 = tpu.memref_slice %arg9[%mul3A_88, %run_scoped3A, %dma_start3A_122] : memref<40x2x128xi32, #tpu.memory_space<vmem>> -> memref<1x1x128xi32, #tpu.memory_space<vmem>>
          %dma_start3A_124 = tpu.memref_squeeze %dma_start3A_123 : memref<1x1x128xi32, #tpu.memory_space<vmem>> -> memref<128xi32, #tpu.memory_space<vmem>>
          %dma_start3A_125 = arith.constant 0 : i32
          %dma_start3A_126 = arith.constant 0 : i32
          %dma_start3A_127 = tpu.memref_slice %arg8[%dma_start3A_125, %dma_start3A_126] : memref<10240x128xf32, #tpu.memory_space<vmem_shared>> -> memref<10240x128xf32, #tpu.memory_space<vmem_shared>>
          tpu.enqueue_indirect_dma source(%arg10 : memref<128x128xf32, #tpu.memory_space<vmem>>) target(%dma_start3A_127 : memref<10240x128xf32, #tpu.memory_space<vmem_shared>>) offsets(%dma_start3A_124 : memref<128xi32, #tpu.memory_space<vmem>>) semaphore(%run_scoped3A_121 : memref<!tpu.dma_semaphore, #tpu.memory_space<semaphore_mem>>) {add = true}
          %dma_wait3A_128 = arith.constant 0 : i32
          %dma_wait3A_129 = tpu.memref_slice %arg9[%mul3A_88, %run_scoped3A, %dma_wait3A_128] : memref<40x2x128xi32, #tpu.memory_space<vmem>> -> memref<1x1x128xi32, #tpu.memory_space<vmem>>
          %dma_wait3A_130 = tpu.memref_squeeze %dma_wait3A_129 : memref<1x1x128xi32, #tpu.memory_space<vmem>> -> memref<128xi32, #tpu.memory_space<vmem>>
          %dma_wait3A_131 = arith.constant 0 : i32
          %dma_wait3A_132 = arith.constant 0 : i32
          %dma_wait3A_133 = tpu.memref_slice %arg8[%dma_wait3A_131, %dma_wait3A_132] : memref<10240x128xf32, #tpu.memory_space<vmem_shared>> -> memref<10240x128xf32, #tpu.memory_space<vmem_shared>>
          tpu.wait_indirect_dma semaphore(%run_scoped3A_121 : memref<!tpu.dma_semaphore, #tpu.memory_space<semaphore_mem>>) src(%arg10 : memref<128x128xf32, #tpu.memory_space<vmem>>) dst(%dma_wait3A_133 : memref<10240x128xf32, #tpu.memory_space<vmem_shared>>)
          tpu.yield
        }) : () -> ()
        %dma_wait3A_105 = arith.constant 0 : i32
        %dma_wait3A_106 = arith.constant 0 : i32
        %dma_wait3A_107 = arith.constant 0 : i32
        %dma_wait3A_108 = tpu.memref_slice %arg9[%dma_wait3A_105, %dma_wait3A_106, %dma_wait3A_107] : memref<40x2x128xi32, #tpu.memory_space<vmem>> -> memref<1x1x128xi32, #tpu.memory_space<vmem>>
        %dma_wait3A_109 = tpu.memref_squeeze %dma_wait3A_108 : memref<1x1x128xi32, #tpu.memory_space<vmem>> -> memref<128xi32, #tpu.memory_space<vmem>>
        %dma_wait3A_110 = arith.constant 0 : i32
        %dma_wait3A_111 = arith.constant 0 : i32
        %dma_wait3A_112 = tpu.memref_slice %arg2[%dma_wait3A_110, %dma_wait3A_111] : memref<10240x128xf32, #tpu.memory_space<hbm>> -> memref<10240x128xf32, #tpu.memory_space<hbm>>
        tpu.wait_indirect_dma semaphore(%arg13 : memref<!tpu.dma_semaphore, #tpu.memory_space<semaphore_mem>>) src(%dma_wait3A_112 : memref<10240x128xf32, #tpu.memory_space<hbm>>) dst(%arg11 : memref<128x128xf32, #tpu.memory_space<vmem>>)
        %lt3A_113 = arith.constant 19 : i32
        %lt3A_114 = arith.cmpi slt, %scan3A_86, %lt3A_113 : i32
        %convert_element_type3A_115 = arith.extui %lt3A_114 : i1 to i32
        %cond3A_116 = arith.constant 0 : i32
        %cond3A_117 = arith.cmpi ne, %convert_element_type3A_115, %cond3A_116 : i32
        scf.if %cond3A_117 {
          %add3A_121 = arith.constant 2 : i32
          %add3A_122 = arith.addi %mul3A_88, %add3A_121 : i32
          %dma_start3A_123 = arith.constant 0 : i32
          %dma_start3A_124 = arith.constant 0 : i32
          %dma_start3A_125 = tpu.memref_slice %arg9[%add3A_122, %dma_start3A_123, %dma_start3A_124] : memref<40x2x128xi32, #tpu.memory_space<vmem>> -> memref<1x1x128xi32, #tpu.memory_space<vmem>>
          %dma_start3A_126 = tpu.memref_squeeze %dma_start3A_125 : memref<1x1x128xi32, #tpu.memory_space<vmem>> -> memref<128xi32, #tpu.memory_space<vmem>>
          %dma_start3A_127 = arith.constant 0 : i32
          %dma_start3A_128 = arith.constant 0 : i32
          %dma_start3A_129 = tpu.memref_slice %arg2[%dma_start3A_127, %dma_start3A_128] : memref<10240x128xf32, #tpu.memory_space<hbm>> -> memref<10240x128xf32, #tpu.memory_space<hbm>>
          tpu.enqueue_indirect_dma source(%dma_start3A_129 : memref<10240x128xf32, #tpu.memory_space<hbm>>) target(%arg10 : memref<128x128xf32, #tpu.memory_space<vmem>>) offsets(%dma_start3A_126 : memref<128xi32, #tpu.memory_space<vmem>>) semaphore(%arg12 : memref<!tpu.dma_semaphore, #tpu.memory_space<semaphore_mem>>)
        } else {
        }
        %add3A_118 = arith.constant 1 : i32
        %add3A_119 = arith.addi %mul3A_88, %add3A_118 : i32
        %run_scoped3A_120 = arith.constant 1 : i32
        "tpu.region"() ({
          %run_scoped3A_121 = tpu.sem_alloc : memref<!tpu.dma_semaphore, #tpu.memory_space<semaphore_mem>>
          %dma_start3A_122 = arith.constant 0 : i32
          %dma_start3A_123 = tpu.memref_slice %arg9[%add3A_119, %run_scoped3A_120, %dma_start3A_122] : memref<40x2x128xi32, #tpu.memory_space<vmem>> -> memref<1x1x128xi32, #tpu.memory_space<vmem>>
          %dma_start3A_124 = tpu.memref_squeeze %dma_start3A_123 : memref<1x1x128xi32, #tpu.memory_space<vmem>> -> memref<128xi32, #tpu.memory_space<vmem>>
          %dma_start3A_125 = arith.constant 0 : i32
          %dma_start3A_126 = arith.constant 0 : i32
          %dma_start3A_127 = tpu.memref_slice %arg8[%dma_start3A_125, %dma_start3A_126] : memref<10240x128xf32, #tpu.memory_space<vmem_shared>> -> memref<10240x128xf32, #tpu.memory_space<vmem_shared>>
          tpu.enqueue_indirect_dma source(%arg11 : memref<128x128xf32, #tpu.memory_space<vmem>>) target(%dma_start3A_127 : memref<10240x128xf32, #tpu.memory_space<vmem_shared>>) offsets(%dma_start3A_124 : memref<128xi32, #tpu.memory_space<vmem>>) semaphore(%run_scoped3A_121 : memref<!tpu.dma_semaphore, #tpu.memory_space<semaphore_mem>>) {add = true}
          %dma_wait3A_128 = arith.constant 0 : i32
          %dma_wait3A_129 = tpu.memref_slice %arg9[%add3A_119, %run_scoped3A_120, %dma_wait3A_128] : memref<40x2x128xi32, #tpu.memory_space<vmem>> -> memref<1x1x128xi32, #tpu.memory_space<vmem>>
          %dma_wait3A_130 = tpu.memref_squeeze %dma_wait3A_129 : memref<1x1x128xi32, #tpu.memory_space<vmem>> -> memref<128xi32, #tpu.memory_space<vmem>>
          %dma_wait3A_131 = arith.constant 0 : i32
          %dma_wait3A_132 = arith.constant 0 : i32
          %dma_wait3A_133 = tpu.memref_slice %arg8[%dma_wait3A_131, %dma_wait3A_132] : memref<10240x128xf32, #tpu.memory_space<vmem_shared>> -> memref<10240x128xf32, #tpu.memory_space<vmem_shared>>
          tpu.wait_indirect_dma semaphore(%run_scoped3A_121 : memref<!tpu.dma_semaphore, #tpu.memory_space<semaphore_mem>>) src(%arg11 : memref<128x128xf32, #tpu.memory_space<vmem>>) dst(%dma_wait3A_133 : memref<10240x128xf32, #tpu.memory_space<vmem_shared>>)
          tpu.yield
        }) : () -> ()
      }
      %scan3A_67 = arith.constant 20 : i32
      %mul3A_68 = arith.constant 80 : i32
      %mul3A_69 = arith.muli %arg1, %mul3A_68 : i32
      %add3A_70 = arith.constant 40 : i32
      %add3A_71 = arith.addi %mul3A_69, %add3A_70 : i32
      "tpu.region"() ({
        %run_scoped3A = tpu.sem_alloc : memref<!tpu.dma_semaphore, #tpu.memory_space<semaphore_mem>>
        %dma_start3A_86 = arith.constant 0 : i32
        %dma_start3A_87 = arith.constant 0 : i32
        %dma_start3A_88 = tpu.memref_slice %arg6[%add3A_71, %dma_start3A_86, %dma_start3A_87] : memref<1280x2x128xi32, #tpu.memory_space<hbm>> -> memref<40x2x128xi32, #tpu.memory_space<hbm>>
        %dma_start3A_89 = arith.constant 0 : i32
        %dma_start3A_90 = arith.constant 0 : i32
        %dma_start3A_91 = tpu.memref_slice %arg6[%add3A_71, %dma_start3A_89, %dma_start3A_90] : memref<1280x2x128xi32, #tpu.memory_space<hbm>> -> memref<40x2x128xi32, #tpu.memory_space<hbm>>
        tpu.enqueue_dma source(%dma_start3A_91 : memref<40x2x128xi32, #tpu.memory_space<hbm>>) target(%arg9 : memref<40x2x128xi32, #tpu.memory_space<vmem>>) target_semaphore(%run_scoped3A : memref<!tpu.dma_semaphore, #tpu.memory_space<semaphore_mem>>)
        %dma_wait3A = arith.constant 0 : i32
        %dma_wait3A_92 = arith.constant 0 : i32
        %dma_wait3A_93 = tpu.memref_slice %arg6[%add3A_71, %dma_wait3A, %dma_wait3A_92] : memref<1280x2x128xi32, #tpu.memory_space<hbm>> -> memref<40x2x128xi32, #tpu.memory_space<hbm>>
        %dma_wait3A_94 = arith.constant 0 : i32
        %dma_wait3A_95 = arith.constant 0 : i32
        %dma_wait3A_96 = tpu.memref_slice %arg6[%add3A_71, %dma_wait3A_94, %dma_wait3A_95] : memref<1280x2x128xi32, #tpu.memory_space<hbm>> -> memref<40x2x128xi32, #tpu.memory_space<hbm>>
        tpu.wait_dma2 semaphore(%run_scoped3A : memref<!tpu.dma_semaphore, #tpu.memory_space<semaphore_mem>>) src(%dma_wait3A_96 : memref<40x2x128xi32, #tpu.memory_space<hbm>>) dst(%arg9 : memref<40x2x128xi32, #tpu.memory_space<vmem>>)
        tpu.yield
      }) : () -> ()
      %dma_start3A_72 = arith.constant 0 : i32
      %dma_start3A_73 = arith.constant 0 : i32
      %dma_start3A_74 = arith.constant 0 : i32
      %dma_start3A_75 = tpu.memref_slice %arg9[%dma_start3A_72, %dma_start3A_73, %dma_start3A_74] : memref<40x2x128xi32, #tpu.memory_space<vmem>> -> memref<1x1x128xi32, #tpu.memory_space<vmem>>
      %dma_start3A_76 = tpu.memref_squeeze %dma_start3A_75 : memref<1x1x128xi32, #tpu.memory_space<vmem>> -> memref<128xi32, #tpu.memory_space<vmem>>
      %dma_start3A_77 = arith.constant 0 : i32
      %dma_start3A_78 = arith.constant 0 : i32
      %dma_start3A_79 = tpu.memref_slice %arg2[%dma_start3A_77, %dma_start3A_78] : memref<10240x128xf32, #tpu.memory_space<hbm>> -> memref<10240x128xf32, #tpu.memory_space<hbm>>
      tpu.enqueue_indirect_dma source(%dma_start3A_79 : memref<10240x128xf32, #tpu.memory_space<hbm>>) target(%arg10 : memref<128x128xf32, #tpu.memory_space<vmem>>) offsets(%dma_start3A_76 : memref<128xi32, #tpu.memory_space<vmem>>) semaphore(%arg12 : memref<!tpu.dma_semaphore, #tpu.memory_space<semaphore_mem>>)
      %scan3A_80 = arith.constant 0 : i32
      %scan3A_81 = arith.constant 0 : i32
      %scan3A_82 = arith.constant 20 : i32
      %scan3A_83 = arith.addi %scan3A_81, %scan3A_82 : i32
      %scan3A_84 = arith.constant 1 : i32
      scf.for %scan3A_86 = %scan3A_81 to %scan3A_83 step %scan3A_84  : i32 {
        %mul3A_87 = arith.constant 2 : i32
        %mul3A_88 = arith.muli %scan3A_86, %mul3A_87 : i32
        %dma_wait3A = arith.constant 0 : i32
        %dma_wait3A_89 = arith.constant 0 : i32
        %dma_wait3A_90 = arith.constant 0 : i32
        %dma_wait3A_91 = tpu.memref_slice %arg9[%dma_wait3A, %dma_wait3A_89, %dma_wait3A_90] : memref<40x2x128xi32, #tpu.memory_space<vmem>> -> memref<1x1x128xi32, #tpu.memory_space<vmem>>
        %dma_wait3A_92 = tpu.memref_squeeze %dma_wait3A_91 : memref<1x1x128xi32, #tpu.memory_space<vmem>> -> memref<128xi32, #tpu.memory_space<vmem>>
        %dma_wait3A_93 = arith.constant 0 : i32
        %dma_wait3A_94 = arith.constant 0 : i32
        %dma_wait3A_95 = tpu.memref_slice %arg2[%dma_wait3A_93, %dma_wait3A_94] : memref<10240x128xf32, #tpu.memory_space<hbm>> -> memref<10240x128xf32, #tpu.memory_space<hbm>>
        tpu.wait_indirect_dma semaphore(%arg12 : memref<!tpu.dma_semaphore, #tpu.memory_space<semaphore_mem>>) src(%dma_wait3A_95 : memref<10240x128xf32, #tpu.memory_space<hbm>>) dst(%arg10 : memref<128x128xf32, #tpu.memory_space<vmem>>)
        %add3A_96 = arith.constant 1 : i32
        %add3A_97 = arith.addi %mul3A_88, %add3A_96 : i32
        %dma_start3A_98 = arith.constant 0 : i32
        %dma_start3A_99 = arith.constant 0 : i32
        %dma_start3A_100 = tpu.memref_slice %arg9[%add3A_97, %dma_start3A_98, %dma_start3A_99] : memref<40x2x128xi32, #tpu.memory_space<vmem>> -> memref<1x1x128xi32, #tpu.memory_space<vmem>>
        %dma_start3A_101 = tpu.memref_squeeze %dma_start3A_100 : memref<1x1x128xi32, #tpu.memory_space<vmem>> -> memref<128xi32, #tpu.memory_space<vmem>>
        %dma_start3A_102 = arith.constant 0 : i32
        %dma_start3A_103 = arith.constant 0 : i32
        %dma_start3A_104 = tpu.memref_slice %arg2[%dma_start3A_102, %dma_start3A_103] : memref<10240x128xf32, #tpu.memory_space<hbm>> -> memref<10240x128xf32, #tpu.memory_space<hbm>>
        tpu.enqueue_indirect_dma source(%dma_start3A_104 : memref<10240x128xf32, #tpu.memory_space<hbm>>) target(%arg11 : memref<128x128xf32, #tpu.memory_space<vmem>>) offsets(%dma_start3A_101 : memref<128xi32, #tpu.memory_space<vmem>>) semaphore(%arg13 : memref<!tpu.dma_semaphore, #tpu.memory_space<semaphore_mem>>)
        %run_scoped3A = arith.constant 1 : i32
        "tpu.region"() ({
          %run_scoped3A_121 = tpu.sem_alloc : memref<!tpu.dma_semaphore, #tpu.memory_space<semaphore_mem>>
          %dma_start3A_122 = arith.constant 0 : i32
          %dma_start3A_123 = tpu.memref_slice %arg9[%mul3A_88, %run_scoped3A, %dma_start3A_122] : memref<40x2x128xi32, #tpu.memory_space<vmem>> -> memref<1x1x128xi32, #tpu.memory_space<vmem>>
          %dma_start3A_124 = tpu.memref_squeeze %dma_start3A_123 : memref<1x1x128xi32, #tpu.memory_space<vmem>> -> memref<128xi32, #tpu.memory_space<vmem>>
          %dma_start3A_125 = arith.constant 0 : i32
          %dma_start3A_126 = arith.constant 0 : i32
          %dma_start3A_127 = tpu.memref_slice %arg8[%dma_start3A_125, %dma_start3A_126] : memref<10240x128xf32, #tpu.memory_space<vmem_shared>> -> memref<10240x128xf32, #tpu.memory_space<vmem_shared>>
          tpu.enqueue_indirect_dma source(%arg10 : memref<128x128xf32, #tpu.memory_space<vmem>>) target(%dma_start3A_127 : memref<10240x128xf32, #tpu.memory_space<vmem_shared>>) offsets(%dma_start3A_124 : memref<128xi32, #tpu.memory_space<vmem>>) semaphore(%run_scoped3A_121 : memref<!tpu.dma_semaphore, #tpu.memory_space<semaphore_mem>>) {add = true}
          %dma_wait3A_128 = arith.constant 0 : i32
          %dma_wait3A_129 = tpu.memref_slice %arg9[%mul3A_88, %run_scoped3A, %dma_wait3A_128] : memref<40x2x128xi32, #tpu.memory_space<vmem>> -> memref<1x1x128xi32, #tpu.memory_space<vmem>>
          %dma_wait3A_130 = tpu.memref_squeeze %dma_wait3A_129 : memref<1x1x128xi32, #tpu.memory_space<vmem>> -> memref<128xi32, #tpu.memory_space<vmem>>
          %dma_wait3A_131 = arith.constant 0 : i32
          %dma_wait3A_132 = arith.constant 0 : i32
          %dma_wait3A_133 = tpu.memref_slice %arg8[%dma_wait3A_131, %dma_wait3A_132] : memref<10240x128xf32, #tpu.memory_space<vmem_shared>> -> memref<10240x128xf32, #tpu.memory_space<vmem_shared>>
          tpu.wait_indirect_dma semaphore(%run_scoped3A_121 : memref<!tpu.dma_semaphore, #tpu.memory_space<semaphore_mem>>) src(%arg10 : memref<128x128xf32, #tpu.memory_space<vmem>>) dst(%dma_wait3A_133 : memref<10240x128xf32, #tpu.memory_space<vmem_shared>>)
          tpu.yield
        }) : () -> ()
        %dma_wait3A_105 = arith.constant 0 : i32
        %dma_wait3A_106 = arith.constant 0 : i32
        %dma_wait3A_107 = arith.constant 0 : i32
        %dma_wait3A_108 = tpu.memref_slice %arg9[%dma_wait3A_105, %dma_wait3A_106, %dma_wait3A_107] : memref<40x2x128xi32, #tpu.memory_space<vmem>> -> memref<1x1x128xi32, #tpu.memory_space<vmem>>
        %dma_wait3A_109 = tpu.memref_squeeze %dma_wait3A_108 : memref<1x1x128xi32, #tpu.memory_space<vmem>> -> memref<128xi32, #tpu.memory_space<vmem>>
        %dma_wait3A_110 = arith.constant 0 : i32
        %dma_wait3A_111 = arith.constant 0 : i32
        %dma_wait3A_112 = tpu.memref_slice %arg2[%dma_wait3A_110, %dma_wait3A_111] : memref<10240x128xf32, #tpu.memory_space<hbm>> -> memref<10240x128xf32, #tpu.memory_space<hbm>>
        tpu.wait_indirect_dma semaphore(%arg13 : memref<!tpu.dma_semaphore, #tpu.memory_space<semaphore_mem>>) src(%dma_wait3A_112 : memref<10240x128xf32, #tpu.memory_space<hbm>>) dst(%arg11 : memref<128x128xf32, #tpu.memory_space<vmem>>)
        %lt3A_113 = arith.constant 19 : i32
        %lt3A_114 = arith.cmpi slt, %scan3A_86, %lt3A_113 : i32
        %convert_element_type3A_115 = arith.extui %lt3A_114 : i1 to i32
        %cond3A_116 = arith.constant 0 : i32
        %cond3A_117 = arith.cmpi ne, %convert_element_type3A_115, %cond3A_116 : i32
        scf.if %cond3A_117 {
          %add3A_121 = arith.constant 2 : i32
          %add3A_122 = arith.addi %mul3A_88, %add3A_121 : i32
          %dma_start3A_123 = arith.constant 0 : i32
          %dma_start3A_124 = arith.constant 0 : i32
          %dma_start3A_125 = tpu.memref_slice %arg9[%add3A_122, %dma_start3A_123, %dma_start3A_124] : memref<40x2x128xi32, #tpu.memory_space<vmem>> -> memref<1x1x128xi32, #tpu.memory_space<vmem>>
          %dma_start3A_126 = tpu.memref_squeeze %dma_start3A_125 : memref<1x1x128xi32, #tpu.memory_space<vmem>> -> memref<128xi32, #tpu.memory_space<vmem>>
          %dma_start3A_127 = arith.constant 0 : i32
          %dma_start3A_128 = arith.constant 0 : i32
          %dma_start3A_129 = tpu.memref_slice %arg2[%dma_start3A_127, %dma_start3A_128] : memref<10240x128xf32, #tpu.memory_space<hbm>> -> memref<10240x128xf32, #tpu.memory_space<hbm>>
          tpu.enqueue_indirect_dma source(%dma_start3A_129 : memref<10240x128xf32, #tpu.memory_space<hbm>>) target(%arg10 : memref<128x128xf32, #tpu.memory_space<vmem>>) offsets(%dma_start3A_126 : memref<128xi32, #tpu.memory_space<vmem>>) semaphore(%arg12 : memref<!tpu.dma_semaphore, #tpu.memory_space<semaphore_mem>>)
        } else {
        }
        %add3A_118 = arith.constant 1 : i32
        %add3A_119 = arith.addi %mul3A_88, %add3A_118 : i32
        %run_scoped3A_120 = arith.constant 1 : i32
        "tpu.region"() ({
          %run_scoped3A_121 = tpu.sem_alloc : memref<!tpu.dma_semaphore, #tpu.memory_space<semaphore_mem>>
          %dma_start3A_122 = arith.constant 0 : i32
          %dma_start3A_123 = tpu.memref_slice %arg9[%add3A_119, %run_scoped3A_120, %dma_start3A_122] : memref<40x2x128xi32, #tpu.memory_space<vmem>> -> memref<1x1x128xi32, #tpu.memory_space<vmem>>
          %dma_start3A_124 = tpu.memref_squeeze %dma_start3A_123 : memref<1x1x128xi32, #tpu.memory_space<vmem>> -> memref<128xi32, #tpu.memory_space<vmem>>
          %dma_start3A_125 = arith.constant 0 : i32
          %dma_start3A_126 = arith.constant 0 : i32
          %dma_start3A_127 = tpu.memref_slice %arg8[%dma_start3A_125, %dma_start3A_126] : memref<10240x128xf32, #tpu.memory_space<vmem_shared>> -> memref<10240x128xf32, #tpu.memory_space<vmem_shared>>
          tpu.enqueue_indirect_dma source(%arg11 : memref<128x128xf32, #tpu.memory_space<vmem>>) target(%dma_start3A_127 : memref<10240x128xf32, #tpu.memory_space<vmem_shared>>) offsets(%dma_start3A_124 : memref<128xi32, #tpu.memory_space<vmem>>) semaphore(%run_scoped3A_121 : memref<!tpu.dma_semaphore, #tpu.memory_space<semaphore_mem>>) {add = true}
          %dma_wait3A_128 = arith.constant 0 : i32
          %dma_wait3A_129 = tpu.memref_slice %arg9[%add3A_119, %run_scoped3A_120, %dma_wait3A_128] : memref<40x2x128xi32, #tpu.memory_space<vmem>> -> memref<1x1x128xi32, #tpu.memory_space<vmem>>
          %dma_wait3A_130 = tpu.memref_squeeze %dma_wait3A_129 : memref<1x1x128xi32, #tpu.memory_space<vmem>> -> memref<128xi32, #tpu.memory_space<vmem>>
          %dma_wait3A_131 = arith.constant 0 : i32
          %dma_wait3A_132 = arith.constant 0 : i32
          %dma_wait3A_133 = tpu.memref_slice %arg8[%dma_wait3A_131, %dma_wait3A_132] : memref<10240x128xf32, #tpu.memory_space<vmem_shared>> -> memref<10240x128xf32, #tpu.memory_space<vmem_shared>>
          tpu.wait_indirect_dma semaphore(%run_scoped3A_121 : memref<!tpu.dma_semaphore, #tpu.memory_space<semaphore_mem>>) src(%arg11 : memref<128x128xf32, #tpu.memory_space<vmem>>) dst(%dma_wait3A_133 : memref<10240x128xf32, #tpu.memory_space<vmem_shared>>)
          tpu.yield
        }) : () -> ()
      }
      %scan3A_85 = arith.constant 20 : i32
    } else {
    }
    %eq3A_13 = arith.constant 1 : i32
    %eq3A_14 = arith.cmpi eq, %arg0, %eq3A_13 : i32
    %convert_element_type3A_15 = arith.extui %eq3A_14 : i1 to i32
    %cond3A_16 = arith.constant 0 : i32
    %cond3A_17 = arith.cmpi ne, %convert_element_type3A_15, %cond3A_16 : i32
    scf.if %cond3A_17 {
      %mul3A_53 = arith.constant 80 : i32
      %mul3A_54 = arith.muli %arg1, %mul3A_53 : i32
      %add3A = arith.constant 0 : i32
      %add3A_55 = arith.addi %mul3A_54, %add3A : i32
      "tpu.region"() ({
        %run_scoped3A = tpu.sem_alloc : memref<!tpu.dma_semaphore, #tpu.memory_space<semaphore_mem>>
        %dma_start3A_86 = arith.constant 0 : i32
        %dma_start3A_87 = arith.constant 0 : i32
        %dma_start3A_88 = tpu.memref_slice %arg6[%add3A_55, %dma_start3A_86, %dma_start3A_87] : memref<1280x2x128xi32, #tpu.memory_space<hbm>> -> memref<40x2x128xi32, #tpu.memory_space<hbm>>
        %dma_start3A_89 = arith.constant 0 : i32
        %dma_start3A_90 = arith.constant 0 : i32
        %dma_start3A_91 = tpu.memref_slice %arg6[%add3A_55, %dma_start3A_89, %dma_start3A_90] : memref<1280x2x128xi32, #tpu.memory_space<hbm>> -> memref<40x2x128xi32, #tpu.memory_space<hbm>>
        tpu.enqueue_dma source(%dma_start3A_91 : memref<40x2x128xi32, #tpu.memory_space<hbm>>) target(%arg9 : memref<40x2x128xi32, #tpu.memory_space<vmem>>) target_semaphore(%run_scoped3A : memref<!tpu.dma_semaphore, #tpu.memory_space<semaphore_mem>>)
        %dma_wait3A = arith.constant 0 : i32
        %dma_wait3A_92 = arith.constant 0 : i32
        %dma_wait3A_93 = tpu.memref_slice %arg6[%add3A_55, %dma_wait3A, %dma_wait3A_92] : memref<1280x2x128xi32, #tpu.memory_space<hbm>> -> memref<40x2x128xi32, #tpu.memory_space<hbm>>
        %dma_wait3A_94 = arith.constant 0 : i32
        %dma_wait3A_95 = arith.constant 0 : i32
        %dma_wait3A_96 = tpu.memref_slice %arg6[%add3A_55, %dma_wait3A_94, %dma_wait3A_95] : memref<1280x2x128xi32, #tpu.memory_space<hbm>> -> memref<40x2x128xi32, #tpu.memory_space<hbm>>
        tpu.wait_dma2 semaphore(%run_scoped3A : memref<!tpu.dma_semaphore, #tpu.memory_space<semaphore_mem>>) src(%dma_wait3A_96 : memref<40x2x128xi32, #tpu.memory_space<hbm>>) dst(%arg9 : memref<40x2x128xi32, #tpu.memory_space<vmem>>)
        tpu.yield
      }) : () -> ()
      %dma_start3A = arith.constant 0 : i32
      %dma_start3A_56 = arith.constant 0 : i32
      %dma_start3A_57 = arith.constant 0 : i32
      %dma_start3A_58 = tpu.memref_slice %arg9[%dma_start3A, %dma_start3A_56, %dma_start3A_57] : memref<40x2x128xi32, #tpu.memory_space<vmem>> -> memref<1x1x128xi32, #tpu.memory_space<vmem>>
      %dma_start3A_59 = tpu.memref_squeeze %dma_start3A_58 : memref<1x1x128xi32, #tpu.memory_space<vmem>> -> memref<128xi32, #tpu.memory_space<vmem>>
      %dma_start3A_60 = arith.constant 0 : i32
      %dma_start3A_61 = arith.constant 0 : i32
      %dma_start3A_62 = tpu.memref_slice %arg3[%dma_start3A_60, %dma_start3A_61] : memref<10240x128xf32, #tpu.memory_space<hbm>> -> memref<10240x128xf32, #tpu.memory_space<hbm>>
      tpu.enqueue_indirect_dma source(%dma_start3A_62 : memref<10240x128xf32, #tpu.memory_space<hbm>>) target(%arg10 : memref<128x128xf32, #tpu.memory_space<vmem>>) offsets(%dma_start3A_59 : memref<128xi32, #tpu.memory_space<vmem>>) semaphore(%arg12 : memref<!tpu.dma_semaphore, #tpu.memory_space<semaphore_mem>>)
      %scan3A = arith.constant 0 : i32
      %scan3A_63 = arith.constant 0 : i32
      %scan3A_64 = arith.constant 20 : i32
      %scan3A_65 = arith.addi %scan3A_63, %scan3A_64 : i32
      %scan3A_66 = arith.constant 1 : i32
      scf.for %scan3A_86 = %scan3A_63 to %scan3A_65 step %scan3A_66  : i32 {
        %mul3A_87 = arith.constant 2 : i32
        %mul3A_88 = arith.muli %scan3A_86, %mul3A_87 : i32
        %dma_wait3A = arith.constant 0 : i32
        %dma_wait3A_89 = arith.constant 0 : i32
        %dma_wait3A_90 = arith.constant 0 : i32
        %dma_wait3A_91 = tpu.memref_slice %arg9[%dma_wait3A, %dma_wait3A_89, %dma_wait3A_90] : memref<40x2x128xi32, #tpu.memory_space<vmem>> -> memref<1x1x128xi32, #tpu.memory_space<vmem>>
        %dma_wait3A_92 = tpu.memref_squeeze %dma_wait3A_91 : memref<1x1x128xi32, #tpu.memory_space<vmem>> -> memref<128xi32, #tpu.memory_space<vmem>>
        %dma_wait3A_93 = arith.constant 0 : i32
        %dma_wait3A_94 = arith.constant 0 : i32
        %dma_wait3A_95 = tpu.memref_slice %arg3[%dma_wait3A_93, %dma_wait3A_94] : memref<10240x128xf32, #tpu.memory_space<hbm>> -> memref<10240x128xf32, #tpu.memory_space<hbm>>
        tpu.wait_indirect_dma semaphore(%arg12 : memref<!tpu.dma_semaphore, #tpu.memory_space<semaphore_mem>>) src(%dma_wait3A_95 : memref<10240x128xf32, #tpu.memory_space<hbm>>) dst(%arg10 : memref<128x128xf32, #tpu.memory_space<vmem>>)
        %add3A_96 = arith.constant 1 : i32
        %add3A_97 = arith.addi %mul3A_88, %add3A_96 : i32
        %dma_start3A_98 = arith.constant 0 : i32
        %dma_start3A_99 = arith.constant 0 : i32
        %dma_start3A_100 = tpu.memref_slice %arg9[%add3A_97, %dma_start3A_98, %dma_start3A_99] : memref<40x2x128xi32, #tpu.memory_space<vmem>> -> memref<1x1x128xi32, #tpu.memory_space<vmem>>
        %dma_start3A_101 = tpu.memref_squeeze %dma_start3A_100 : memref<1x1x128xi32, #tpu.memory_space<vmem>> -> memref<128xi32, #tpu.memory_space<vmem>>
        %dma_start3A_102 = arith.constant 0 : i32
        %dma_start3A_103 = arith.constant 0 : i32
        %dma_start3A_104 = tpu.memref_slice %arg3[%dma_start3A_102, %dma_start3A_103] : memref<10240x128xf32, #tpu.memory_space<hbm>> -> memref<10240x128xf32, #tpu.memory_space<hbm>>
        tpu.enqueue_indirect_dma source(%dma_start3A_104 : memref<10240x128xf32, #tpu.memory_space<hbm>>) target(%arg11 : memref<128x128xf32, #tpu.memory_space<vmem>>) offsets(%dma_start3A_101 : memref<128xi32, #tpu.memory_space<vmem>>) semaphore(%arg13 : memref<!tpu.dma_semaphore, #tpu.memory_space<semaphore_mem>>)
        %run_scoped3A = arith.constant 1 : i32
        "tpu.region"() ({
          %run_scoped3A_121 = tpu.sem_alloc : memref<!tpu.dma_semaphore, #tpu.memory_space<semaphore_mem>>
          %dma_start3A_122 = arith.constant 0 : i32
          %dma_start3A_123 = tpu.memref_slice %arg9[%mul3A_88, %run_scoped3A, %dma_start3A_122] : memref<40x2x128xi32, #tpu.memory_space<vmem>> -> memref<1x1x128xi32, #tpu.memory_space<vmem>>
          %dma_start3A_124 = tpu.memref_squeeze %dma_start3A_123 : memref<1x1x128xi32, #tpu.memory_space<vmem>> -> memref<128xi32, #tpu.memory_space<vmem>>
          %dma_start3A_125 = arith.constant 0 : i32
          %dma_start3A_126 = arith.constant 0 : i32
          %dma_start3A_127 = tpu.memref_slice %arg8[%dma_start3A_125, %dma_start3A_126] : memref<10240x128xf32, #tpu.memory_space<vmem_shared>> -> memref<10240x128xf32, #tpu.memory_space<vmem_shared>>
          tpu.enqueue_indirect_dma source(%arg10 : memref<128x128xf32, #tpu.memory_space<vmem>>) target(%dma_start3A_127 : memref<10240x128xf32, #tpu.memory_space<vmem_shared>>) offsets(%dma_start3A_124 : memref<128xi32, #tpu.memory_space<vmem>>) semaphore(%run_scoped3A_121 : memref<!tpu.dma_semaphore, #tpu.memory_space<semaphore_mem>>) {add = true}
          %dma_wait3A_128 = arith.constant 0 : i32
          %dma_wait3A_129 = tpu.memref_slice %arg9[%mul3A_88, %run_scoped3A, %dma_wait3A_128] : memref<40x2x128xi32, #tpu.memory_space<vmem>> -> memref<1x1x128xi32, #tpu.memory_space<vmem>>
          %dma_wait3A_130 = tpu.memref_squeeze %dma_wait3A_129 : memref<1x1x128xi32, #tpu.memory_space<vmem>> -> memref<128xi32, #tpu.memory_space<vmem>>
          %dma_wait3A_131 = arith.constant 0 : i32
          %dma_wait3A_132 = arith.constant 0 : i32
          %dma_wait3A_133 = tpu.memref_slice %arg8[%dma_wait3A_131, %dma_wait3A_132] : memref<10240x128xf32, #tpu.memory_space<vmem_shared>> -> memref<10240x128xf32, #tpu.memory_space<vmem_shared>>
          tpu.wait_indirect_dma semaphore(%run_scoped3A_121 : memref<!tpu.dma_semaphore, #tpu.memory_space<semaphore_mem>>) src(%arg10 : memref<128x128xf32, #tpu.memory_space<vmem>>) dst(%dma_wait3A_133 : memref<10240x128xf32, #tpu.memory_space<vmem_shared>>)
          tpu.yield
        }) : () -> ()
        %dma_wait3A_105 = arith.constant 0 : i32
        %dma_wait3A_106 = arith.constant 0 : i32
        %dma_wait3A_107 = arith.constant 0 : i32
        %dma_wait3A_108 = tpu.memref_slice %arg9[%dma_wait3A_105, %dma_wait3A_106, %dma_wait3A_107] : memref<40x2x128xi32, #tpu.memory_space<vmem>> -> memref<1x1x128xi32, #tpu.memory_space<vmem>>
        %dma_wait3A_109 = tpu.memref_squeeze %dma_wait3A_108 : memref<1x1x128xi32, #tpu.memory_space<vmem>> -> memref<128xi32, #tpu.memory_space<vmem>>
        %dma_wait3A_110 = arith.constant 0 : i32
        %dma_wait3A_111 = arith.constant 0 : i32
        %dma_wait3A_112 = tpu.memref_slice %arg3[%dma_wait3A_110, %dma_wait3A_111] : memref<10240x128xf32, #tpu.memory_space<hbm>> -> memref<10240x128xf32, #tpu.memory_space<hbm>>
        tpu.wait_indirect_dma semaphore(%arg13 : memref<!tpu.dma_semaphore, #tpu.memory_space<semaphore_mem>>) src(%dma_wait3A_112 : memref<10240x128xf32, #tpu.memory_space<hbm>>) dst(%arg11 : memref<128x128xf32, #tpu.memory_space<vmem>>)
        %lt3A_113 = arith.constant 19 : i32
        %lt3A_114 = arith.cmpi slt, %scan3A_86, %lt3A_113 : i32
        %convert_element_type3A_115 = arith.extui %lt3A_114 : i1 to i32
        %cond3A_116 = arith.constant 0 : i32
        %cond3A_117 = arith.cmpi ne, %convert_element_type3A_115, %cond3A_116 : i32
        scf.if %cond3A_117 {
          %add3A_121 = arith.constant 2 : i32
          %add3A_122 = arith.addi %mul3A_88, %add3A_121 : i32
          %dma_start3A_123 = arith.constant 0 : i32
          %dma_start3A_124 = arith.constant 0 : i32
          %dma_start3A_125 = tpu.memref_slice %arg9[%add3A_122, %dma_start3A_123, %dma_start3A_124] : memref<40x2x128xi32, #tpu.memory_space<vmem>> -> memref<1x1x128xi32, #tpu.memory_space<vmem>>
          %dma_start3A_126 = tpu.memref_squeeze %dma_start3A_125 : memref<1x1x128xi32, #tpu.memory_space<vmem>> -> memref<128xi32, #tpu.memory_space<vmem>>
          %dma_start3A_127 = arith.constant 0 : i32
          %dma_start3A_128 = arith.constant 0 : i32
          %dma_start3A_129 = tpu.memref_slice %arg3[%dma_start3A_127, %dma_start3A_128] : memref<10240x128xf32, #tpu.memory_space<hbm>> -> memref<10240x128xf32, #tpu.memory_space<hbm>>
          tpu.enqueue_indirect_dma source(%dma_start3A_129 : memref<10240x128xf32, #tpu.memory_space<hbm>>) target(%arg10 : memref<128x128xf32, #tpu.memory_space<vmem>>) offsets(%dma_start3A_126 : memref<128xi32, #tpu.memory_space<vmem>>) semaphore(%arg12 : memref<!tpu.dma_semaphore, #tpu.memory_space<semaphore_mem>>)
        } else {
        }
        %add3A_118 = arith.constant 1 : i32
        %add3A_119 = arith.addi %mul3A_88, %add3A_118 : i32
        %run_scoped3A_120 = arith.constant 1 : i32
        "tpu.region"() ({
          %run_scoped3A_121 = tpu.sem_alloc : memref<!tpu.dma_semaphore, #tpu.memory_space<semaphore_mem>>
          %dma_start3A_122 = arith.constant 0 : i32
          %dma_start3A_123 = tpu.memref_slice %arg9[%add3A_119, %run_scoped3A_120, %dma_start3A_122] : memref<40x2x128xi32, #tpu.memory_space<vmem>> -> memref<1x1x128xi32, #tpu.memory_space<vmem>>
          %dma_start3A_124 = tpu.memref_squeeze %dma_start3A_123 : memref<1x1x128xi32, #tpu.memory_space<vmem>> -> memref<128xi32, #tpu.memory_space<vmem>>
          %dma_start3A_125 = arith.constant 0 : i32
          %dma_start3A_126 = arith.constant 0 : i32
          %dma_start3A_127 = tpu.memref_slice %arg8[%dma_start3A_125, %dma_start3A_126] : memref<10240x128xf32, #tpu.memory_space<vmem_shared>> -> memref<10240x128xf32, #tpu.memory_space<vmem_shared>>
          tpu.enqueue_indirect_dma source(%arg11 : memref<128x128xf32, #tpu.memory_space<vmem>>) target(%dma_start3A_127 : memref<10240x128xf32, #tpu.memory_space<vmem_shared>>) offsets(%dma_start3A_124 : memref<128xi32, #tpu.memory_space<vmem>>) semaphore(%run_scoped3A_121 : memref<!tpu.dma_semaphore, #tpu.memory_space<semaphore_mem>>) {add = true}
          %dma_wait3A_128 = arith.constant 0 : i32
          %dma_wait3A_129 = tpu.memref_slice %arg9[%add3A_119, %run_scoped3A_120, %dma_wait3A_128] : memref<40x2x128xi32, #tpu.memory_space<vmem>> -> memref<1x1x128xi32, #tpu.memory_space<vmem>>
          %dma_wait3A_130 = tpu.memref_squeeze %dma_wait3A_129 : memref<1x1x128xi32, #tpu.memory_space<vmem>> -> memref<128xi32, #tpu.memory_space<vmem>>
          %dma_wait3A_131 = arith.constant 0 : i32
          %dma_wait3A_132 = arith.constant 0 : i32
          %dma_wait3A_133 = tpu.memref_slice %arg8[%dma_wait3A_131, %dma_wait3A_132] : memref<10240x128xf32, #tpu.memory_space<vmem_shared>> -> memref<10240x128xf32, #tpu.memory_space<vmem_shared>>
          tpu.wait_indirect_dma semaphore(%run_scoped3A_121 : memref<!tpu.dma_semaphore, #tpu.memory_space<semaphore_mem>>) src(%arg11 : memref<128x128xf32, #tpu.memory_space<vmem>>) dst(%dma_wait3A_133 : memref<10240x128xf32, #tpu.memory_space<vmem_shared>>)
          tpu.yield
        }) : () -> ()
      }
      %scan3A_67 = arith.constant 20 : i32
      %mul3A_68 = arith.constant 80 : i32
      %mul3A_69 = arith.muli %arg1, %mul3A_68 : i32
      %add3A_70 = arith.constant 40 : i32
      %add3A_71 = arith.addi %mul3A_69, %add3A_70 : i32
      "tpu.region"() ({
        %run_scoped3A = tpu.sem_alloc : memref<!tpu.dma_semaphore, #tpu.memory_space<semaphore_mem>>
        %dma_start3A_86 = arith.constant 0 : i32
        %dma_start3A_87 = arith.constant 0 : i32
        %dma_start3A_88 = tpu.memref_slice %arg6[%add3A_71, %dma_start3A_86, %dma_start3A_87] : memref<1280x2x128xi32, #tpu.memory_space<hbm>> -> memref<40x2x128xi32, #tpu.memory_space<hbm>>
        %dma_start3A_89 = arith.constant 0 : i32
        %dma_start3A_90 = arith.constant 0 : i32
        %dma_start3A_91 = tpu.memref_slice %arg6[%add3A_71, %dma_start3A_89, %dma_start3A_90] : memref<1280x2x128xi32, #tpu.memory_space<hbm>> -> memref<40x2x128xi32, #tpu.memory_space<hbm>>
        tpu.enqueue_dma source(%dma_start3A_91 : memref<40x2x128xi32, #tpu.memory_space<hbm>>) target(%arg9 : memref<40x2x128xi32, #tpu.memory_space<vmem>>) target_semaphore(%run_scoped3A : memref<!tpu.dma_semaphore, #tpu.memory_space<semaphore_mem>>)
        %dma_wait3A = arith.constant 0 : i32
        %dma_wait3A_92 = arith.constant 0 : i32
        %dma_wait3A_93 = tpu.memref_slice %arg6[%add3A_71, %dma_wait3A, %dma_wait3A_92] : memref<1280x2x128xi32, #tpu.memory_space<hbm>> -> memref<40x2x128xi32, #tpu.memory_space<hbm>>
        %dma_wait3A_94 = arith.constant 0 : i32
        %dma_wait3A_95 = arith.constant 0 : i32
        %dma_wait3A_96 = tpu.memref_slice %arg6[%add3A_71, %dma_wait3A_94, %dma_wait3A_95] : memref<1280x2x128xi32, #tpu.memory_space<hbm>> -> memref<40x2x128xi32, #tpu.memory_space<hbm>>
        tpu.wait_dma2 semaphore(%run_scoped3A : memref<!tpu.dma_semaphore, #tpu.memory_space<semaphore_mem>>) src(%dma_wait3A_96 : memref<40x2x128xi32, #tpu.memory_space<hbm>>) dst(%arg9 : memref<40x2x128xi32, #tpu.memory_space<vmem>>)
        tpu.yield
      }) : () -> ()
      %dma_start3A_72 = arith.constant 0 : i32
      %dma_start3A_73 = arith.constant 0 : i32
      %dma_start3A_74 = arith.constant 0 : i32
      %dma_start3A_75 = tpu.memref_slice %arg9[%dma_start3A_72, %dma_start3A_73, %dma_start3A_74] : memref<40x2x128xi32, #tpu.memory_space<vmem>> -> memref<1x1x128xi32, #tpu.memory_space<vmem>>
      %dma_start3A_76 = tpu.memref_squeeze %dma_start3A_75 : memref<1x1x128xi32, #tpu.memory_space<vmem>> -> memref<128xi32, #tpu.memory_space<vmem>>
      %dma_start3A_77 = arith.constant 0 : i32
      %dma_start3A_78 = arith.constant 0 : i32
      %dma_start3A_79 = tpu.memref_slice %arg3[%dma_start3A_77, %dma_start3A_78] : memref<10240x128xf32, #tpu.memory_space<hbm>> -> memref<10240x128xf32, #tpu.memory_space<hbm>>
      tpu.enqueue_indirect_dma source(%dma_start3A_79 : memref<10240x128xf32, #tpu.memory_space<hbm>>) target(%arg10 : memref<128x128xf32, #tpu.memory_space<vmem>>) offsets(%dma_start3A_76 : memref<128xi32, #tpu.memory_space<vmem>>) semaphore(%arg12 : memref<!tpu.dma_semaphore, #tpu.memory_space<semaphore_mem>>)
      %scan3A_80 = arith.constant 0 : i32
      %scan3A_81 = arith.constant 0 : i32
      %scan3A_82 = arith.constant 20 : i32
      %scan3A_83 = arith.addi %scan3A_81, %scan3A_82 : i32
      %scan3A_84 = arith.constant 1 : i32
      scf.for %scan3A_86 = %scan3A_81 to %scan3A_83 step %scan3A_84  : i32 {
        %mul3A_87 = arith.constant 2 : i32
        %mul3A_88 = arith.muli %scan3A_86, %mul3A_87 : i32
        %dma_wait3A = arith.constant 0 : i32
        %dma_wait3A_89 = arith.constant 0 : i32
        %dma_wait3A_90 = arith.constant 0 : i32
        %dma_wait3A_91 = tpu.memref_slice %arg9[%dma_wait3A, %dma_wait3A_89, %dma_wait3A_90] : memref<40x2x128xi32, #tpu.memory_space<vmem>> -> memref<1x1x128xi32, #tpu.memory_space<vmem>>
        %dma_wait3A_92 = tpu.memref_squeeze %dma_wait3A_91 : memref<1x1x128xi32, #tpu.memory_space<vmem>> -> memref<128xi32, #tpu.memory_space<vmem>>
        %dma_wait3A_93 = arith.constant 0 : i32
        %dma_wait3A_94 = arith.constant 0 : i32
        %dma_wait3A_95 = tpu.memref_slice %arg3[%dma_wait3A_93, %dma_wait3A_94] : memref<10240x128xf32, #tpu.memory_space<hbm>> -> memref<10240x128xf32, #tpu.memory_space<hbm>>
        tpu.wait_indirect_dma semaphore(%arg12 : memref<!tpu.dma_semaphore, #tpu.memory_space<semaphore_mem>>) src(%dma_wait3A_95 : memref<10240x128xf32, #tpu.memory_space<hbm>>) dst(%arg10 : memref<128x128xf32, #tpu.memory_space<vmem>>)
        %add3A_96 = arith.constant 1 : i32
        %add3A_97 = arith.addi %mul3A_88, %add3A_96 : i32
        %dma_start3A_98 = arith.constant 0 : i32
        %dma_start3A_99 = arith.constant 0 : i32
        %dma_start3A_100 = tpu.memref_slice %arg9[%add3A_97, %dma_start3A_98, %dma_start3A_99] : memref<40x2x128xi32, #tpu.memory_space<vmem>> -> memref<1x1x128xi32, #tpu.memory_space<vmem>>
        %dma_start3A_101 = tpu.memref_squeeze %dma_start3A_100 : memref<1x1x128xi32, #tpu.memory_space<vmem>> -> memref<128xi32, #tpu.memory_space<vmem>>
        %dma_start3A_102 = arith.constant 0 : i32
        %dma_start3A_103 = arith.constant 0 : i32
        %dma_start3A_104 = tpu.memref_slice %arg3[%dma_start3A_102, %dma_start3A_103] : memref<10240x128xf32, #tpu.memory_space<hbm>> -> memref<10240x128xf32, #tpu.memory_space<hbm>>
        tpu.enqueue_indirect_dma source(%dma_start3A_104 : memref<10240x128xf32, #tpu.memory_space<hbm>>) target(%arg11 : memref<128x128xf32, #tpu.memory_space<vmem>>) offsets(%dma_start3A_101 : memref<128xi32, #tpu.memory_space<vmem>>) semaphore(%arg13 : memref<!tpu.dma_semaphore, #tpu.memory_space<semaphore_mem>>)
        %run_scoped3A = arith.constant 1 : i32
        "tpu.region"() ({
          %run_scoped3A_121 = tpu.sem_alloc : memref<!tpu.dma_semaphore, #tpu.memory_space<semaphore_mem>>
          %dma_start3A_122 = arith.constant 0 : i32
          %dma_start3A_123 = tpu.memref_slice %arg9[%mul3A_88, %run_scoped3A, %dma_start3A_122] : memref<40x2x128xi32, #tpu.memory_space<vmem>> -> memref<1x1x128xi32, #tpu.memory_space<vmem>>
          %dma_start3A_124 = tpu.memref_squeeze %dma_start3A_123 : memref<1x1x128xi32, #tpu.memory_space<vmem>> -> memref<128xi32, #tpu.memory_space<vmem>>
          %dma_start3A_125 = arith.constant 0 : i32
          %dma_start3A_126 = arith.constant 0 : i32
          %dma_start3A_127 = tpu.memref_slice %arg8[%dma_start3A_125, %dma_start3A_126] : memref<10240x128xf32, #tpu.memory_space<vmem_shared>> -> memref<10240x128xf32, #tpu.memory_space<vmem_shared>>
          tpu.enqueue_indirect_dma source(%arg10 : memref<128x128xf32, #tpu.memory_space<vmem>>) target(%dma_start3A_127 : memref<10240x128xf32, #tpu.memory_space<vmem_shared>>) offsets(%dma_start3A_124 : memref<128xi32, #tpu.memory_space<vmem>>) semaphore(%run_scoped3A_121 : memref<!tpu.dma_semaphore, #tpu.memory_space<semaphore_mem>>) {add = true}
          %dma_wait3A_128 = arith.constant 0 : i32
          %dma_wait3A_129 = tpu.memref_slice %arg9[%mul3A_88, %run_scoped3A, %dma_wait3A_128] : memref<40x2x128xi32, #tpu.memory_space<vmem>> -> memref<1x1x128xi32, #tpu.memory_space<vmem>>
          %dma_wait3A_130 = tpu.memref_squeeze %dma_wait3A_129 : memref<1x1x128xi32, #tpu.memory_space<vmem>> -> memref<128xi32, #tpu.memory_space<vmem>>
          %dma_wait3A_131 = arith.constant 0 : i32
          %dma_wait3A_132 = arith.constant 0 : i32
          %dma_wait3A_133 = tpu.memref_slice %arg8[%dma_wait3A_131, %dma_wait3A_132] : memref<10240x128xf32, #tpu.memory_space<vmem_shared>> -> memref<10240x128xf32, #tpu.memory_space<vmem_shared>>
          tpu.wait_indirect_dma semaphore(%run_scoped3A_121 : memref<!tpu.dma_semaphore, #tpu.memory_space<semaphore_mem>>) src(%arg10 : memref<128x128xf32, #tpu.memory_space<vmem>>) dst(%dma_wait3A_133 : memref<10240x128xf32, #tpu.memory_space<vmem_shared>>)
          tpu.yield
        }) : () -> ()
        %dma_wait3A_105 = arith.constant 0 : i32
        %dma_wait3A_106 = arith.constant 0 : i32
        %dma_wait3A_107 = arith.constant 0 : i32
        %dma_wait3A_108 = tpu.memref_slice %arg9[%dma_wait3A_105, %dma_wait3A_106, %dma_wait3A_107] : memref<40x2x128xi32, #tpu.memory_space<vmem>> -> memref<1x1x128xi32, #tpu.memory_space<vmem>>
        %dma_wait3A_109 = tpu.memref_squeeze %dma_wait3A_108 : memref<1x1x128xi32, #tpu.memory_space<vmem>> -> memref<128xi32, #tpu.memory_space<vmem>>
        %dma_wait3A_110 = arith.constant 0 : i32
        %dma_wait3A_111 = arith.constant 0 : i32
        %dma_wait3A_112 = tpu.memref_slice %arg3[%dma_wait3A_110, %dma_wait3A_111] : memref<10240x128xf32, #tpu.memory_space<hbm>> -> memref<10240x128xf32, #tpu.memory_space<hbm>>
        tpu.wait_indirect_dma semaphore(%arg13 : memref<!tpu.dma_semaphore, #tpu.memory_space<semaphore_mem>>) src(%dma_wait3A_112 : memref<10240x128xf32, #tpu.memory_space<hbm>>) dst(%arg11 : memref<128x128xf32, #tpu.memory_space<vmem>>)
        %lt3A_113 = arith.constant 19 : i32
        %lt3A_114 = arith.cmpi slt, %scan3A_86, %lt3A_113 : i32
        %convert_element_type3A_115 = arith.extui %lt3A_114 : i1 to i32
        %cond3A_116 = arith.constant 0 : i32
        %cond3A_117 = arith.cmpi ne, %convert_element_type3A_115, %cond3A_116 : i32
        scf.if %cond3A_117 {
          %add3A_121 = arith.constant 2 : i32
          %add3A_122 = arith.addi %mul3A_88, %add3A_121 : i32
          %dma_start3A_123 = arith.constant 0 : i32
          %dma_start3A_124 = arith.constant 0 : i32
          %dma_start3A_125 = tpu.memref_slice %arg9[%add3A_122, %dma_start3A_123, %dma_start3A_124] : memref<40x2x128xi32, #tpu.memory_space<vmem>> -> memref<1x1x128xi32, #tpu.memory_space<vmem>>
          %dma_start3A_126 = tpu.memref_squeeze %dma_start3A_125 : memref<1x1x128xi32, #tpu.memory_space<vmem>> -> memref<128xi32, #tpu.memory_space<vmem>>
          %dma_start3A_127 = arith.constant 0 : i32
          %dma_start3A_128 = arith.constant 0 : i32
          %dma_start3A_129 = tpu.memref_slice %arg3[%dma_start3A_127, %dma_start3A_128] : memref<10240x128xf32, #tpu.memory_space<hbm>> -> memref<10240x128xf32, #tpu.memory_space<hbm>>
          tpu.enqueue_indirect_dma source(%dma_start3A_129 : memref<10240x128xf32, #tpu.memory_space<hbm>>) target(%arg10 : memref<128x128xf32, #tpu.memory_space<vmem>>) offsets(%dma_start3A_126 : memref<128xi32, #tpu.memory_space<vmem>>) semaphore(%arg12 : memref<!tpu.dma_semaphore, #tpu.memory_space<semaphore_mem>>)
        } else {
        }
        %add3A_118 = arith.constant 1 : i32
        %add3A_119 = arith.addi %mul3A_88, %add3A_118 : i32
        %run_scoped3A_120 = arith.constant 1 : i32
        "tpu.region"() ({
          %run_scoped3A_121 = tpu.sem_alloc : memref<!tpu.dma_semaphore, #tpu.memory_space<semaphore_mem>>
          %dma_start3A_122 = arith.constant 0 : i32
          %dma_start3A_123 = tpu.memref_slice %arg9[%add3A_119, %run_scoped3A_120, %dma_start3A_122] : memref<40x2x128xi32, #tpu.memory_space<vmem>> -> memref<1x1x128xi32, #tpu.memory_space<vmem>>
          %dma_start3A_124 = tpu.memref_squeeze %dma_start3A_123 : memref<1x1x128xi32, #tpu.memory_space<vmem>> -> memref<128xi32, #tpu.memory_space<vmem>>
          %dma_start3A_125 = arith.constant 0 : i32
          %dma_start3A_126 = arith.constant 0 : i32
          %dma_start3A_127 = tpu.memref_slice %arg8[%dma_start3A_125, %dma_start3A_126] : memref<10240x128xf32, #tpu.memory_space<vmem_shared>> -> memref<10240x128xf32, #tpu.memory_space<vmem_shared>>
          tpu.enqueue_indirect_dma source(%arg11 : memref<128x128xf32, #tpu.memory_space<vmem>>) target(%dma_start3A_127 : memref<10240x128xf32, #tpu.memory_space<vmem_shared>>) offsets(%dma_start3A_124 : memref<128xi32, #tpu.memory_space<vmem>>) semaphore(%run_scoped3A_121 : memref<!tpu.dma_semaphore, #tpu.memory_space<semaphore_mem>>) {add = true}
          %dma_wait3A_128 = arith.constant 0 : i32
          %dma_wait3A_129 = tpu.memref_slice %arg9[%add3A_119, %run_scoped3A_120, %dma_wait3A_128] : memref<40x2x128xi32, #tpu.memory_space<vmem>> -> memref<1x1x128xi32, #tpu.memory_space<vmem>>
          %dma_wait3A_130 = tpu.memref_squeeze %dma_wait3A_129 : memref<1x1x128xi32, #tpu.memory_space<vmem>> -> memref<128xi32, #tpu.memory_space<vmem>>
          %dma_wait3A_131 = arith.constant 0 : i32
          %dma_wait3A_132 = arith.constant 0 : i32
          %dma_wait3A_133 = tpu.memref_slice %arg8[%dma_wait3A_131, %dma_wait3A_132] : memref<10240x128xf32, #tpu.memory_space<vmem_shared>> -> memref<10240x128xf32, #tpu.memory_space<vmem_shared>>
          tpu.wait_indirect_dma semaphore(%run_scoped3A_121 : memref<!tpu.dma_semaphore, #tpu.memory_space<semaphore_mem>>) src(%arg11 : memref<128x128xf32, #tpu.memory_space<vmem>>) dst(%dma_wait3A_133 : memref<10240x128xf32, #tpu.memory_space<vmem_shared>>)
          tpu.yield
        }) : () -> ()
      }
      %scan3A_85 = arith.constant 20 : i32
    } else {
    }
    %barrier3A_18 = arith.constant 0 : index
    tpu.barrier barrier_id(%barrier3A_18)
    %eq3A_19 = arith.constant 0 : i32
    %eq3A_20 = arith.cmpi eq, %arg0, %eq3A_19 : i32
    %lt3A = arith.constant 15 : i32
    %lt3A_21 = arith.cmpi slt, %arg1, %lt3A : i32
    %and3A = arith.andi %eq3A_20, %lt3A_21 : i1
    %mul3A_22 = arith.constant 632 : i32
    %mul3A_23 = arith.muli %arg1, %mul3A_22 : i32
    %convert_element_type3A_24 = arith.extui %and3A : i1 to i32
    %cond3A_25 = arith.constant 0 : i32
    %cond3A_26 = arith.cmpi ne, %convert_element_type3A_24, %cond3A_25 : i32
    scf.if %cond3A_26 {
      %dma_start3A = arith.constant 0 : i32
      %dma_start3A_53 = arith.constant 0 : i32
      %dma_start3A_54 = tpu.memref_slice %arg10[%dma_start3A, %dma_start3A_53] : memref<128x128xf32, #tpu.memory_space<vmem>> -> memref<128x128xf32, #tpu.memory_space<vmem>>
      %dma_start3A_55 = arith.constant 0 : i32
      %dma_start3A_56 = tpu.memref_slice %arg8[%mul3A_23, %dma_start3A_55] : memref<10240x128xf32, #tpu.memory_space<vmem_shared>> -> memref<128x128xf32, #tpu.memory_space<vmem_shared>>
      %dma_start3A_57 = arith.constant 0 : i32
      %dma_start3A_58 = arith.constant 0 : i32
      %dma_start3A_59 = tpu.memref_slice %arg10[%dma_start3A_57, %dma_start3A_58] : memref<128x128xf32, #tpu.memory_space<vmem>> -> memref<128x128xf32, #tpu.memory_space<vmem>>
      %dma_start3A_60 = arith.constant 0 : i32
      %dma_start3A_61 = tpu.memref_slice %arg8[%mul3A_23, %dma_start3A_60] : memref<10240x128xf32, #tpu.memory_space<vmem_shared>> -> memref<128x128xf32, #tpu.memory_space<vmem_shared>>
      tpu.enqueue_dma source(%dma_start3A_61 : memref<128x128xf32, #tpu.memory_space<vmem_shared>>) target(%dma_start3A_59 : memref<128x128xf32, #tpu.memory_space<vmem>>) target_semaphore(%arg12 : memref<!tpu.dma_semaphore, #tpu.memory_space<semaphore_mem>>)
      %add3A = arith.constant 0 : i32
      %add3A_62 = arith.addi %mul3A_23, %add3A : i32
      %dma_wait3A = arith.constant 0 : i32
      %dma_wait3A_63 = arith.constant 0 : i32
      %dma_wait3A_64 = tpu.memref_slice %arg10[%dma_wait3A, %dma_wait3A_63] : memref<128x128xf32, #tpu.memory_space<vmem>> -> memref<128x128xf32, #tpu.memory_space<vmem>>
      %dma_wait3A_65 = arith.constant 0 : i32
      %dma_wait3A_66 = tpu.memref_slice %arg8[%add3A_62, %dma_wait3A_65] : memref<10240x128xf32, #tpu.memory_space<vmem_shared>> -> memref<128x128xf32, #tpu.memory_space<vmem_shared>>
      %dma_wait3A_67 = arith.constant 0 : i32
      %dma_wait3A_68 = arith.constant 0 : i32
      %dma_wait3A_69 = tpu.memref_slice %arg10[%dma_wait3A_67, %dma_wait3A_68] : memref<128x128xf32, #tpu.memory_space<vmem>> -> memref<128x128xf32, #tpu.memory_space<vmem>>
      %dma_wait3A_70 = arith.constant 0 : i32
      %dma_wait3A_71 = tpu.memref_slice %arg8[%add3A_62, %dma_wait3A_70] : memref<10240x128xf32, #tpu.memory_space<vmem_shared>> -> memref<128x128xf32, #tpu.memory_space<vmem_shared>>
      tpu.wait_dma2 semaphore(%arg12 : memref<!tpu.dma_semaphore, #tpu.memory_space<semaphore_mem>>) src(%dma_wait3A_71 : memref<128x128xf32, #tpu.memory_space<vmem_shared>>) dst(%dma_wait3A_69 : memref<128x128xf32, #tpu.memory_space<vmem>>)
      %add3A_72 = arith.constant 128 : i32
      %add3A_73 = arith.addi %mul3A_23, %add3A_72 : i32
      %dma_start3A_74 = arith.constant 0 : i32
      %dma_start3A_75 = arith.constant 0 : i32
      %dma_start3A_76 = tpu.memref_slice %arg11[%dma_start3A_74, %dma_start3A_75] : memref<128x128xf32, #tpu.memory_space<vmem>> -> memref<128x128xf32, #tpu.memory_space<vmem>>
      %dma_start3A_77 = arith.constant 0 : i32
      %dma_start3A_78 = tpu.memref_slice %arg8[%add3A_73, %dma_start3A_77] : memref<10240x128xf32, #tpu.memory_space<vmem_shared>> -> memref<128x128xf32, #tpu.memory_space<vmem_shared>>
      %dma_start3A_79 = arith.constant 0 : i32
      %dma_start3A_80 = arith.constant 0 : i32
      %dma_start3A_81 = tpu.memref_slice %arg11[%dma_start3A_79, %dma_start3A_80] : memref<128x128xf32, #tpu.memory_space<vmem>> -> memref<128x128xf32, #tpu.memory_space<vmem>>
      %dma_start3A_82 = arith.constant 0 : i32
      %dma_start3A_83 = tpu.memref_slice %arg8[%add3A_73, %dma_start3A_82] : memref<10240x128xf32, #tpu.memory_space<vmem_shared>> -> memref<128x128xf32, #tpu.memory_space<vmem_shared>>
      tpu.enqueue_dma source(%dma_start3A_83 : memref<128x128xf32, #tpu.memory_space<vmem_shared>>) target(%dma_start3A_81 : memref<128x128xf32, #tpu.memory_space<vmem>>) target_semaphore(%arg13 : memref<!tpu.dma_semaphore, #tpu.memory_space<semaphore_mem>>)
      %add3A_84 = arith.constant 0 : i32
      %add3A_85 = arith.addi %mul3A_23, %add3A_84 : i32
      "tpu.region"() ({
        %run_scoped3A = tpu.sem_alloc : memref<!tpu.dma_semaphore, #tpu.memory_space<semaphore_mem>>
        %dma_start3A_178 = arith.constant 0 : i32
        %dma_start3A_179 = arith.constant 0 : i32
        %dma_start3A_180 = tpu.memref_slice %arg10[%dma_start3A_178, %dma_start3A_179] : memref<128x128xf32, #tpu.memory_space<vmem>> -> memref<128x128xf32, #tpu.memory_space<vmem>>
        %dma_start3A_181 = arith.constant 0 : i32
        %dma_start3A_182 = tpu.memref_slice %arg7[%add3A_85, %dma_start3A_181] : memref<10000x256xf32, #tpu.memory_space<hbm>> -> memref<128x128xf32, #tpu.memory_space<hbm>>
        %dma_start3A_183 = arith.constant 0 : i32
        %dma_start3A_184 = tpu.memref_slice %arg7[%add3A_85, %dma_start3A_183] : memref<10000x256xf32, #tpu.memory_space<hbm>> -> memref<128x128xf32, #tpu.memory_space<hbm>>
        %dma_start3A_185 = arith.constant 0 : i32
        %dma_start3A_186 = arith.constant 0 : i32
        %dma_start3A_187 = tpu.memref_slice %arg10[%dma_start3A_185, %dma_start3A_186] : memref<128x128xf32, #tpu.memory_space<vmem>> -> memref<128x128xf32, #tpu.memory_space<vmem>>
        tpu.enqueue_dma source(%dma_start3A_187 : memref<128x128xf32, #tpu.memory_space<vmem>>) target(%dma_start3A_184 : memref<128x128xf32, #tpu.memory_space<hbm>>) target_semaphore(%run_scoped3A : memref<!tpu.dma_semaphore, #tpu.memory_space<semaphore_mem>>)
        %dma_wait3A_188 = arith.constant 0 : i32
        %dma_wait3A_189 = arith.constant 0 : i32
        %dma_wait3A_190 = tpu.memref_slice %arg10[%dma_wait3A_188, %dma_wait3A_189] : memref<128x128xf32, #tpu.memory_space<vmem>> -> memref<128x128xf32, #tpu.memory_space<vmem>>
        %dma_wait3A_191 = arith.constant 0 : i32
        %dma_wait3A_192 = tpu.memref_slice %arg7[%add3A_85, %dma_wait3A_191] : memref<10000x256xf32, #tpu.memory_space<hbm>> -> memref<128x128xf32, #tpu.memory_space<hbm>>
        %dma_wait3A_193 = arith.constant 0 : i32
        %dma_wait3A_194 = tpu.memref_slice %arg7[%add3A_85, %dma_wait3A_193] : memref<10000x256xf32, #tpu.memory_space<hbm>> -> memref<128x128xf32, #tpu.memory_space<hbm>>
        %dma_wait3A_195 = arith.constant 0 : i32
        %dma_wait3A_196 = arith.constant 0 : i32
        %dma_wait3A_197 = tpu.memref_slice %arg10[%dma_wait3A_195, %dma_wait3A_196] : memref<128x128xf32, #tpu.memory_space<vmem>> -> memref<128x128xf32, #tpu.memory_space<vmem>>
        tpu.wait_dma2 semaphore(%run_scoped3A : memref<!tpu.dma_semaphore, #tpu.memory_space<semaphore_mem>>) src(%dma_wait3A_197 : memref<128x128xf32, #tpu.memory_space<vmem>>) dst(%dma_wait3A_194 : memref<128x128xf32, #tpu.memory_space<hbm>>)
        tpu.yield
      }) : () -> ()
      %add3A_86 = arith.constant 128 : i32
      %add3A_87 = arith.addi %mul3A_23, %add3A_86 : i32
      %dma_wait3A_88 = arith.constant 0 : i32
      %dma_wait3A_89 = arith.constant 0 : i32
      %dma_wait3A_90 = tpu.memref_slice %arg11[%dma_wait3A_88, %dma_wait3A_89] : memref<128x128xf32, #tpu.memory_space<vmem>> -> memref<128x128xf32, #tpu.memory_space<vmem>>
      %dma_wait3A_91 = arith.constant 0 : i32
      %dma_wait3A_92 = tpu.memref_slice %arg8[%add3A_87, %dma_wait3A_91] : memref<10240x128xf32, #tpu.memory_space<vmem_shared>> -> memref<128x128xf32, #tpu.memory_space<vmem_shared>>
      %dma_wait3A_93 = arith.constant 0 : i32
      %dma_wait3A_94 = arith.constant 0 : i32
      %dma_wait3A_95 = tpu.memref_slice %arg11[%dma_wait3A_93, %dma_wait3A_94] : memref<128x128xf32, #tpu.memory_space<vmem>> -> memref<128x128xf32, #tpu.memory_space<vmem>>
      %dma_wait3A_96 = arith.constant 0 : i32
      %dma_wait3A_97 = tpu.memref_slice %arg8[%add3A_87, %dma_wait3A_96] : memref<10240x128xf32, #tpu.memory_space<vmem_shared>> -> memref<128x128xf32, #tpu.memory_space<vmem_shared>>
      tpu.wait_dma2 semaphore(%arg13 : memref<!tpu.dma_semaphore, #tpu.memory_space<semaphore_mem>>) src(%dma_wait3A_97 : memref<128x128xf32, #tpu.memory_space<vmem_shared>>) dst(%dma_wait3A_95 : memref<128x128xf32, #tpu.memory_space<vmem>>)
      %add3A_98 = arith.constant 256 : i32
      %add3A_99 = arith.addi %mul3A_23, %add3A_98 : i32
      %dma_start3A_100 = arith.constant 0 : i32
      %dma_start3A_101 = arith.constant 0 : i32
      %dma_start3A_102 = tpu.memref_slice %arg10[%dma_start3A_100, %dma_start3A_101] : memref<128x128xf32, #tpu.memory_space<vmem>> -> memref<128x128xf32, #tpu.memory_space<vmem>>
      %dma_start3A_103 = arith.constant 0 : i32
      %dma_start3A_104 = tpu.memref_slice %arg8[%add3A_99, %dma_start3A_103] : memref<10240x128xf32, #tpu.memory_space<vmem_shared>> -> memref<128x128xf32, #tpu.memory_space<vmem_shared>>
      %dma_start3A_105 = arith.constant 0 : i32
      %dma_start3A_106 = arith.constant 0 : i32
      %dma_start3A_107 = tpu.memref_slice %arg10[%dma_start3A_105, %dma_start3A_106] : memref<128x128xf32, #tpu.memory_space<vmem>> -> memref<128x128xf32, #tpu.memory_space<vmem>>
      %dma_start3A_108 = arith.constant 0 : i32
      %dma_start3A_109 = tpu.memref_slice %arg8[%add3A_99, %dma_start3A_108] : memref<10240x128xf32, #tpu.memory_space<vmem_shared>> -> memref<128x128xf32, #tpu.memory_space<vmem_shared>>
      tpu.enqueue_dma source(%dma_start3A_109 : memref<128x128xf32, #tpu.memory_space<vmem_shared>>) target(%dma_start3A_107 : memref<128x128xf32, #tpu.memory_space<vmem>>) target_semaphore(%arg12 : memref<!tpu.dma_semaphore, #tpu.memory_space<semaphore_mem>>)
      %add3A_110 = arith.constant 128 : i32
      %add3A_111 = arith.addi %mul3A_23, %add3A_110 : i32
      "tpu.region"() ({
        %run_scoped3A = tpu.sem_alloc : memref<!tpu.dma_semaphore, #tpu.memory_space<semaphore_mem>>
        %dma_start3A_178 = arith.constant 0 : i32
        %dma_start3A_179 = arith.constant 0 : i32
        %dma_start3A_180 = tpu.memref_slice %arg11[%dma_start3A_178, %dma_start3A_179] : memref<128x128xf32, #tpu.memory_space<vmem>> -> memref<128x128xf32, #tpu.memory_space<vmem>>
        %dma_start3A_181 = arith.constant 0 : i32
        %dma_start3A_182 = tpu.memref_slice %arg7[%add3A_111, %dma_start3A_181] : memref<10000x256xf32, #tpu.memory_space<hbm>> -> memref<128x128xf32, #tpu.memory_space<hbm>>
        %dma_start3A_183 = arith.constant 0 : i32
        %dma_start3A_184 = tpu.memref_slice %arg7[%add3A_111, %dma_start3A_183] : memref<10000x256xf32, #tpu.memory_space<hbm>> -> memref<128x128xf32, #tpu.memory_space<hbm>>
        %dma_start3A_185 = arith.constant 0 : i32
        %dma_start3A_186 = arith.constant 0 : i32
        %dma_start3A_187 = tpu.memref_slice %arg11[%dma_start3A_185, %dma_start3A_186] : memref<128x128xf32, #tpu.memory_space<vmem>> -> memref<128x128xf32, #tpu.memory_space<vmem>>
        tpu.enqueue_dma source(%dma_start3A_187 : memref<128x128xf32, #tpu.memory_space<vmem>>) target(%dma_start3A_184 : memref<128x128xf32, #tpu.memory_space<hbm>>) target_semaphore(%run_scoped3A : memref<!tpu.dma_semaphore, #tpu.memory_space<semaphore_mem>>)
        %dma_wait3A_188 = arith.constant 0 : i32
        %dma_wait3A_189 = arith.constant 0 : i32
        %dma_wait3A_190 = tpu.memref_slice %arg11[%dma_wait3A_188, %dma_wait3A_189] : memref<128x128xf32, #tpu.memory_space<vmem>> -> memref<128x128xf32, #tpu.memory_space<vmem>>
        %dma_wait3A_191 = arith.constant 0 : i32
        %dma_wait3A_192 = tpu.memref_slice %arg7[%add3A_111, %dma_wait3A_191] : memref<10000x256xf32, #tpu.memory_space<hbm>> -> memref<128x128xf32, #tpu.memory_space<hbm>>
        %dma_wait3A_193 = arith.constant 0 : i32
        %dma_wait3A_194 = tpu.memref_slice %arg7[%add3A_111, %dma_wait3A_193] : memref<10000x256xf32, #tpu.memory_space<hbm>> -> memref<128x128xf32, #tpu.memory_space<hbm>>
        %dma_wait3A_195 = arith.constant 0 : i32
        %dma_wait3A_196 = arith.constant 0 : i32
        %dma_wait3A_197 = tpu.memref_slice %arg11[%dma_wait3A_195, %dma_wait3A_196] : memref<128x128xf32, #tpu.memory_space<vmem>> -> memref<128x128xf32, #tpu.memory_space<vmem>>
        tpu.wait_dma2 semaphore(%run_scoped3A : memref<!tpu.dma_semaphore, #tpu.memory_space<semaphore_mem>>) src(%dma_wait3A_197 : memref<128x128xf32, #tpu.memory_space<vmem>>) dst(%dma_wait3A_194 : memref<128x128xf32, #tpu.memory_space<hbm>>)
        tpu.yield
      }) : () -> ()
      %add3A_112 = arith.constant 256 : i32
      %add3A_113 = arith.addi %mul3A_23, %add3A_112 : i32
      %dma_wait3A_114 = arith.constant 0 : i32
      %dma_wait3A_115 = arith.constant 0 : i32
      %dma_wait3A_116 = tpu.memref_slice %arg10[%dma_wait3A_114, %dma_wait3A_115] : memref<128x128xf32, #tpu.memory_space<vmem>> -> memref<128x128xf32, #tpu.memory_space<vmem>>
      %dma_wait3A_117 = arith.constant 0 : i32
      %dma_wait3A_118 = tpu.memref_slice %arg8[%add3A_113, %dma_wait3A_117] : memref<10240x128xf32, #tpu.memory_space<vmem_shared>> -> memref<128x128xf32, #tpu.memory_space<vmem_shared>>
      %dma_wait3A_119 = arith.constant 0 : i32
      %dma_wait3A_120 = arith.constant 0 : i32
      %dma_wait3A_121 = tpu.memref_slice %arg10[%dma_wait3A_119, %dma_wait3A_120] : memref<128x128xf32, #tpu.memory_space<vmem>> -> memref<128x128xf32, #tpu.memory_space<vmem>>
      %dma_wait3A_122 = arith.constant 0 : i32
      %dma_wait3A_123 = tpu.memref_slice %arg8[%add3A_113, %dma_wait3A_122] : memref<10240x128xf32, #tpu.memory_space<vmem_shared>> -> memref<128x128xf32, #tpu.memory_space<vmem_shared>>
      tpu.wait_dma2 semaphore(%arg12 : memref<!tpu.dma_semaphore, #tpu.memory_space<semaphore_mem>>) src(%dma_wait3A_123 : memref<128x128xf32, #tpu.memory_space<vmem_shared>>) dst(%dma_wait3A_121 : memref<128x128xf32, #tpu.memory_space<vmem>>)
      %add3A_124 = arith.constant 384 : i32
      %add3A_125 = arith.addi %mul3A_23, %add3A_124 : i32
      %dma_start3A_126 = arith.constant 0 : i32
      %dma_start3A_127 = arith.constant 0 : i32
      %dma_start3A_128 = tpu.memref_slice %arg11[%dma_start3A_126, %dma_start3A_127] : memref<128x128xf32, #tpu.memory_space<vmem>> -> memref<128x128xf32, #tpu.memory_space<vmem>>
      %dma_start3A_129 = arith.constant 0 : i32
      %dma_start3A_130 = tpu.memref_slice %arg8[%add3A_125, %dma_start3A_129] : memref<10240x128xf32, #tpu.memory_space<vmem_shared>> -> memref<128x128xf32, #tpu.memory_space<vmem_shared>>
      %dma_start3A_131 = arith.constant 0 : i32
      %dma_start3A_132 = arith.constant 0 : i32
      %dma_start3A_133 = tpu.memref_slice %arg11[%dma_start3A_131, %dma_start3A_132] : memref<128x128xf32, #tpu.memory_space<vmem>> -> memref<128x128xf32, #tpu.memory_space<vmem>>
      %dma_start3A_134 = arith.constant 0 : i32
      %dma_start3A_135 = tpu.memref_slice %arg8[%add3A_125, %dma_start3A_134] : memref<10240x128xf32, #tpu.memory_space<vmem_shared>> -> memref<128x128xf32, #tpu.memory_space<vmem_shared>>
      tpu.enqueue_dma source(%dma_start3A_135 : memref<128x128xf32, #tpu.memory_space<vmem_shared>>) target(%dma_start3A_133 : memref<128x128xf32, #tpu.memory_space<vmem>>) target_semaphore(%arg13 : memref<!tpu.dma_semaphore, #tpu.memory_space<semaphore_mem>>)
      %add3A_136 = arith.constant 256 : i32
      %add3A_137 = arith.addi %mul3A_23, %add3A_136 : i32
      "tpu.region"() ({
        %run_scoped3A = tpu.sem_alloc : memref<!tpu.dma_semaphore, #tpu.memory_space<semaphore_mem>>
        %dma_start3A_178 = arith.constant 0 : i32
        %dma_start3A_179 = arith.constant 0 : i32
        %dma_start3A_180 = tpu.memref_slice %arg10[%dma_start3A_178, %dma_start3A_179] : memref<128x128xf32, #tpu.memory_space<vmem>> -> memref<128x128xf32, #tpu.memory_space<vmem>>
        %dma_start3A_181 = arith.constant 0 : i32
        %dma_start3A_182 = tpu.memref_slice %arg7[%add3A_137, %dma_start3A_181] : memref<10000x256xf32, #tpu.memory_space<hbm>> -> memref<128x128xf32, #tpu.memory_space<hbm>>
        %dma_start3A_183 = arith.constant 0 : i32
        %dma_start3A_184 = tpu.memref_slice %arg7[%add3A_137, %dma_start3A_183] : memref<10000x256xf32, #tpu.memory_space<hbm>> -> memref<128x128xf32, #tpu.memory_space<hbm>>
        %dma_start3A_185 = arith.constant 0 : i32
        %dma_start3A_186 = arith.constant 0 : i32
        %dma_start3A_187 = tpu.memref_slice %arg10[%dma_start3A_185, %dma_start3A_186] : memref<128x128xf32, #tpu.memory_space<vmem>> -> memref<128x128xf32, #tpu.memory_space<vmem>>
        tpu.enqueue_dma source(%dma_start3A_187 : memref<128x128xf32, #tpu.memory_space<vmem>>) target(%dma_start3A_184 : memref<128x128xf32, #tpu.memory_space<hbm>>) target_semaphore(%run_scoped3A : memref<!tpu.dma_semaphore, #tpu.memory_space<semaphore_mem>>)
        %dma_wait3A_188 = arith.constant 0 : i32
        %dma_wait3A_189 = arith.constant 0 : i32
        %dma_wait3A_190 = tpu.memref_slice %arg10[%dma_wait3A_188, %dma_wait3A_189] : memref<128x128xf32, #tpu.memory_space<vmem>> -> memref<128x128xf32, #tpu.memory_space<vmem>>
        %dma_wait3A_191 = arith.constant 0 : i32
        %dma_wait3A_192 = tpu.memref_slice %arg7[%add3A_137, %dma_wait3A_191] : memref<10000x256xf32, #tpu.memory_space<hbm>> -> memref<128x128xf32, #tpu.memory_space<hbm>>
        %dma_wait3A_193 = arith.constant 0 : i32
        %dma_wait3A_194 = tpu.memref_slice %arg7[%add3A_137, %dma_wait3A_193] : memref<10000x256xf32, #tpu.memory_space<hbm>> -> memref<128x128xf32, #tpu.memory_space<hbm>>
        %dma_wait3A_195 = arith.constant 0 : i32
        %dma_wait3A_196 = arith.constant 0 : i32
        %dma_wait3A_197 = tpu.memref_slice %arg10[%dma_wait3A_195, %dma_wait3A_196] : memref<128x128xf32, #tpu.memory_space<vmem>> -> memref<128x128xf32, #tpu.memory_space<vmem>>
        tpu.wait_dma2 semaphore(%run_scoped3A : memref<!tpu.dma_semaphore, #tpu.memory_space<semaphore_mem>>) src(%dma_wait3A_197 : memref<128x128xf32, #tpu.memory_space<vmem>>) dst(%dma_wait3A_194 : memref<128x128xf32, #tpu.memory_space<hbm>>)
        tpu.yield
      }) : () -> ()
      %add3A_138 = arith.constant 384 : i32
      %add3A_139 = arith.addi %mul3A_23, %add3A_138 : i32
      %dma_wait3A_140 = arith.constant 0 : i32
      %dma_wait3A_141 = arith.constant 0 : i32
      %dma_wait3A_142 = tpu.memref_slice %arg11[%dma_wait3A_140, %dma_wait3A_141] : memref<128x128xf32, #tpu.memory_space<vmem>> -> memref<128x128xf32, #tpu.memory_space<vmem>>
      %dma_wait3A_143 = arith.constant 0 : i32
      %dma_wait3A_144 = tpu.memref_slice %arg8[%add3A_139, %dma_wait3A_143] : memref<10240x128xf32, #tpu.memory_space<vmem_shared>> -> memref<128x128xf32, #tpu.memory_space<vmem_shared>>
      %dma_wait3A_145 = arith.constant 0 : i32
      %dma_wait3A_146 = arith.constant 0 : i32
      %dma_wait3A_147 = tpu.memref_slice %arg11[%dma_wait3A_145, %dma_wait3A_146] : memref<128x128xf32, #tpu.memory_space<vmem>> -> memref<128x128xf32, #tpu.memory_space<vmem>>
      %dma_wait3A_148 = arith.constant 0 : i32
      %dma_wait3A_149 = tpu.memref_slice %arg8[%add3A_139, %dma_wait3A_148] : memref<10240x128xf32, #tpu.memory_space<vmem_shared>> -> memref<128x128xf32, #tpu.memory_space<vmem_shared>>
      tpu.wait_dma2 semaphore(%arg13 : memref<!tpu.dma_semaphore, #tpu.memory_space<semaphore_mem>>) src(%dma_wait3A_149 : memref<128x128xf32, #tpu.memory_space<vmem_shared>>) dst(%dma_wait3A_147 : memref<128x128xf32, #tpu.memory_space<vmem>>)
      %add3A_150 = arith.constant 512 : i32
      %add3A_151 = arith.addi %mul3A_23, %add3A_150 : i32
      %dma_start3A_152 = arith.constant 0 : i32
      %dma_start3A_153 = arith.constant 0 : i32
      %dma_start3A_154 = tpu.memref_slice %arg10[%dma_start3A_152, %dma_start3A_153] : memref<128x128xf32, #tpu.memory_space<vmem>> -> memref<120x128xf32, #tpu.memory_space<vmem>>
      %dma_start3A_155 = arith.constant 0 : i32
      %dma_start3A_156 = tpu.memref_slice %arg8[%add3A_151, %dma_start3A_155] : memref<10240x128xf32, #tpu.memory_space<vmem_shared>> -> memref<120x128xf32, #tpu.memory_space<vmem_shared>>
      %dma_start3A_157 = arith.constant 0 : i32
      %dma_start3A_158 = arith.constant 0 : i32
      %dma_start3A_159 = tpu.memref_slice %arg10[%dma_start3A_157, %dma_start3A_158] : memref<128x128xf32, #tpu.memory_space<vmem>> -> memref<120x128xf32, #tpu.memory_space<vmem>>
      %dma_start3A_160 = arith.constant 0 : i32
      %dma_start3A_161 = tpu.memref_slice %arg8[%add3A_151, %dma_start3A_160] : memref<10240x128xf32, #tpu.memory_space<vmem_shared>> -> memref<120x128xf32, #tpu.memory_space<vmem_shared>>
      tpu.enqueue_dma source(%dma_start3A_161 : memref<120x128xf32, #tpu.memory_space<vmem_shared>>) target(%dma_start3A_159 : memref<120x128xf32, #tpu.memory_space<vmem>>) target_semaphore(%arg12 : memref<!tpu.dma_semaphore, #tpu.memory_space<semaphore_mem>>)
      %add3A_162 = arith.constant 384 : i32
      %add3A_163 = arith.addi %mul3A_23, %add3A_162 : i32
      "tpu.region"() ({
        %run_scoped3A = tpu.sem_alloc : memref<!tpu.dma_semaphore, #tpu.memory_space<semaphore_mem>>
        %dma_start3A_178 = arith.constant 0 : i32
        %dma_start3A_179 = arith.constant 0 : i32
        %dma_start3A_180 = tpu.memref_slice %arg11[%dma_start3A_178, %dma_start3A_179] : memref<128x128xf32, #tpu.memory_space<vmem>> -> memref<128x128xf32, #tpu.memory_space<vmem>>
        %dma_start3A_181 = arith.constant 0 : i32
        %dma_start3A_182 = tpu.memref_slice %arg7[%add3A_163, %dma_start3A_181] : memref<10000x256xf32, #tpu.memory_space<hbm>> -> memref<128x128xf32, #tpu.memory_space<hbm>>
        %dma_start3A_183 = arith.constant 0 : i32
        %dma_start3A_184 = tpu.memref_slice %arg7[%add3A_163, %dma_start3A_183] : memref<10000x256xf32, #tpu.memory_space<hbm>> -> memref<128x128xf32, #tpu.memory_space<hbm>>
        %dma_start3A_185 = arith.constant 0 : i32
        %dma_start3A_186 = arith.constant 0 : i32
        %dma_start3A_187 = tpu.memref_slice %arg11[%dma_start3A_185, %dma_start3A_186] : memref<128x128xf32, #tpu.memory_space<vmem>> -> memref<128x128xf32, #tpu.memory_space<vmem>>
        tpu.enqueue_dma source(%dma_start3A_187 : memref<128x128xf32, #tpu.memory_space<vmem>>) target(%dma_start3A_184 : memref<128x128xf32, #tpu.memory_space<hbm>>) target_semaphore(%run_scoped3A : memref<!tpu.dma_semaphore, #tpu.memory_space<semaphore_mem>>)
        %dma_wait3A_188 = arith.constant 0 : i32
        %dma_wait3A_189 = arith.constant 0 : i32
        %dma_wait3A_190 = tpu.memref_slice %arg11[%dma_wait3A_188, %dma_wait3A_189] : memref<128x128xf32, #tpu.memory_space<vmem>> -> memref<128x128xf32, #tpu.memory_space<vmem>>
        %dma_wait3A_191 = arith.constant 0 : i32
        %dma_wait3A_192 = tpu.memref_slice %arg7[%add3A_163, %dma_wait3A_191] : memref<10000x256xf32, #tpu.memory_space<hbm>> -> memref<128x128xf32, #tpu.memory_space<hbm>>
        %dma_wait3A_193 = arith.constant 0 : i32
        %dma_wait3A_194 = tpu.memref_slice %arg7[%add3A_163, %dma_wait3A_193] : memref<10000x256xf32, #tpu.memory_space<hbm>> -> memref<128x128xf32, #tpu.memory_space<hbm>>
        %dma_wait3A_195 = arith.constant 0 : i32
        %dma_wait3A_196 = arith.constant 0 : i32
        %dma_wait3A_197 = tpu.memref_slice %arg11[%dma_wait3A_195, %dma_wait3A_196] : memref<128x128xf32, #tpu.memory_space<vmem>> -> memref<128x128xf32, #tpu.memory_space<vmem>>
        tpu.wait_dma2 semaphore(%run_scoped3A : memref<!tpu.dma_semaphore, #tpu.memory_space<semaphore_mem>>) src(%dma_wait3A_197 : memref<128x128xf32, #tpu.memory_space<vmem>>) dst(%dma_wait3A_194 : memref<128x128xf32, #tpu.memory_space<hbm>>)
        tpu.yield
      }) : () -> ()
      %add3A_164 = arith.constant 512 : i32
      %add3A_165 = arith.addi %mul3A_23, %add3A_164 : i32
      %dma_wait3A_166 = arith.constant 0 : i32
      %dma_wait3A_167 = arith.constant 0 : i32
      %dma_wait3A_168 = tpu.memref_slice %arg10[%dma_wait3A_166, %dma_wait3A_167] : memref<128x128xf32, #tpu.memory_space<vmem>> -> memref<120x128xf32, #tpu.memory_space<vmem>>
      %dma_wait3A_169 = arith.constant 0 : i32
      %dma_wait3A_170 = tpu.memref_slice %arg8[%add3A_165, %dma_wait3A_169] : memref<10240x128xf32, #tpu.memory_space<vmem_shared>> -> memref<120x128xf32, #tpu.memory_space<vmem_shared>>
      %dma_wait3A_171 = arith.constant 0 : i32
      %dma_wait3A_172 = arith.constant 0 : i32
      %dma_wait3A_173 = tpu.memref_slice %arg10[%dma_wait3A_171, %dma_wait3A_172] : memref<128x128xf32, #tpu.memory_space<vmem>> -> memref<120x128xf32, #tpu.memory_space<vmem>>
      %dma_wait3A_174 = arith.constant 0 : i32
      %dma_wait3A_175 = tpu.memref_slice %arg8[%add3A_165, %dma_wait3A_174] : memref<10240x128xf32, #tpu.memory_space<vmem_shared>> -> memref<120x128xf32, #tpu.memory_space<vmem_shared>>
      tpu.wait_dma2 semaphore(%arg12 : memref<!tpu.dma_semaphore, #tpu.memory_space<semaphore_mem>>) src(%dma_wait3A_175 : memref<120x128xf32, #tpu.memory_space<vmem_shared>>) dst(%dma_wait3A_173 : memref<120x128xf32, #tpu.memory_space<vmem>>)
      %add3A_176 = arith.constant 512 : i32
      %add3A_177 = arith.addi %mul3A_23, %add3A_176 : i32
      "tpu.region"() ({
        %run_scoped3A = tpu.sem_alloc : memref<!tpu.dma_semaphore, #tpu.memory_space<semaphore_mem>>
        %dma_start3A_178 = arith.constant 0 : i32
        %dma_start3A_179 = arith.constant 0 : i32
        %dma_start3A_180 = tpu.memref_slice %arg10[%dma_start3A_178, %dma_start3A_179] : memref<128x128xf32, #tpu.memory_space<vmem>> -> memref<120x128xf32, #tpu.memory_space<vmem>>
        %dma_start3A_181 = arith.constant 0 : i32
        %dma_start3A_182 = tpu.memref_slice %arg7[%add3A_177, %dma_start3A_181] : memref<10000x256xf32, #tpu.memory_space<hbm>> -> memref<120x128xf32, #tpu.memory_space<hbm>>
        %dma_start3A_183 = arith.constant 0 : i32
        %dma_start3A_184 = tpu.memref_slice %arg7[%add3A_177, %dma_start3A_183] : memref<10000x256xf32, #tpu.memory_space<hbm>> -> memref<120x128xf32, #tpu.memory_space<hbm>>
        %dma_start3A_185 = arith.constant 0 : i32
        %dma_start3A_186 = arith.constant 0 : i32
        %dma_start3A_187 = tpu.memref_slice %arg10[%dma_start3A_185, %dma_start3A_186] : memref<128x128xf32, #tpu.memory_space<vmem>> -> memref<120x128xf32, #tpu.memory_space<vmem>>
        tpu.enqueue_dma source(%dma_start3A_187 : memref<120x128xf32, #tpu.memory_space<vmem>>) target(%dma_start3A_184 : memref<120x128xf32, #tpu.memory_space<hbm>>) target_semaphore(%run_scoped3A : memref<!tpu.dma_semaphore, #tpu.memory_space<semaphore_mem>>)
        %dma_wait3A_188 = arith.constant 0 : i32
        %dma_wait3A_189 = arith.constant 0 : i32
        %dma_wait3A_190 = tpu.memref_slice %arg10[%dma_wait3A_188, %dma_wait3A_189] : memref<128x128xf32, #tpu.memory_space<vmem>> -> memref<120x128xf32, #tpu.memory_space<vmem>>
        %dma_wait3A_191 = arith.constant 0 : i32
        %dma_wait3A_192 = tpu.memref_slice %arg7[%add3A_177, %dma_wait3A_191] : memref<10000x256xf32, #tpu.memory_space<hbm>> -> memref<120x128xf32, #tpu.memory_space<hbm>>
        %dma_wait3A_193 = arith.constant 0 : i32
        %dma_wait3A_194 = tpu.memref_slice %arg7[%add3A_177, %dma_wait3A_193] : memref<10000x256xf32, #tpu.memory_space<hbm>> -> memref<120x128xf32, #tpu.memory_space<hbm>>
        %dma_wait3A_195 = arith.constant 0 : i32
        %dma_wait3A_196 = arith.constant 0 : i32
        %dma_wait3A_197 = tpu.memref_slice %arg10[%dma_wait3A_195, %dma_wait3A_196] : memref<128x128xf32, #tpu.memory_space<vmem>> -> memref<120x128xf32, #tpu.memory_space<vmem>>
        tpu.wait_dma2 semaphore(%run_scoped3A : memref<!tpu.dma_semaphore, #tpu.memory_space<semaphore_mem>>) src(%dma_wait3A_197 : memref<120x128xf32, #tpu.memory_space<vmem>>) dst(%dma_wait3A_194 : memref<120x128xf32, #tpu.memory_space<hbm>>)
        tpu.yield
      }) : () -> ()
    } else {
    }
    %eq3A_27 = arith.constant 0 : i32
    %eq3A_28 = arith.cmpi eq, %arg0, %eq3A_27 : i32
    %eq3A_29 = arith.constant 15 : i32
    %eq3A_30 = arith.cmpi eq, %arg1, %eq3A_29 : i32
    %and3A_31 = arith.andi %eq3A_28, %eq3A_30 : i1
    %convert_element_type3A_32 = arith.extui %and3A_31 : i1 to i32
    %cond3A_33 = arith.constant 0 : i32
    %cond3A_34 = arith.cmpi ne, %convert_element_type3A_32, %cond3A_33 : i32
    scf.if %cond3A_34 {
      %dma_start3A = arith.constant 0 : i32
      %dma_start3A_53 = arith.constant 0 : i32
      %dma_start3A_54 = tpu.memref_slice %arg10[%dma_start3A, %dma_start3A_53] : memref<128x128xf32, #tpu.memory_space<vmem>> -> memref<128x128xf32, #tpu.memory_space<vmem>>
      %dma_start3A_55 = arith.constant 9480 : i32
      %dma_start3A_56 = arith.constant 0 : i32
      %dma_start3A_57 = tpu.memref_slice %arg8[%dma_start3A_55, %dma_start3A_56] : memref<10240x128xf32, #tpu.memory_space<vmem_shared>> -> memref<128x128xf32, #tpu.memory_space<vmem_shared>>
      %dma_start3A_58 = arith.constant 0 : i32
      %dma_start3A_59 = arith.constant 0 : i32
      %dma_start3A_60 = tpu.memref_slice %arg10[%dma_start3A_58, %dma_start3A_59] : memref<128x128xf32, #tpu.memory_space<vmem>> -> memref<128x128xf32, #tpu.memory_space<vmem>>
      %dma_start3A_61 = arith.constant 9480 : i32
      %dma_start3A_62 = arith.constant 0 : i32
      %dma_start3A_63 = tpu.memref_slice %arg8[%dma_start3A_61, %dma_start3A_62] : memref<10240x128xf32, #tpu.memory_space<vmem_shared>> -> memref<128x128xf32, #tpu.memory_space<vmem_shared>>
      tpu.enqueue_dma source(%dma_start3A_63 : memref<128x128xf32, #tpu.memory_space<vmem_shared>>) target(%dma_start3A_60 : memref<128x128xf32, #tpu.memory_space<vmem>>) target_semaphore(%arg12 : memref<!tpu.dma_semaphore, #tpu.memory_space<semaphore_mem>>)
      %dma_wait3A = arith.constant 0 : i32
      %dma_wait3A_64 = arith.constant 0 : i32
      %dma_wait3A_65 = tpu.memref_slice %arg10[%dma_wait3A, %dma_wait3A_64] : memref<128x128xf32, #tpu.memory_space<vmem>> -> memref<128x128xf32, #tpu.memory_space<vmem>>
      %dma_wait3A_66 = arith.constant 9480 : i32
      %dma_wait3A_67 = arith.constant 0 : i32
      %dma_wait3A_68 = tpu.memref_slice %arg8[%dma_wait3A_66, %dma_wait3A_67] : memref<10240x128xf32, #tpu.memory_space<vmem_shared>> -> memref<128x128xf32, #tpu.memory_space<vmem_shared>>
      %dma_wait3A_69 = arith.constant 0 : i32
      %dma_wait3A_70 = arith.constant 0 : i32
      %dma_wait3A_71 = tpu.memref_slice %arg10[%dma_wait3A_69, %dma_wait3A_70] : memref<128x128xf32, #tpu.memory_space<vmem>> -> memref<128x128xf32, #tpu.memory_space<vmem>>
      %dma_wait3A_72 = arith.constant 9480 : i32
      %dma_wait3A_73 = arith.constant 0 : i32
      %dma_wait3A_74 = tpu.memref_slice %arg8[%dma_wait3A_72, %dma_wait3A_73] : memref<10240x128xf32, #tpu.memory_space<vmem_shared>> -> memref<128x128xf32, #tpu.memory_space<vmem_shared>>
      tpu.wait_dma2 semaphore(%arg12 : memref<!tpu.dma_semaphore, #tpu.memory_space<semaphore_mem>>) src(%dma_wait3A_74 : memref<128x128xf32, #tpu.memory_space<vmem_shared>>) dst(%dma_wait3A_71 : memref<128x128xf32, #tpu.memory_space<vmem>>)
      %dma_start3A_75 = arith.constant 0 : i32
      %dma_start3A_76 = arith.constant 0 : i32
      %dma_start3A_77 = tpu.memref_slice %arg11[%dma_start3A_75, %dma_start3A_76] : memref<128x128xf32, #tpu.memory_space<vmem>> -> memref<128x128xf32, #tpu.memory_space<vmem>>
      %dma_start3A_78 = arith.constant 9608 : i32
      %dma_start3A_79 = arith.constant 0 : i32
      %dma_start3A_80 = tpu.memref_slice %arg8[%dma_start3A_78, %dma_start3A_79] : memref<10240x128xf32, #tpu.memory_space<vmem_shared>> -> memref<128x128xf32, #tpu.memory_space<vmem_shared>>
      %dma_start3A_81 = arith.constant 0 : i32
      %dma_start3A_82 = arith.constant 0 : i32
      %dma_start3A_83 = tpu.memref_slice %arg11[%dma_start3A_81, %dma_start3A_82] : memref<128x128xf32, #tpu.memory_space<vmem>> -> memref<128x128xf32, #tpu.memory_space<vmem>>
      %dma_start3A_84 = arith.constant 9608 : i32
      %dma_start3A_85 = arith.constant 0 : i32
      %dma_start3A_86 = tpu.memref_slice %arg8[%dma_start3A_84, %dma_start3A_85] : memref<10240x128xf32, #tpu.memory_space<vmem_shared>> -> memref<128x128xf32, #tpu.memory_space<vmem_shared>>
      tpu.enqueue_dma source(%dma_start3A_86 : memref<128x128xf32, #tpu.memory_space<vmem_shared>>) target(%dma_start3A_83 : memref<128x128xf32, #tpu.memory_space<vmem>>) target_semaphore(%arg13 : memref<!tpu.dma_semaphore, #tpu.memory_space<semaphore_mem>>)
      "tpu.region"() ({
        %run_scoped3A = tpu.sem_alloc : memref<!tpu.dma_semaphore, #tpu.memory_space<semaphore_mem>>
        %dma_start3A_171 = arith.constant 0 : i32
        %dma_start3A_172 = arith.constant 0 : i32
        %dma_start3A_173 = tpu.memref_slice %arg10[%dma_start3A_171, %dma_start3A_172] : memref<128x128xf32, #tpu.memory_space<vmem>> -> memref<128x128xf32, #tpu.memory_space<vmem>>
        %dma_start3A_174 = arith.constant 9480 : i32
        %dma_start3A_175 = arith.constant 0 : i32
        %dma_start3A_176 = tpu.memref_slice %arg7[%dma_start3A_174, %dma_start3A_175] : memref<10000x256xf32, #tpu.memory_space<hbm>> -> memref<128x128xf32, #tpu.memory_space<hbm>>
        %dma_start3A_177 = arith.constant 9480 : i32
        %dma_start3A_178 = arith.constant 0 : i32
        %dma_start3A_179 = tpu.memref_slice %arg7[%dma_start3A_177, %dma_start3A_178] : memref<10000x256xf32, #tpu.memory_space<hbm>> -> memref<128x128xf32, #tpu.memory_space<hbm>>
        %dma_start3A_180 = arith.constant 0 : i32
        %dma_start3A_181 = arith.constant 0 : i32
        %dma_start3A_182 = tpu.memref_slice %arg10[%dma_start3A_180, %dma_start3A_181] : memref<128x128xf32, #tpu.memory_space<vmem>> -> memref<128x128xf32, #tpu.memory_space<vmem>>
        tpu.enqueue_dma source(%dma_start3A_182 : memref<128x128xf32, #tpu.memory_space<vmem>>) target(%dma_start3A_179 : memref<128x128xf32, #tpu.memory_space<hbm>>) target_semaphore(%run_scoped3A : memref<!tpu.dma_semaphore, #tpu.memory_space<semaphore_mem>>)
        %dma_wait3A_183 = arith.constant 0 : i32
        %dma_wait3A_184 = arith.constant 0 : i32
        %dma_wait3A_185 = tpu.memref_slice %arg10[%dma_wait3A_183, %dma_wait3A_184] : memref<128x128xf32, #tpu.memory_space<vmem>> -> memref<128x128xf32, #tpu.memory_space<vmem>>
        %dma_wait3A_186 = arith.constant 9480 : i32
        %dma_wait3A_187 = arith.constant 0 : i32
        %dma_wait3A_188 = tpu.memref_slice %arg7[%dma_wait3A_186, %dma_wait3A_187] : memref<10000x256xf32, #tpu.memory_space<hbm>> -> memref<128x128xf32, #tpu.memory_space<hbm>>
        %dma_wait3A_189 = arith.constant 9480 : i32
        %dma_wait3A_190 = arith.constant 0 : i32
        %dma_wait3A_191 = tpu.memref_slice %arg7[%dma_wait3A_189, %dma_wait3A_190] : memref<10000x256xf32, #tpu.memory_space<hbm>> -> memref<128x128xf32, #tpu.memory_space<hbm>>
        %dma_wait3A_192 = arith.constant 0 : i32
        %dma_wait3A_193 = arith.constant 0 : i32
        %dma_wait3A_194 = tpu.memref_slice %arg10[%dma_wait3A_192, %dma_wait3A_193] : memref<128x128xf32, #tpu.memory_space<vmem>> -> memref<128x128xf32, #tpu.memory_space<vmem>>
        tpu.wait_dma2 semaphore(%run_scoped3A : memref<!tpu.dma_semaphore, #tpu.memory_space<semaphore_mem>>) src(%dma_wait3A_194 : memref<128x128xf32, #tpu.memory_space<vmem>>) dst(%dma_wait3A_191 : memref<128x128xf32, #tpu.memory_space<hbm>>)
        tpu.yield
      }) : () -> ()
      %dma_wait3A_87 = arith.constant 0 : i32
      %dma_wait3A_88 = arith.constant 0 : i32
      %dma_wait3A_89 = tpu.memref_slice %arg11[%dma_wait3A_87, %dma_wait3A_88] : memref<128x128xf32, #tpu.memory_space<vmem>> -> memref<128x128xf32, #tpu.memory_space<vmem>>
      %dma_wait3A_90 = arith.constant 9608 : i32
      %dma_wait3A_91 = arith.constant 0 : i32
      %dma_wait3A_92 = tpu.memref_slice %arg8[%dma_wait3A_90, %dma_wait3A_91] : memref<10240x128xf32, #tpu.memory_space<vmem_shared>> -> memref<128x128xf32, #tpu.memory_space<vmem_shared>>
      %dma_wait3A_93 = arith.constant 0 : i32
      %dma_wait3A_94 = arith.constant 0 : i32
      %dma_wait3A_95 = tpu.memref_slice %arg11[%dma_wait3A_93, %dma_wait3A_94] : memref<128x128xf32, #tpu.memory_space<vmem>> -> memref<128x128xf32, #tpu.memory_space<vmem>>
      %dma_wait3A_96 = arith.constant 9608 : i32
      %dma_wait3A_97 = arith.constant 0 : i32
      %dma_wait3A_98 = tpu.memref_slice %arg8[%dma_wait3A_96, %dma_wait3A_97] : memref<10240x128xf32, #tpu.memory_space<vmem_shared>> -> memref<128x128xf32, #tpu.memory_space<vmem_shared>>
      tpu.wait_dma2 semaphore(%arg13 : memref<!tpu.dma_semaphore, #tpu.memory_space<semaphore_mem>>) src(%dma_wait3A_98 : memref<128x128xf32, #tpu.memory_space<vmem_shared>>) dst(%dma_wait3A_95 : memref<128x128xf32, #tpu.memory_space<vmem>>)
      %dma_start3A_99 = arith.constant 0 : i32
      %dma_start3A_100 = arith.constant 0 : i32
      %dma_start3A_101 = tpu.memref_slice %arg10[%dma_start3A_99, %dma_start3A_100] : memref<128x128xf32, #tpu.memory_space<vmem>> -> memref<128x128xf32, #tpu.memory_space<vmem>>
      %dma_start3A_102 = arith.constant 9736 : i32
      %dma_start3A_103 = arith.constant 0 : i32
      %dma_start3A_104 = tpu.memref_slice %arg8[%dma_start3A_102, %dma_start3A_103] : memref<10240x128xf32, #tpu.memory_space<vmem_shared>> -> memref<128x128xf32, #tpu.memory_space<vmem_shared>>
      %dma_start3A_105 = arith.constant 0 : i32
      %dma_start3A_106 = arith.constant 0 : i32
      %dma_start3A_107 = tpu.memref_slice %arg10[%dma_start3A_105, %dma_start3A_106] : memref<128x128xf32, #tpu.memory_space<vmem>> -> memref<128x128xf32, #tpu.memory_space<vmem>>
      %dma_start3A_108 = arith.constant 9736 : i32
      %dma_start3A_109 = arith.constant 0 : i32
      %dma_start3A_110 = tpu.memref_slice %arg8[%dma_start3A_108, %dma_start3A_109] : memref<10240x128xf32, #tpu.memory_space<vmem_shared>> -> memref<128x128xf32, #tpu.memory_space<vmem_shared>>
      tpu.enqueue_dma source(%dma_start3A_110 : memref<128x128xf32, #tpu.memory_space<vmem_shared>>) target(%dma_start3A_107 : memref<128x128xf32, #tpu.memory_space<vmem>>) target_semaphore(%arg12 : memref<!tpu.dma_semaphore, #tpu.memory_space<semaphore_mem>>)
      "tpu.region"() ({
        %run_scoped3A = tpu.sem_alloc : memref<!tpu.dma_semaphore, #tpu.memory_space<semaphore_mem>>
        %dma_start3A_171 = arith.constant 0 : i32
        %dma_start3A_172 = arith.constant 0 : i32
        %dma_start3A_173 = tpu.memref_slice %arg11[%dma_start3A_171, %dma_start3A_172] : memref<128x128xf32, #tpu.memory_space<vmem>> -> memref<128x128xf32, #tpu.memory_space<vmem>>
        %dma_start3A_174 = arith.constant 9608 : i32
        %dma_start3A_175 = arith.constant 0 : i32
        %dma_start3A_176 = tpu.memref_slice %arg7[%dma_start3A_174, %dma_start3A_175] : memref<10000x256xf32, #tpu.memory_space<hbm>> -> memref<128x128xf32, #tpu.memory_space<hbm>>
        %dma_start3A_177 = arith.constant 9608 : i32
        %dma_start3A_178 = arith.constant 0 : i32
        %dma_start3A_179 = tpu.memref_slice %arg7[%dma_start3A_177, %dma_start3A_178] : memref<10000x256xf32, #tpu.memory_space<hbm>> -> memref<128x128xf32, #tpu.memory_space<hbm>>
        %dma_start3A_180 = arith.constant 0 : i32
        %dma_start3A_181 = arith.constant 0 : i32
        %dma_start3A_182 = tpu.memref_slice %arg11[%dma_start3A_180, %dma_start3A_181] : memref<128x128xf32, #tpu.memory_space<vmem>> -> memref<128x128xf32, #tpu.memory_space<vmem>>
        tpu.enqueue_dma source(%dma_start3A_182 : memref<128x128xf32, #tpu.memory_space<vmem>>) target(%dma_start3A_179 : memref<128x128xf32, #tpu.memory_space<hbm>>) target_semaphore(%run_scoped3A : memref<!tpu.dma_semaphore, #tpu.memory_space<semaphore_mem>>)
        %dma_wait3A_183 = arith.constant 0 : i32
        %dma_wait3A_184 = arith.constant 0 : i32
        %dma_wait3A_185 = tpu.memref_slice %arg11[%dma_wait3A_183, %dma_wait3A_184] : memref<128x128xf32, #tpu.memory_space<vmem>> -> memref<128x128xf32, #tpu.memory_space<vmem>>
        %dma_wait3A_186 = arith.constant 9608 : i32
        %dma_wait3A_187 = arith.constant 0 : i32
        %dma_wait3A_188 = tpu.memref_slice %arg7[%dma_wait3A_186, %dma_wait3A_187] : memref<10000x256xf32, #tpu.memory_space<hbm>> -> memref<128x128xf32, #tpu.memory_space<hbm>>
        %dma_wait3A_189 = arith.constant 9608 : i32
        %dma_wait3A_190 = arith.constant 0 : i32
        %dma_wait3A_191 = tpu.memref_slice %arg7[%dma_wait3A_189, %dma_wait3A_190] : memref<10000x256xf32, #tpu.memory_space<hbm>> -> memref<128x128xf32, #tpu.memory_space<hbm>>
        %dma_wait3A_192 = arith.constant 0 : i32
        %dma_wait3A_193 = arith.constant 0 : i32
        %dma_wait3A_194 = tpu.memref_slice %arg11[%dma_wait3A_192, %dma_wait3A_193] : memref<128x128xf32, #tpu.memory_space<vmem>> -> memref<128x128xf32, #tpu.memory_space<vmem>>
        tpu.wait_dma2 semaphore(%run_scoped3A : memref<!tpu.dma_semaphore, #tpu.memory_space<semaphore_mem>>) src(%dma_wait3A_194 : memref<128x128xf32, #tpu.memory_space<vmem>>) dst(%dma_wait3A_191 : memref<128x128xf32, #tpu.memory_space<hbm>>)
        tpu.yield
      }) : () -> ()
      %dma_wait3A_111 = arith.constant 0 : i32
      %dma_wait3A_112 = arith.constant 0 : i32
      %dma_wait3A_113 = tpu.memref_slice %arg10[%dma_wait3A_111, %dma_wait3A_112] : memref<128x128xf32, #tpu.memory_space<vmem>> -> memref<128x128xf32, #tpu.memory_space<vmem>>
      %dma_wait3A_114 = arith.constant 9736 : i32
      %dma_wait3A_115 = arith.constant 0 : i32
      %dma_wait3A_116 = tpu.memref_slice %arg8[%dma_wait3A_114, %dma_wait3A_115] : memref<10240x128xf32, #tpu.memory_space<vmem_shared>> -> memref<128x128xf32, #tpu.memory_space<vmem_shared>>
      %dma_wait3A_117 = arith.constant 0 : i32
      %dma_wait3A_118 = arith.constant 0 : i32
      %dma_wait3A_119 = tpu.memref_slice %arg10[%dma_wait3A_117, %dma_wait3A_118] : memref<128x128xf32, #tpu.memory_space<vmem>> -> memref<128x128xf32, #tpu.memory_space<vmem>>
      %dma_wait3A_120 = arith.constant 9736 : i32
      %dma_wait3A_121 = arith.constant 0 : i32
      %dma_wait3A_122 = tpu.memref_slice %arg8[%dma_wait3A_120, %dma_wait3A_121] : memref<10240x128xf32, #tpu.memory_space<vmem_shared>> -> memref<128x128xf32, #tpu.memory_space<vmem_shared>>
      tpu.wait_dma2 semaphore(%arg12 : memref<!tpu.dma_semaphore, #tpu.memory_space<semaphore_mem>>) src(%dma_wait3A_122 : memref<128x128xf32, #tpu.memory_space<vmem_shared>>) dst(%dma_wait3A_119 : memref<128x128xf32, #tpu.memory_space<vmem>>)
      %dma_start3A_123 = arith.constant 0 : i32
      %dma_start3A_124 = arith.constant 0 : i32
      %dma_start3A_125 = tpu.memref_slice %arg11[%dma_start3A_123, %dma_start3A_124] : memref<128x128xf32, #tpu.memory_space<vmem>> -> memref<128x128xf32, #tpu.memory_space<vmem>>
      %dma_start3A_126 = arith.constant 9864 : i32
      %dma_start3A_127 = arith.constant 0 : i32
      %dma_start3A_128 = tpu.memref_slice %arg8[%dma_start3A_126, %dma_start3A_127] : memref<10240x128xf32, #tpu.memory_space<vmem_shared>> -> memref<128x128xf32, #tpu.memory_space<vmem_shared>>
      %dma_start3A_129 = arith.constant 0 : i32
      %dma_start3A_130 = arith.constant 0 : i32
      %dma_start3A_131 = tpu.memref_slice %arg11[%dma_start3A_129, %dma_start3A_130] : memref<128x128xf32, #tpu.memory_space<vmem>> -> memref<128x128xf32, #tpu.memory_space<vmem>>
      %dma_start3A_132 = arith.constant 9864 : i32
      %dma_start3A_133 = arith.constant 0 : i32
      %dma_start3A_134 = tpu.memref_slice %arg8[%dma_start3A_132, %dma_start3A_133] : memref<10240x128xf32, #tpu.memory_space<vmem_shared>> -> memref<128x128xf32, #tpu.memory_space<vmem_shared>>
      tpu.enqueue_dma source(%dma_start3A_134 : memref<128x128xf32, #tpu.memory_space<vmem_shared>>) target(%dma_start3A_131 : memref<128x128xf32, #tpu.memory_space<vmem>>) target_semaphore(%arg13 : memref<!tpu.dma_semaphore, #tpu.memory_space<semaphore_mem>>)
      "tpu.region"() ({
        %run_scoped3A = tpu.sem_alloc : memref<!tpu.dma_semaphore, #tpu.memory_space<semaphore_mem>>
        %dma_start3A_171 = arith.constant 0 : i32
        %dma_start3A_172 = arith.constant 0 : i32
        %dma_start3A_173 = tpu.memref_slice %arg10[%dma_start3A_171, %dma_start3A_172] : memref<128x128xf32, #tpu.memory_space<vmem>> -> memref<128x128xf32, #tpu.memory_space<vmem>>
        %dma_start3A_174 = arith.constant 9736 : i32
        %dma_start3A_175 = arith.constant 0 : i32
        %dma_start3A_176 = tpu.memref_slice %arg7[%dma_start3A_174, %dma_start3A_175] : memref<10000x256xf32, #tpu.memory_space<hbm>> -> memref<128x128xf32, #tpu.memory_space<hbm>>
        %dma_start3A_177 = arith.constant 9736 : i32
        %dma_start3A_178 = arith.constant 0 : i32
        %dma_start3A_179 = tpu.memref_slice %arg7[%dma_start3A_177, %dma_start3A_178] : memref<10000x256xf32, #tpu.memory_space<hbm>> -> memref<128x128xf32, #tpu.memory_space<hbm>>
        %dma_start3A_180 = arith.constant 0 : i32
        %dma_start3A_181 = arith.constant 0 : i32
        %dma_start3A_182 = tpu.memref_slice %arg10[%dma_start3A_180, %dma_start3A_181] : memref<128x128xf32, #tpu.memory_space<vmem>> -> memref<128x128xf32, #tpu.memory_space<vmem>>
        tpu.enqueue_dma source(%dma_start3A_182 : memref<128x128xf32, #tpu.memory_space<vmem>>) target(%dma_start3A_179 : memref<128x128xf32, #tpu.memory_space<hbm>>) target_semaphore(%run_scoped3A : memref<!tpu.dma_semaphore, #tpu.memory_space<semaphore_mem>>)
        %dma_wait3A_183 = arith.constant 0 : i32
        %dma_wait3A_184 = arith.constant 0 : i32
        %dma_wait3A_185 = tpu.memref_slice %arg10[%dma_wait3A_183, %dma_wait3A_184] : memref<128x128xf32, #tpu.memory_space<vmem>> -> memref<128x128xf32, #tpu.memory_space<vmem>>
        %dma_wait3A_186 = arith.constant 9736 : i32
        %dma_wait3A_187 = arith.constant 0 : i32
        %dma_wait3A_188 = tpu.memref_slice %arg7[%dma_wait3A_186, %dma_wait3A_187] : memref<10000x256xf32, #tpu.memory_space<hbm>> -> memref<128x128xf32, #tpu.memory_space<hbm>>
        %dma_wait3A_189 = arith.constant 9736 : i32
        %dma_wait3A_190 = arith.constant 0 : i32
        %dma_wait3A_191 = tpu.memref_slice %arg7[%dma_wait3A_189, %dma_wait3A_190] : memref<10000x256xf32, #tpu.memory_space<hbm>> -> memref<128x128xf32, #tpu.memory_space<hbm>>
        %dma_wait3A_192 = arith.constant 0 : i32
        %dma_wait3A_193 = arith.constant 0 : i32
        %dma_wait3A_194 = tpu.memref_slice %arg10[%dma_wait3A_192, %dma_wait3A_193] : memref<128x128xf32, #tpu.memory_space<vmem>> -> memref<128x128xf32, #tpu.memory_space<vmem>>
        tpu.wait_dma2 semaphore(%run_scoped3A : memref<!tpu.dma_semaphore, #tpu.memory_space<semaphore_mem>>) src(%dma_wait3A_194 : memref<128x128xf32, #tpu.memory_space<vmem>>) dst(%dma_wait3A_191 : memref<128x128xf32, #tpu.memory_space<hbm>>)
        tpu.yield
      }) : () -> ()
      %dma_wait3A_135 = arith.constant 0 : i32
      %dma_wait3A_136 = arith.constant 0 : i32
      %dma_wait3A_137 = tpu.memref_slice %arg11[%dma_wait3A_135, %dma_wait3A_136] : memref<128x128xf32, #tpu.memory_space<vmem>> -> memref<128x128xf32, #tpu.memory_space<vmem>>
      %dma_wait3A_138 = arith.constant 9864 : i32
      %dma_wait3A_139 = arith.constant 0 : i32
      %dma_wait3A_140 = tpu.memref_slice %arg8[%dma_wait3A_138, %dma_wait3A_139] : memref<10240x128xf32, #tpu.memory_space<vmem_shared>> -> memref<128x128xf32, #tpu.memory_space<vmem_shared>>
      %dma_wait3A_141 = arith.constant 0 : i32
      %dma_wait3A_142 = arith.constant 0 : i32
      %dma_wait3A_143 = tpu.memref_slice %arg11[%dma_wait3A_141, %dma_wait3A_142] : memref<128x128xf32, #tpu.memory_space<vmem>> -> memref<128x128xf32, #tpu.memory_space<vmem>>
      %dma_wait3A_144 = arith.constant 9864 : i32
      %dma_wait3A_145 = arith.constant 0 : i32
      %dma_wait3A_146 = tpu.memref_slice %arg8[%dma_wait3A_144, %dma_wait3A_145] : memref<10240x128xf32, #tpu.memory_space<vmem_shared>> -> memref<128x128xf32, #tpu.memory_space<vmem_shared>>
      tpu.wait_dma2 semaphore(%arg13 : memref<!tpu.dma_semaphore, #tpu.memory_space<semaphore_mem>>) src(%dma_wait3A_146 : memref<128x128xf32, #tpu.memory_space<vmem_shared>>) dst(%dma_wait3A_143 : memref<128x128xf32, #tpu.memory_space<vmem>>)
      %dma_start3A_147 = arith.constant 0 : i32
      %dma_start3A_148 = arith.constant 0 : i32
      %dma_start3A_149 = tpu.memref_slice %arg10[%dma_start3A_147, %dma_start3A_148] : memref<128x128xf32, #tpu.memory_space<vmem>> -> memref<8x128xf32, #tpu.memory_space<vmem>>
      %dma_start3A_150 = arith.constant 9992 : i32
      %dma_start3A_151 = arith.constant 0 : i32
      %dma_start3A_152 = tpu.memref_slice %arg8[%dma_start3A_150, %dma_start3A_151] : memref<10240x128xf32, #tpu.memory_space<vmem_shared>> -> memref<8x128xf32, #tpu.memory_space<vmem_shared>>
      %dma_start3A_153 = arith.constant 0 : i32
      %dma_start3A_154 = arith.constant 0 : i32
      %dma_start3A_155 = tpu.memref_slice %arg10[%dma_start3A_153, %dma_start3A_154] : memref<128x128xf32, #tpu.memory_space<vmem>> -> memref<8x128xf32, #tpu.memory_space<vmem>>
      %dma_start3A_156 = arith.constant 9992 : i32
      %dma_start3A_157 = arith.constant 0 : i32
      %dma_start3A_158 = tpu.memref_slice %arg8[%dma_start3A_156, %dma_start3A_157] : memref<10240x128xf32, #tpu.memory_space<vmem_shared>> -> memref<8x128xf32, #tpu.memory_space<vmem_shared>>
      tpu.enqueue_dma source(%dma_start3A_158 : memref<8x128xf32, #tpu.memory_space<vmem_shared>>) target(%dma_start3A_155 : memref<8x128xf32, #tpu.memory_space<vmem>>) target_semaphore(%arg12 : memref<!tpu.dma_semaphore, #tpu.memory_space<semaphore_mem>>)
      "tpu.region"() ({
        %run_scoped3A = tpu.sem_alloc : memref<!tpu.dma_semaphore, #tpu.memory_space<semaphore_mem>>
        %dma_start3A_171 = arith.constant 0 : i32
        %dma_start3A_172 = arith.constant 0 : i32
        %dma_start3A_173 = tpu.memref_slice %arg11[%dma_start3A_171, %dma_start3A_172] : memref<128x128xf32, #tpu.memory_space<vmem>> -> memref<128x128xf32, #tpu.memory_space<vmem>>
        %dma_start3A_174 = arith.constant 9864 : i32
        %dma_start3A_175 = arith.constant 0 : i32
        %dma_start3A_176 = tpu.memref_slice %arg7[%dma_start3A_174, %dma_start3A_175] : memref<10000x256xf32, #tpu.memory_space<hbm>> -> memref<128x128xf32, #tpu.memory_space<hbm>>
        %dma_start3A_177 = arith.constant 9864 : i32
        %dma_start3A_178 = arith.constant 0 : i32
        %dma_start3A_179 = tpu.memref_slice %arg7[%dma_start3A_177, %dma_start3A_178] : memref<10000x256xf32, #tpu.memory_space<hbm>> -> memref<128x128xf32, #tpu.memory_space<hbm>>
        %dma_start3A_180 = arith.constant 0 : i32
        %dma_start3A_181 = arith.constant 0 : i32
        %dma_start3A_182 = tpu.memref_slice %arg11[%dma_start3A_180, %dma_start3A_181] : memref<128x128xf32, #tpu.memory_space<vmem>> -> memref<128x128xf32, #tpu.memory_space<vmem>>
        tpu.enqueue_dma source(%dma_start3A_182 : memref<128x128xf32, #tpu.memory_space<vmem>>) target(%dma_start3A_179 : memref<128x128xf32, #tpu.memory_space<hbm>>) target_semaphore(%run_scoped3A : memref<!tpu.dma_semaphore, #tpu.memory_space<semaphore_mem>>)
        %dma_wait3A_183 = arith.constant 0 : i32
        %dma_wait3A_184 = arith.constant 0 : i32
        %dma_wait3A_185 = tpu.memref_slice %arg11[%dma_wait3A_183, %dma_wait3A_184] : memref<128x128xf32, #tpu.memory_space<vmem>> -> memref<128x128xf32, #tpu.memory_space<vmem>>
        %dma_wait3A_186 = arith.constant 9864 : i32
        %dma_wait3A_187 = arith.constant 0 : i32
        %dma_wait3A_188 = tpu.memref_slice %arg7[%dma_wait3A_186, %dma_wait3A_187] : memref<10000x256xf32, #tpu.memory_space<hbm>> -> memref<128x128xf32, #tpu.memory_space<hbm>>
        %dma_wait3A_189 = arith.constant 9864 : i32
        %dma_wait3A_190 = arith.constant 0 : i32
        %dma_wait3A_191 = tpu.memref_slice %arg7[%dma_wait3A_189, %dma_wait3A_190] : memref<10000x256xf32, #tpu.memory_space<hbm>> -> memref<128x128xf32, #tpu.memory_space<hbm>>
        %dma_wait3A_192 = arith.constant 0 : i32
        %dma_wait3A_193 = arith.constant 0 : i32
        %dma_wait3A_194 = tpu.memref_slice %arg11[%dma_wait3A_192, %dma_wait3A_193] : memref<128x128xf32, #tpu.memory_space<vmem>> -> memref<128x128xf32, #tpu.memory_space<vmem>>
        tpu.wait_dma2 semaphore(%run_scoped3A : memref<!tpu.dma_semaphore, #tpu.memory_space<semaphore_mem>>) src(%dma_wait3A_194 : memref<128x128xf32, #tpu.memory_space<vmem>>) dst(%dma_wait3A_191 : memref<128x128xf32, #tpu.memory_space<hbm>>)
        tpu.yield
      }) : () -> ()
      %dma_wait3A_159 = arith.constant 0 : i32
      %dma_wait3A_160 = arith.constant 0 : i32
      %dma_wait3A_161 = tpu.memref_slice %arg10[%dma_wait3A_159, %dma_wait3A_160] : memref<128x128xf32, #tpu.memory_space<vmem>> -> memref<8x128xf32, #tpu.memory_space<vmem>>
      %dma_wait3A_162 = arith.constant 9992 : i32
      %dma_wait3A_163 = arith.constant 0 : i32
      %dma_wait3A_164 = tpu.memref_slice %arg8[%dma_wait3A_162, %dma_wait3A_163] : memref<10240x128xf32, #tpu.memory_space<vmem_shared>> -> memref<8x128xf32, #tpu.memory_space<vmem_shared>>
      %dma_wait3A_165 = arith.constant 0 : i32
      %dma_wait3A_166 = arith.constant 0 : i32
      %dma_wait3A_167 = tpu.memref_slice %arg10[%dma_wait3A_165, %dma_wait3A_166] : memref<128x128xf32, #tpu.memory_space<vmem>> -> memref<8x128xf32, #tpu.memory_space<vmem>>
      %dma_wait3A_168 = arith.constant 9992 : i32
      %dma_wait3A_169 = arith.constant 0 : i32
      %dma_wait3A_170 = tpu.memref_slice %arg8[%dma_wait3A_168, %dma_wait3A_169] : memref<10240x128xf32, #tpu.memory_space<vmem_shared>> -> memref<8x128xf32, #tpu.memory_space<vmem_shared>>
      tpu.wait_dma2 semaphore(%arg12 : memref<!tpu.dma_semaphore, #tpu.memory_space<semaphore_mem>>) src(%dma_wait3A_170 : memref<8x128xf32, #tpu.memory_space<vmem_shared>>) dst(%dma_wait3A_167 : memref<8x128xf32, #tpu.memory_space<vmem>>)
      "tpu.region"() ({
        %run_scoped3A = tpu.sem_alloc : memref<!tpu.dma_semaphore, #tpu.memory_space<semaphore_mem>>
        %dma_start3A_171 = arith.constant 0 : i32
        %dma_start3A_172 = arith.constant 0 : i32
        %dma_start3A_173 = tpu.memref_slice %arg10[%dma_start3A_171, %dma_start3A_172] : memref<128x128xf32, #tpu.memory_space<vmem>> -> memref<8x128xf32, #tpu.memory_space<vmem>>
        %dma_start3A_174 = arith.constant 9992 : i32
        %dma_start3A_175 = arith.constant 0 : i32
        %dma_start3A_176 = tpu.memref_slice %arg7[%dma_start3A_174, %dma_start3A_175] : memref<10000x256xf32, #tpu.memory_space<hbm>> -> memref<8x128xf32, #tpu.memory_space<hbm>>
        %dma_start3A_177 = arith.constant 9992 : i32
        %dma_start3A_178 = arith.constant 0 : i32
        %dma_start3A_179 = tpu.memref_slice %arg7[%dma_start3A_177, %dma_start3A_178] : memref<10000x256xf32, #tpu.memory_space<hbm>> -> memref<8x128xf32, #tpu.memory_space<hbm>>
        %dma_start3A_180 = arith.constant 0 : i32
        %dma_start3A_181 = arith.constant 0 : i32
        %dma_start3A_182 = tpu.memref_slice %arg10[%dma_start3A_180, %dma_start3A_181] : memref<128x128xf32, #tpu.memory_space<vmem>> -> memref<8x128xf32, #tpu.memory_space<vmem>>
        tpu.enqueue_dma source(%dma_start3A_182 : memref<8x128xf32, #tpu.memory_space<vmem>>) target(%dma_start3A_179 : memref<8x128xf32, #tpu.memory_space<hbm>>) target_semaphore(%run_scoped3A : memref<!tpu.dma_semaphore, #tpu.memory_space<semaphore_mem>>)
        %dma_wait3A_183 = arith.constant 0 : i32
        %dma_wait3A_184 = arith.constant 0 : i32
        %dma_wait3A_185 = tpu.memref_slice %arg10[%dma_wait3A_183, %dma_wait3A_184] : memref<128x128xf32, #tpu.memory_space<vmem>> -> memref<8x128xf32, #tpu.memory_space<vmem>>
        %dma_wait3A_186 = arith.constant 9992 : i32
        %dma_wait3A_187 = arith.constant 0 : i32
        %dma_wait3A_188 = tpu.memref_slice %arg7[%dma_wait3A_186, %dma_wait3A_187] : memref<10000x256xf32, #tpu.memory_space<hbm>> -> memref<8x128xf32, #tpu.memory_space<hbm>>
        %dma_wait3A_189 = arith.constant 9992 : i32
        %dma_wait3A_190 = arith.constant 0 : i32
        %dma_wait3A_191 = tpu.memref_slice %arg7[%dma_wait3A_189, %dma_wait3A_190] : memref<10000x256xf32, #tpu.memory_space<hbm>> -> memref<8x128xf32, #tpu.memory_space<hbm>>
        %dma_wait3A_192 = arith.constant 0 : i32
        %dma_wait3A_193 = arith.constant 0 : i32
        %dma_wait3A_194 = tpu.memref_slice %arg10[%dma_wait3A_192, %dma_wait3A_193] : memref<128x128xf32, #tpu.memory_space<vmem>> -> memref<8x128xf32, #tpu.memory_space<vmem>>
        tpu.wait_dma2 semaphore(%run_scoped3A : memref<!tpu.dma_semaphore, #tpu.memory_space<semaphore_mem>>) src(%dma_wait3A_194 : memref<8x128xf32, #tpu.memory_space<vmem>>) dst(%dma_wait3A_191 : memref<8x128xf32, #tpu.memory_space<hbm>>)
        tpu.yield
      }) : () -> ()
    } else {
    }
    %eq3A_35 = arith.constant 1 : i32
    %eq3A_36 = arith.cmpi eq, %arg0, %eq3A_35 : i32
    %lt3A_37 = arith.constant 15 : i32
    %lt3A_38 = arith.cmpi slt, %arg1, %lt3A_37 : i32
    %and3A_39 = arith.andi %eq3A_36, %lt3A_38 : i1
    %mul3A_40 = arith.constant 632 : i32
    %mul3A_41 = arith.muli %arg1, %mul3A_40 : i32
    %convert_element_type3A_42 = arith.extui %and3A_39 : i1 to i32
    %cond3A_43 = arith.constant 0 : i32
    %cond3A_44 = arith.cmpi ne, %convert_element_type3A_42, %cond3A_43 : i32
    scf.if %cond3A_44 {
      %dma_start3A = arith.constant 0 : i32
      %dma_start3A_53 = arith.constant 0 : i32
      %dma_start3A_54 = tpu.memref_slice %arg10[%dma_start3A, %dma_start3A_53] : memref<128x128xf32, #tpu.memory_space<vmem>> -> memref<128x128xf32, #tpu.memory_space<vmem>>
      %dma_start3A_55 = arith.constant 0 : i32
      %dma_start3A_56 = tpu.memref_slice %arg8[%mul3A_41, %dma_start3A_55] : memref<10240x128xf32, #tpu.memory_space<vmem_shared>> -> memref<128x128xf32, #tpu.memory_space<vmem_shared>>
      %dma_start3A_57 = arith.constant 0 : i32
      %dma_start3A_58 = arith.constant 0 : i32
      %dma_start3A_59 = tpu.memref_slice %arg10[%dma_start3A_57, %dma_start3A_58] : memref<128x128xf32, #tpu.memory_space<vmem>> -> memref<128x128xf32, #tpu.memory_space<vmem>>
      %dma_start3A_60 = arith.constant 0 : i32
      %dma_start3A_61 = tpu.memref_slice %arg8[%mul3A_41, %dma_start3A_60] : memref<10240x128xf32, #tpu.memory_space<vmem_shared>> -> memref<128x128xf32, #tpu.memory_space<vmem_shared>>
      tpu.enqueue_dma source(%dma_start3A_61 : memref<128x128xf32, #tpu.memory_space<vmem_shared>>) target(%dma_start3A_59 : memref<128x128xf32, #tpu.memory_space<vmem>>) target_semaphore(%arg12 : memref<!tpu.dma_semaphore, #tpu.memory_space<semaphore_mem>>)
      %add3A = arith.constant 0 : i32
      %add3A_62 = arith.addi %mul3A_41, %add3A : i32
      %dma_wait3A = arith.constant 0 : i32
      %dma_wait3A_63 = arith.constant 0 : i32
      %dma_wait3A_64 = tpu.memref_slice %arg10[%dma_wait3A, %dma_wait3A_63] : memref<128x128xf32, #tpu.memory_space<vmem>> -> memref<128x128xf32, #tpu.memory_space<vmem>>
      %dma_wait3A_65 = arith.constant 0 : i32
      %dma_wait3A_66 = tpu.memref_slice %arg8[%add3A_62, %dma_wait3A_65] : memref<10240x128xf32, #tpu.memory_space<vmem_shared>> -> memref<128x128xf32, #tpu.memory_space<vmem_shared>>
      %dma_wait3A_67 = arith.constant 0 : i32
      %dma_wait3A_68 = arith.constant 0 : i32
      %dma_wait3A_69 = tpu.memref_slice %arg10[%dma_wait3A_67, %dma_wait3A_68] : memref<128x128xf32, #tpu.memory_space<vmem>> -> memref<128x128xf32, #tpu.memory_space<vmem>>
      %dma_wait3A_70 = arith.constant 0 : i32
      %dma_wait3A_71 = tpu.memref_slice %arg8[%add3A_62, %dma_wait3A_70] : memref<10240x128xf32, #tpu.memory_space<vmem_shared>> -> memref<128x128xf32, #tpu.memory_space<vmem_shared>>
      tpu.wait_dma2 semaphore(%arg12 : memref<!tpu.dma_semaphore, #tpu.memory_space<semaphore_mem>>) src(%dma_wait3A_71 : memref<128x128xf32, #tpu.memory_space<vmem_shared>>) dst(%dma_wait3A_69 : memref<128x128xf32, #tpu.memory_space<vmem>>)
      %add3A_72 = arith.constant 128 : i32
      %add3A_73 = arith.addi %mul3A_41, %add3A_72 : i32
      %dma_start3A_74 = arith.constant 0 : i32
      %dma_start3A_75 = arith.constant 0 : i32
      %dma_start3A_76 = tpu.memref_slice %arg11[%dma_start3A_74, %dma_start3A_75] : memref<128x128xf32, #tpu.memory_space<vmem>> -> memref<128x128xf32, #tpu.memory_space<vmem>>
      %dma_start3A_77 = arith.constant 0 : i32
      %dma_start3A_78 = tpu.memref_slice %arg8[%add3A_73, %dma_start3A_77] : memref<10240x128xf32, #tpu.memory_space<vmem_shared>> -> memref<128x128xf32, #tpu.memory_space<vmem_shared>>
      %dma_start3A_79 = arith.constant 0 : i32
      %dma_start3A_80 = arith.constant 0 : i32
      %dma_start3A_81 = tpu.memref_slice %arg11[%dma_start3A_79, %dma_start3A_80] : memref<128x128xf32, #tpu.memory_space<vmem>> -> memref<128x128xf32, #tpu.memory_space<vmem>>
      %dma_start3A_82 = arith.constant 0 : i32
      %dma_start3A_83 = tpu.memref_slice %arg8[%add3A_73, %dma_start3A_82] : memref<10240x128xf32, #tpu.memory_space<vmem_shared>> -> memref<128x128xf32, #tpu.memory_space<vmem_shared>>
      tpu.enqueue_dma source(%dma_start3A_83 : memref<128x128xf32, #tpu.memory_space<vmem_shared>>) target(%dma_start3A_81 : memref<128x128xf32, #tpu.memory_space<vmem>>) target_semaphore(%arg13 : memref<!tpu.dma_semaphore, #tpu.memory_space<semaphore_mem>>)
      %add3A_84 = arith.constant 0 : i32
      %add3A_85 = arith.addi %mul3A_41, %add3A_84 : i32
      "tpu.region"() ({
        %run_scoped3A = tpu.sem_alloc : memref<!tpu.dma_semaphore, #tpu.memory_space<semaphore_mem>>
        %dma_start3A_178 = arith.constant 0 : i32
        %dma_start3A_179 = arith.constant 0 : i32
        %dma_start3A_180 = tpu.memref_slice %arg10[%dma_start3A_178, %dma_start3A_179] : memref<128x128xf32, #tpu.memory_space<vmem>> -> memref<128x128xf32, #tpu.memory_space<vmem>>
        %dma_start3A_181 = arith.constant 128 : i32
        %dma_start3A_182 = tpu.memref_slice %arg7[%add3A_85, %dma_start3A_181] : memref<10000x256xf32, #tpu.memory_space<hbm>> -> memref<128x128xf32, #tpu.memory_space<hbm>>
        %dma_start3A_183 = arith.constant 128 : i32
        %dma_start3A_184 = tpu.memref_slice %arg7[%add3A_85, %dma_start3A_183] : memref<10000x256xf32, #tpu.memory_space<hbm>> -> memref<128x128xf32, #tpu.memory_space<hbm>>
        %dma_start3A_185 = arith.constant 0 : i32
        %dma_start3A_186 = arith.constant 0 : i32
        %dma_start3A_187 = tpu.memref_slice %arg10[%dma_start3A_185, %dma_start3A_186] : memref<128x128xf32, #tpu.memory_space<vmem>> -> memref<128x128xf32, #tpu.memory_space<vmem>>
        tpu.enqueue_dma source(%dma_start3A_187 : memref<128x128xf32, #tpu.memory_space<vmem>>) target(%dma_start3A_184 : memref<128x128xf32, #tpu.memory_space<hbm>>) target_semaphore(%run_scoped3A : memref<!tpu.dma_semaphore, #tpu.memory_space<semaphore_mem>>)
        %dma_wait3A_188 = arith.constant 0 : i32
        %dma_wait3A_189 = arith.constant 0 : i32
        %dma_wait3A_190 = tpu.memref_slice %arg10[%dma_wait3A_188, %dma_wait3A_189] : memref<128x128xf32, #tpu.memory_space<vmem>> -> memref<128x128xf32, #tpu.memory_space<vmem>>
        %dma_wait3A_191 = arith.constant 128 : i32
        %dma_wait3A_192 = tpu.memref_slice %arg7[%add3A_85, %dma_wait3A_191] : memref<10000x256xf32, #tpu.memory_space<hbm>> -> memref<128x128xf32, #tpu.memory_space<hbm>>
        %dma_wait3A_193 = arith.constant 128 : i32
        %dma_wait3A_194 = tpu.memref_slice %arg7[%add3A_85, %dma_wait3A_193] : memref<10000x256xf32, #tpu.memory_space<hbm>> -> memref<128x128xf32, #tpu.memory_space<hbm>>
        %dma_wait3A_195 = arith.constant 0 : i32
        %dma_wait3A_196 = arith.constant 0 : i32
        %dma_wait3A_197 = tpu.memref_slice %arg10[%dma_wait3A_195, %dma_wait3A_196] : memref<128x128xf32, #tpu.memory_space<vmem>> -> memref<128x128xf32, #tpu.memory_space<vmem>>
        tpu.wait_dma2 semaphore(%run_scoped3A : memref<!tpu.dma_semaphore, #tpu.memory_space<semaphore_mem>>) src(%dma_wait3A_197 : memref<128x128xf32, #tpu.memory_space<vmem>>) dst(%dma_wait3A_194 : memref<128x128xf32, #tpu.memory_space<hbm>>)
        tpu.yield
      }) : () -> ()
      %add3A_86 = arith.constant 128 : i32
      %add3A_87 = arith.addi %mul3A_41, %add3A_86 : i32
      %dma_wait3A_88 = arith.constant 0 : i32
      %dma_wait3A_89 = arith.constant 0 : i32
      %dma_wait3A_90 = tpu.memref_slice %arg11[%dma_wait3A_88, %dma_wait3A_89] : memref<128x128xf32, #tpu.memory_space<vmem>> -> memref<128x128xf32, #tpu.memory_space<vmem>>
      %dma_wait3A_91 = arith.constant 0 : i32
      %dma_wait3A_92 = tpu.memref_slice %arg8[%add3A_87, %dma_wait3A_91] : memref<10240x128xf32, #tpu.memory_space<vmem_shared>> -> memref<128x128xf32, #tpu.memory_space<vmem_shared>>
      %dma_wait3A_93 = arith.constant 0 : i32
      %dma_wait3A_94 = arith.constant 0 : i32
      %dma_wait3A_95 = tpu.memref_slice %arg11[%dma_wait3A_93, %dma_wait3A_94] : memref<128x128xf32, #tpu.memory_space<vmem>> -> memref<128x128xf32, #tpu.memory_space<vmem>>
      %dma_wait3A_96 = arith.constant 0 : i32
      %dma_wait3A_97 = tpu.memref_slice %arg8[%add3A_87, %dma_wait3A_96] : memref<10240x128xf32, #tpu.memory_space<vmem_shared>> -> memref<128x128xf32, #tpu.memory_space<vmem_shared>>
      tpu.wait_dma2 semaphore(%arg13 : memref<!tpu.dma_semaphore, #tpu.memory_space<semaphore_mem>>) src(%dma_wait3A_97 : memref<128x128xf32, #tpu.memory_space<vmem_shared>>) dst(%dma_wait3A_95 : memref<128x128xf32, #tpu.memory_space<vmem>>)
      %add3A_98 = arith.constant 256 : i32
      %add3A_99 = arith.addi %mul3A_41, %add3A_98 : i32
      %dma_start3A_100 = arith.constant 0 : i32
      %dma_start3A_101 = arith.constant 0 : i32
      %dma_start3A_102 = tpu.memref_slice %arg10[%dma_start3A_100, %dma_start3A_101] : memref<128x128xf32, #tpu.memory_space<vmem>> -> memref<128x128xf32, #tpu.memory_space<vmem>>
      %dma_start3A_103 = arith.constant 0 : i32
      %dma_start3A_104 = tpu.memref_slice %arg8[%add3A_99, %dma_start3A_103] : memref<10240x128xf32, #tpu.memory_space<vmem_shared>> -> memref<128x128xf32, #tpu.memory_space<vmem_shared>>
      %dma_start3A_105 = arith.constant 0 : i32
      %dma_start3A_106 = arith.constant 0 : i32
      %dma_start3A_107 = tpu.memref_slice %arg10[%dma_start3A_105, %dma_start3A_106] : memref<128x128xf32, #tpu.memory_space<vmem>> -> memref<128x128xf32, #tpu.memory_space<vmem>>
      %dma_start3A_108 = arith.constant 0 : i32
      %dma_start3A_109 = tpu.memref_slice %arg8[%add3A_99, %dma_start3A_108] : memref<10240x128xf32, #tpu.memory_space<vmem_shared>> -> memref<128x128xf32, #tpu.memory_space<vmem_shared>>
      tpu.enqueue_dma source(%dma_start3A_109 : memref<128x128xf32, #tpu.memory_space<vmem_shared>>) target(%dma_start3A_107 : memref<128x128xf32, #tpu.memory_space<vmem>>) target_semaphore(%arg12 : memref<!tpu.dma_semaphore, #tpu.memory_space<semaphore_mem>>)
      %add3A_110 = arith.constant 128 : i32
      %add3A_111 = arith.addi %mul3A_41, %add3A_110 : i32
      "tpu.region"() ({
        %run_scoped3A = tpu.sem_alloc : memref<!tpu.dma_semaphore, #tpu.memory_space<semaphore_mem>>
        %dma_start3A_178 = arith.constant 0 : i32
        %dma_start3A_179 = arith.constant 0 : i32
        %dma_start3A_180 = tpu.memref_slice %arg11[%dma_start3A_178, %dma_start3A_179] : memref<128x128xf32, #tpu.memory_space<vmem>> -> memref<128x128xf32, #tpu.memory_space<vmem>>
        %dma_start3A_181 = arith.constant 128 : i32
        %dma_start3A_182 = tpu.memref_slice %arg7[%add3A_111, %dma_start3A_181] : memref<10000x256xf32, #tpu.memory_space<hbm>> -> memref<128x128xf32, #tpu.memory_space<hbm>>
        %dma_start3A_183 = arith.constant 128 : i32
        %dma_start3A_184 = tpu.memref_slice %arg7[%add3A_111, %dma_start3A_183] : memref<10000x256xf32, #tpu.memory_space<hbm>> -> memref<128x128xf32, #tpu.memory_space<hbm>>
        %dma_start3A_185 = arith.constant 0 : i32
        %dma_start3A_186 = arith.constant 0 : i32
        %dma_start3A_187 = tpu.memref_slice %arg11[%dma_start3A_185, %dma_start3A_186] : memref<128x128xf32, #tpu.memory_space<vmem>> -> memref<128x128xf32, #tpu.memory_space<vmem>>
        tpu.enqueue_dma source(%dma_start3A_187 : memref<128x128xf32, #tpu.memory_space<vmem>>) target(%dma_start3A_184 : memref<128x128xf32, #tpu.memory_space<hbm>>) target_semaphore(%run_scoped3A : memref<!tpu.dma_semaphore, #tpu.memory_space<semaphore_mem>>)
        %dma_wait3A_188 = arith.constant 0 : i32
        %dma_wait3A_189 = arith.constant 0 : i32
        %dma_wait3A_190 = tpu.memref_slice %arg11[%dma_wait3A_188, %dma_wait3A_189] : memref<128x128xf32, #tpu.memory_space<vmem>> -> memref<128x128xf32, #tpu.memory_space<vmem>>
        %dma_wait3A_191 = arith.constant 128 : i32
        %dma_wait3A_192 = tpu.memref_slice %arg7[%add3A_111, %dma_wait3A_191] : memref<10000x256xf32, #tpu.memory_space<hbm>> -> memref<128x128xf32, #tpu.memory_space<hbm>>
        %dma_wait3A_193 = arith.constant 128 : i32
        %dma_wait3A_194 = tpu.memref_slice %arg7[%add3A_111, %dma_wait3A_193] : memref<10000x256xf32, #tpu.memory_space<hbm>> -> memref<128x128xf32, #tpu.memory_space<hbm>>
        %dma_wait3A_195 = arith.constant 0 : i32
        %dma_wait3A_196 = arith.constant 0 : i32
        %dma_wait3A_197 = tpu.memref_slice %arg11[%dma_wait3A_195, %dma_wait3A_196] : memref<128x128xf32, #tpu.memory_space<vmem>> -> memref<128x128xf32, #tpu.memory_space<vmem>>
        tpu.wait_dma2 semaphore(%run_scoped3A : memref<!tpu.dma_semaphore, #tpu.memory_space<semaphore_mem>>) src(%dma_wait3A_197 : memref<128x128xf32, #tpu.memory_space<vmem>>) dst(%dma_wait3A_194 : memref<128x128xf32, #tpu.memory_space<hbm>>)
        tpu.yield
      }) : () -> ()
      %add3A_112 = arith.constant 256 : i32
      %add3A_113 = arith.addi %mul3A_41, %add3A_112 : i32
      %dma_wait3A_114 = arith.constant 0 : i32
      %dma_wait3A_115 = arith.constant 0 : i32
      %dma_wait3A_116 = tpu.memref_slice %arg10[%dma_wait3A_114, %dma_wait3A_115] : memref<128x128xf32, #tpu.memory_space<vmem>> -> memref<128x128xf32, #tpu.memory_space<vmem>>
      %dma_wait3A_117 = arith.constant 0 : i32
      %dma_wait3A_118 = tpu.memref_slice %arg8[%add3A_113, %dma_wait3A_117] : memref<10240x128xf32, #tpu.memory_space<vmem_shared>> -> memref<128x128xf32, #tpu.memory_space<vmem_shared>>
      %dma_wait3A_119 = arith.constant 0 : i32
      %dma_wait3A_120 = arith.constant 0 : i32
      %dma_wait3A_121 = tpu.memref_slice %arg10[%dma_wait3A_119, %dma_wait3A_120] : memref<128x128xf32, #tpu.memory_space<vmem>> -> memref<128x128xf32, #tpu.memory_space<vmem>>
      %dma_wait3A_122 = arith.constant 0 : i32
      %dma_wait3A_123 = tpu.memref_slice %arg8[%add3A_113, %dma_wait3A_122] : memref<10240x128xf32, #tpu.memory_space<vmem_shared>> -> memref<128x128xf32, #tpu.memory_space<vmem_shared>>
      tpu.wait_dma2 semaphore(%arg12 : memref<!tpu.dma_semaphore, #tpu.memory_space<semaphore_mem>>) src(%dma_wait3A_123 : memref<128x128xf32, #tpu.memory_space<vmem_shared>>) dst(%dma_wait3A_121 : memref<128x128xf32, #tpu.memory_space<vmem>>)
      %add3A_124 = arith.constant 384 : i32
      %add3A_125 = arith.addi %mul3A_41, %add3A_124 : i32
      %dma_start3A_126 = arith.constant 0 : i32
      %dma_start3A_127 = arith.constant 0 : i32
      %dma_start3A_128 = tpu.memref_slice %arg11[%dma_start3A_126, %dma_start3A_127] : memref<128x128xf32, #tpu.memory_space<vmem>> -> memref<128x128xf32, #tpu.memory_space<vmem>>
      %dma_start3A_129 = arith.constant 0 : i32
      %dma_start3A_130 = tpu.memref_slice %arg8[%add3A_125, %dma_start3A_129] : memref<10240x128xf32, #tpu.memory_space<vmem_shared>> -> memref<128x128xf32, #tpu.memory_space<vmem_shared>>
      %dma_start3A_131 = arith.constant 0 : i32
      %dma_start3A_132 = arith.constant 0 : i32
      %dma_start3A_133 = tpu.memref_slice %arg11[%dma_start3A_131, %dma_start3A_132] : memref<128x128xf32, #tpu.memory_space<vmem>> -> memref<128x128xf32, #tpu.memory_space<vmem>>
      %dma_start3A_134 = arith.constant 0 : i32
      %dma_start3A_135 = tpu.memref_slice %arg8[%add3A_125, %dma_start3A_134] : memref<10240x128xf32, #tpu.memory_space<vmem_shared>> -> memref<128x128xf32, #tpu.memory_space<vmem_shared>>
      tpu.enqueue_dma source(%dma_start3A_135 : memref<128x128xf32, #tpu.memory_space<vmem_shared>>) target(%dma_start3A_133 : memref<128x128xf32, #tpu.memory_space<vmem>>) target_semaphore(%arg13 : memref<!tpu.dma_semaphore, #tpu.memory_space<semaphore_mem>>)
      %add3A_136 = arith.constant 256 : i32
      %add3A_137 = arith.addi %mul3A_41, %add3A_136 : i32
      "tpu.region"() ({
        %run_scoped3A = tpu.sem_alloc : memref<!tpu.dma_semaphore, #tpu.memory_space<semaphore_mem>>
        %dma_start3A_178 = arith.constant 0 : i32
        %dma_start3A_179 = arith.constant 0 : i32
        %dma_start3A_180 = tpu.memref_slice %arg10[%dma_start3A_178, %dma_start3A_179] : memref<128x128xf32, #tpu.memory_space<vmem>> -> memref<128x128xf32, #tpu.memory_space<vmem>>
        %dma_start3A_181 = arith.constant 128 : i32
        %dma_start3A_182 = tpu.memref_slice %arg7[%add3A_137, %dma_start3A_181] : memref<10000x256xf32, #tpu.memory_space<hbm>> -> memref<128x128xf32, #tpu.memory_space<hbm>>
        %dma_start3A_183 = arith.constant 128 : i32
        %dma_start3A_184 = tpu.memref_slice %arg7[%add3A_137, %dma_start3A_183] : memref<10000x256xf32, #tpu.memory_space<hbm>> -> memref<128x128xf32, #tpu.memory_space<hbm>>
        %dma_start3A_185 = arith.constant 0 : i32
        %dma_start3A_186 = arith.constant 0 : i32
        %dma_start3A_187 = tpu.memref_slice %arg10[%dma_start3A_185, %dma_start3A_186] : memref<128x128xf32, #tpu.memory_space<vmem>> -> memref<128x128xf32, #tpu.memory_space<vmem>>
        tpu.enqueue_dma source(%dma_start3A_187 : memref<128x128xf32, #tpu.memory_space<vmem>>) target(%dma_start3A_184 : memref<128x128xf32, #tpu.memory_space<hbm>>) target_semaphore(%run_scoped3A : memref<!tpu.dma_semaphore, #tpu.memory_space<semaphore_mem>>)
        %dma_wait3A_188 = arith.constant 0 : i32
        %dma_wait3A_189 = arith.constant 0 : i32
        %dma_wait3A_190 = tpu.memref_slice %arg10[%dma_wait3A_188, %dma_wait3A_189] : memref<128x128xf32, #tpu.memory_space<vmem>> -> memref<128x128xf32, #tpu.memory_space<vmem>>
        %dma_wait3A_191 = arith.constant 128 : i32
        %dma_wait3A_192 = tpu.memref_slice %arg7[%add3A_137, %dma_wait3A_191] : memref<10000x256xf32, #tpu.memory_space<hbm>> -> memref<128x128xf32, #tpu.memory_space<hbm>>
        %dma_wait3A_193 = arith.constant 128 : i32
        %dma_wait3A_194 = tpu.memref_slice %arg7[%add3A_137, %dma_wait3A_193] : memref<10000x256xf32, #tpu.memory_space<hbm>> -> memref<128x128xf32, #tpu.memory_space<hbm>>
        %dma_wait3A_195 = arith.constant 0 : i32
        %dma_wait3A_196 = arith.constant 0 : i32
        %dma_wait3A_197 = tpu.memref_slice %arg10[%dma_wait3A_195, %dma_wait3A_196] : memref<128x128xf32, #tpu.memory_space<vmem>> -> memref<128x128xf32, #tpu.memory_space<vmem>>
        tpu.wait_dma2 semaphore(%run_scoped3A : memref<!tpu.dma_semaphore, #tpu.memory_space<semaphore_mem>>) src(%dma_wait3A_197 : memref<128x128xf32, #tpu.memory_space<vmem>>) dst(%dma_wait3A_194 : memref<128x128xf32, #tpu.memory_space<hbm>>)
        tpu.yield
      }) : () -> ()
      %add3A_138 = arith.constant 384 : i32
      %add3A_139 = arith.addi %mul3A_41, %add3A_138 : i32
      %dma_wait3A_140 = arith.constant 0 : i32
      %dma_wait3A_141 = arith.constant 0 : i32
      %dma_wait3A_142 = tpu.memref_slice %arg11[%dma_wait3A_140, %dma_wait3A_141] : memref<128x128xf32, #tpu.memory_space<vmem>> -> memref<128x128xf32, #tpu.memory_space<vmem>>
      %dma_wait3A_143 = arith.constant 0 : i32
      %dma_wait3A_144 = tpu.memref_slice %arg8[%add3A_139, %dma_wait3A_143] : memref<10240x128xf32, #tpu.memory_space<vmem_shared>> -> memref<128x128xf32, #tpu.memory_space<vmem_shared>>
      %dma_wait3A_145 = arith.constant 0 : i32
      %dma_wait3A_146 = arith.constant 0 : i32
      %dma_wait3A_147 = tpu.memref_slice %arg11[%dma_wait3A_145, %dma_wait3A_146] : memref<128x128xf32, #tpu.memory_space<vmem>> -> memref<128x128xf32, #tpu.memory_space<vmem>>
      %dma_wait3A_148 = arith.constant 0 : i32
      %dma_wait3A_149 = tpu.memref_slice %arg8[%add3A_139, %dma_wait3A_148] : memref<10240x128xf32, #tpu.memory_space<vmem_shared>> -> memref<128x128xf32, #tpu.memory_space<vmem_shared>>
      tpu.wait_dma2 semaphore(%arg13 : memref<!tpu.dma_semaphore, #tpu.memory_space<semaphore_mem>>) src(%dma_wait3A_149 : memref<128x128xf32, #tpu.memory_space<vmem_shared>>) dst(%dma_wait3A_147 : memref<128x128xf32, #tpu.memory_space<vmem>>)
      %add3A_150 = arith.constant 512 : i32
      %add3A_151 = arith.addi %mul3A_41, %add3A_150 : i32
      %dma_start3A_152 = arith.constant 0 : i32
      %dma_start3A_153 = arith.constant 0 : i32
      %dma_start3A_154 = tpu.memref_slice %arg10[%dma_start3A_152, %dma_start3A_153] : memref<128x128xf32, #tpu.memory_space<vmem>> -> memref<120x128xf32, #tpu.memory_space<vmem>>
      %dma_start3A_155 = arith.constant 0 : i32
      %dma_start3A_156 = tpu.memref_slice %arg8[%add3A_151, %dma_start3A_155] : memref<10240x128xf32, #tpu.memory_space<vmem_shared>> -> memref<120x128xf32, #tpu.memory_space<vmem_shared>>
      %dma_start3A_157 = arith.constant 0 : i32
      %dma_start3A_158 = arith.constant 0 : i32
      %dma_start3A_159 = tpu.memref_slice %arg10[%dma_start3A_157, %dma_start3A_158] : memref<128x128xf32, #tpu.memory_space<vmem>> -> memref<120x128xf32, #tpu.memory_space<vmem>>
      %dma_start3A_160 = arith.constant 0 : i32
      %dma_start3A_161 = tpu.memref_slice %arg8[%add3A_151, %dma_start3A_160] : memref<10240x128xf32, #tpu.memory_space<vmem_shared>> -> memref<120x128xf32, #tpu.memory_space<vmem_shared>>
      tpu.enqueue_dma source(%dma_start3A_161 : memref<120x128xf32, #tpu.memory_space<vmem_shared>>) target(%dma_start3A_159 : memref<120x128xf32, #tpu.memory_space<vmem>>) target_semaphore(%arg12 : memref<!tpu.dma_semaphore, #tpu.memory_space<semaphore_mem>>)
      %add3A_162 = arith.constant 384 : i32
      %add3A_163 = arith.addi %mul3A_41, %add3A_162 : i32
      "tpu.region"() ({
        %run_scoped3A = tpu.sem_alloc : memref<!tpu.dma_semaphore, #tpu.memory_space<semaphore_mem>>
        %dma_start3A_178 = arith.constant 0 : i32
        %dma_start3A_179 = arith.constant 0 : i32
        %dma_start3A_180 = tpu.memref_slice %arg11[%dma_start3A_178, %dma_start3A_179] : memref<128x128xf32, #tpu.memory_space<vmem>> -> memref<128x128xf32, #tpu.memory_space<vmem>>
        %dma_start3A_181 = arith.constant 128 : i32
        %dma_start3A_182 = tpu.memref_slice %arg7[%add3A_163, %dma_start3A_181] : memref<10000x256xf32, #tpu.memory_space<hbm>> -> memref<128x128xf32, #tpu.memory_space<hbm>>
        %dma_start3A_183 = arith.constant 128 : i32
        %dma_start3A_184 = tpu.memref_slice %arg7[%add3A_163, %dma_start3A_183] : memref<10000x256xf32, #tpu.memory_space<hbm>> -> memref<128x128xf32, #tpu.memory_space<hbm>>
        %dma_start3A_185 = arith.constant 0 : i32
        %dma_start3A_186 = arith.constant 0 : i32
        %dma_start3A_187 = tpu.memref_slice %arg11[%dma_start3A_185, %dma_start3A_186] : memref<128x128xf32, #tpu.memory_space<vmem>> -> memref<128x128xf32, #tpu.memory_space<vmem>>
        tpu.enqueue_dma source(%dma_start3A_187 : memref<128x128xf32, #tpu.memory_space<vmem>>) target(%dma_start3A_184 : memref<128x128xf32, #tpu.memory_space<hbm>>) target_semaphore(%run_scoped3A : memref<!tpu.dma_semaphore, #tpu.memory_space<semaphore_mem>>)
        %dma_wait3A_188 = arith.constant 0 : i32
        %dma_wait3A_189 = arith.constant 0 : i32
        %dma_wait3A_190 = tpu.memref_slice %arg11[%dma_wait3A_188, %dma_wait3A_189] : memref<128x128xf32, #tpu.memory_space<vmem>> -> memref<128x128xf32, #tpu.memory_space<vmem>>
        %dma_wait3A_191 = arith.constant 128 : i32
        %dma_wait3A_192 = tpu.memref_slice %arg7[%add3A_163, %dma_wait3A_191] : memref<10000x256xf32, #tpu.memory_space<hbm>> -> memref<128x128xf32, #tpu.memory_space<hbm>>
        %dma_wait3A_193 = arith.constant 128 : i32
        %dma_wait3A_194 = tpu.memref_slice %arg7[%add3A_163, %dma_wait3A_193] : memref<10000x256xf32, #tpu.memory_space<hbm>> -> memref<128x128xf32, #tpu.memory_space<hbm>>
        %dma_wait3A_195 = arith.constant 0 : i32
        %dma_wait3A_196 = arith.constant 0 : i32
        %dma_wait3A_197 = tpu.memref_slice %arg11[%dma_wait3A_195, %dma_wait3A_196] : memref<128x128xf32, #tpu.memory_space<vmem>> -> memref<128x128xf32, #tpu.memory_space<vmem>>
        tpu.wait_dma2 semaphore(%run_scoped3A : memref<!tpu.dma_semaphore, #tpu.memory_space<semaphore_mem>>) src(%dma_wait3A_197 : memref<128x128xf32, #tpu.memory_space<vmem>>) dst(%dma_wait3A_194 : memref<128x128xf32, #tpu.memory_space<hbm>>)
        tpu.yield
      }) : () -> ()
      %add3A_164 = arith.constant 512 : i32
      %add3A_165 = arith.addi %mul3A_41, %add3A_164 : i32
      %dma_wait3A_166 = arith.constant 0 : i32
      %dma_wait3A_167 = arith.constant 0 : i32
      %dma_wait3A_168 = tpu.memref_slice %arg10[%dma_wait3A_166, %dma_wait3A_167] : memref<128x128xf32, #tpu.memory_space<vmem>> -> memref<120x128xf32, #tpu.memory_space<vmem>>
      %dma_wait3A_169 = arith.constant 0 : i32
      %dma_wait3A_170 = tpu.memref_slice %arg8[%add3A_165, %dma_wait3A_169] : memref<10240x128xf32, #tpu.memory_space<vmem_shared>> -> memref<120x128xf32, #tpu.memory_space<vmem_shared>>
      %dma_wait3A_171 = arith.constant 0 : i32
      %dma_wait3A_172 = arith.constant 0 : i32
      %dma_wait3A_173 = tpu.memref_slice %arg10[%dma_wait3A_171, %dma_wait3A_172] : memref<128x128xf32, #tpu.memory_space<vmem>> -> memref<120x128xf32, #tpu.memory_space<vmem>>
      %dma_wait3A_174 = arith.constant 0 : i32
      %dma_wait3A_175 = tpu.memref_slice %arg8[%add3A_165, %dma_wait3A_174] : memref<10240x128xf32, #tpu.memory_space<vmem_shared>> -> memref<120x128xf32, #tpu.memory_space<vmem_shared>>
      tpu.wait_dma2 semaphore(%arg12 : memref<!tpu.dma_semaphore, #tpu.memory_space<semaphore_mem>>) src(%dma_wait3A_175 : memref<120x128xf32, #tpu.memory_space<vmem_shared>>) dst(%dma_wait3A_173 : memref<120x128xf32, #tpu.memory_space<vmem>>)
      %add3A_176 = arith.constant 512 : i32
      %add3A_177 = arith.addi %mul3A_41, %add3A_176 : i32
      "tpu.region"() ({
        %run_scoped3A = tpu.sem_alloc : memref<!tpu.dma_semaphore, #tpu.memory_space<semaphore_mem>>
        %dma_start3A_178 = arith.constant 0 : i32
        %dma_start3A_179 = arith.constant 0 : i32
        %dma_start3A_180 = tpu.memref_slice %arg10[%dma_start3A_178, %dma_start3A_179] : memref<128x128xf32, #tpu.memory_space<vmem>> -> memref<120x128xf32, #tpu.memory_space<vmem>>
        %dma_start3A_181 = arith.constant 128 : i32
        %dma_start3A_182 = tpu.memref_slice %arg7[%add3A_177, %dma_start3A_181] : memref<10000x256xf32, #tpu.memory_space<hbm>> -> memref<120x128xf32, #tpu.memory_space<hbm>>
        %dma_start3A_183 = arith.constant 128 : i32
        %dma_start3A_184 = tpu.memref_slice %arg7[%add3A_177, %dma_start3A_183] : memref<10000x256xf32, #tpu.memory_space<hbm>> -> memref<120x128xf32, #tpu.memory_space<hbm>>
        %dma_start3A_185 = arith.constant 0 : i32
        %dma_start3A_186 = arith.constant 0 : i32
        %dma_start3A_187 = tpu.memref_slice %arg10[%dma_start3A_185, %dma_start3A_186] : memref<128x128xf32, #tpu.memory_space<vmem>> -> memref<120x128xf32, #tpu.memory_space<vmem>>
        tpu.enqueue_dma source(%dma_start3A_187 : memref<120x128xf32, #tpu.memory_space<vmem>>) target(%dma_start3A_184 : memref<120x128xf32, #tpu.memory_space<hbm>>) target_semaphore(%run_scoped3A : memref<!tpu.dma_semaphore, #tpu.memory_space<semaphore_mem>>)
        %dma_wait3A_188 = arith.constant 0 : i32
        %dma_wait3A_189 = arith.constant 0 : i32
        %dma_wait3A_190 = tpu.memref_slice %arg10[%dma_wait3A_188, %dma_wait3A_189] : memref<128x128xf32, #tpu.memory_space<vmem>> -> memref<120x128xf32, #tpu.memory_space<vmem>>
        %dma_wait3A_191 = arith.constant 128 : i32
        %dma_wait3A_192 = tpu.memref_slice %arg7[%add3A_177, %dma_wait3A_191] : memref<10000x256xf32, #tpu.memory_space<hbm>> -> memref<120x128xf32, #tpu.memory_space<hbm>>
        %dma_wait3A_193 = arith.constant 128 : i32
        %dma_wait3A_194 = tpu.memref_slice %arg7[%add3A_177, %dma_wait3A_193] : memref<10000x256xf32, #tpu.memory_space<hbm>> -> memref<120x128xf32, #tpu.memory_space<hbm>>
        %dma_wait3A_195 = arith.constant 0 : i32
        %dma_wait3A_196 = arith.constant 0 : i32
        %dma_wait3A_197 = tpu.memref_slice %arg10[%dma_wait3A_195, %dma_wait3A_196] : memref<128x128xf32, #tpu.memory_space<vmem>> -> memref<120x128xf32, #tpu.memory_space<vmem>>
        tpu.wait_dma2 semaphore(%run_scoped3A : memref<!tpu.dma_semaphore, #tpu.memory_space<semaphore_mem>>) src(%dma_wait3A_197 : memref<120x128xf32, #tpu.memory_space<vmem>>) dst(%dma_wait3A_194 : memref<120x128xf32, #tpu.memory_space<hbm>>)
        tpu.yield
      }) : () -> ()
    } else {
    }
    %eq3A_45 = arith.constant 1 : i32
    %eq3A_46 = arith.cmpi eq, %arg0, %eq3A_45 : i32
    %eq3A_47 = arith.constant 15 : i32
    %eq3A_48 = arith.cmpi eq, %arg1, %eq3A_47 : i32
    %and3A_49 = arith.andi %eq3A_46, %eq3A_48 : i1
    %convert_element_type3A_50 = arith.extui %and3A_49 : i1 to i32
    %cond3A_51 = arith.constant 0 : i32
    %cond3A_52 = arith.cmpi ne, %convert_element_type3A_50, %cond3A_51 : i32
    scf.if %cond3A_52 {
      %dma_start3A = arith.constant 0 : i32
      %dma_start3A_53 = arith.constant 0 : i32
      %dma_start3A_54 = tpu.memref_slice %arg10[%dma_start3A, %dma_start3A_53] : memref<128x128xf32, #tpu.memory_space<vmem>> -> memref<128x128xf32, #tpu.memory_space<vmem>>
      %dma_start3A_55 = arith.constant 9480 : i32
      %dma_start3A_56 = arith.constant 0 : i32
      %dma_start3A_57 = tpu.memref_slice %arg8[%dma_start3A_55, %dma_start3A_56] : memref<10240x128xf32, #tpu.memory_space<vmem_shared>> -> memref<128x128xf32, #tpu.memory_space<vmem_shared>>
      %dma_start3A_58 = arith.constant 0 : i32
      %dma_start3A_59 = arith.constant 0 : i32
      %dma_start3A_60 = tpu.memref_slice %arg10[%dma_start3A_58, %dma_start3A_59] : memref<128x128xf32, #tpu.memory_space<vmem>> -> memref<128x128xf32, #tpu.memory_space<vmem>>
      %dma_start3A_61 = arith.constant 9480 : i32
      %dma_start3A_62 = arith.constant 0 : i32
      %dma_start3A_63 = tpu.memref_slice %arg8[%dma_start3A_61, %dma_start3A_62] : memref<10240x128xf32, #tpu.memory_space<vmem_shared>> -> memref<128x128xf32, #tpu.memory_space<vmem_shared>>
      tpu.enqueue_dma source(%dma_start3A_63 : memref<128x128xf32, #tpu.memory_space<vmem_shared>>) target(%dma_start3A_60 : memref<128x128xf32, #tpu.memory_space<vmem>>) target_semaphore(%arg12 : memref<!tpu.dma_semaphore, #tpu.memory_space<semaphore_mem>>)
      %dma_wait3A = arith.constant 0 : i32
      %dma_wait3A_64 = arith.constant 0 : i32
      %dma_wait3A_65 = tpu.memref_slice %arg10[%dma_wait3A, %dma_wait3A_64] : memref<128x128xf32, #tpu.memory_space<vmem>> -> memref<128x128xf32, #tpu.memory_space<vmem>>
      %dma_wait3A_66 = arith.constant 9480 : i32
      %dma_wait3A_67 = arith.constant 0 : i32
      %dma_wait3A_68 = tpu.memref_slice %arg8[%dma_wait3A_66, %dma_wait3A_67] : memref<10240x128xf32, #tpu.memory_space<vmem_shared>> -> memref<128x128xf32, #tpu.memory_space<vmem_shared>>
      %dma_wait3A_69 = arith.constant 0 : i32
      %dma_wait3A_70 = arith.constant 0 : i32
      %dma_wait3A_71 = tpu.memref_slice %arg10[%dma_wait3A_69, %dma_wait3A_70] : memref<128x128xf32, #tpu.memory_space<vmem>> -> memref<128x128xf32, #tpu.memory_space<vmem>>
      %dma_wait3A_72 = arith.constant 9480 : i32
      %dma_wait3A_73 = arith.constant 0 : i32
      %dma_wait3A_74 = tpu.memref_slice %arg8[%dma_wait3A_72, %dma_wait3A_73] : memref<10240x128xf32, #tpu.memory_space<vmem_shared>> -> memref<128x128xf32, #tpu.memory_space<vmem_shared>>
      tpu.wait_dma2 semaphore(%arg12 : memref<!tpu.dma_semaphore, #tpu.memory_space<semaphore_mem>>) src(%dma_wait3A_74 : memref<128x128xf32, #tpu.memory_space<vmem_shared>>) dst(%dma_wait3A_71 : memref<128x128xf32, #tpu.memory_space<vmem>>)
      %dma_start3A_75 = arith.constant 0 : i32
      %dma_start3A_76 = arith.constant 0 : i32
      %dma_start3A_77 = tpu.memref_slice %arg11[%dma_start3A_75, %dma_start3A_76] : memref<128x128xf32, #tpu.memory_space<vmem>> -> memref<128x128xf32, #tpu.memory_space<vmem>>
      %dma_start3A_78 = arith.constant 9608 : i32
      %dma_start3A_79 = arith.constant 0 : i32
      %dma_start3A_80 = tpu.memref_slice %arg8[%dma_start3A_78, %dma_start3A_79] : memref<10240x128xf32, #tpu.memory_space<vmem_shared>> -> memref<128x128xf32, #tpu.memory_space<vmem_shared>>
      %dma_start3A_81 = arith.constant 0 : i32
      %dma_start3A_82 = arith.constant 0 : i32
      %dma_start3A_83 = tpu.memref_slice %arg11[%dma_start3A_81, %dma_start3A_82] : memref<128x128xf32, #tpu.memory_space<vmem>> -> memref<128x128xf32, #tpu.memory_space<vmem>>
      %dma_start3A_84 = arith.constant 9608 : i32
      %dma_start3A_85 = arith.constant 0 : i32
      %dma_start3A_86 = tpu.memref_slice %arg8[%dma_start3A_84, %dma_start3A_85] : memref<10240x128xf32, #tpu.memory_space<vmem_shared>> -> memref<128x128xf32, #tpu.memory_space<vmem_shared>>
      tpu.enqueue_dma source(%dma_start3A_86 : memref<128x128xf32, #tpu.memory_space<vmem_shared>>) target(%dma_start3A_83 : memref<128x128xf32, #tpu.memory_space<vmem>>) target_semaphore(%arg13 : memref<!tpu.dma_semaphore, #tpu.memory_space<semaphore_mem>>)
      "tpu.region"() ({
        %run_scoped3A = tpu.sem_alloc : memref<!tpu.dma_semaphore, #tpu.memory_space<semaphore_mem>>
        %dma_start3A_171 = arith.constant 0 : i32
        %dma_start3A_172 = arith.constant 0 : i32
        %dma_start3A_173 = tpu.memref_slice %arg10[%dma_start3A_171, %dma_start3A_172] : memref<128x128xf32, #tpu.memory_space<vmem>> -> memref<128x128xf32, #tpu.memory_space<vmem>>
        %dma_start3A_174 = arith.constant 9480 : i32
        %dma_start3A_175 = arith.constant 128 : i32
        %dma_start3A_176 = tpu.memref_slice %arg7[%dma_start3A_174, %dma_start3A_175] : memref<10000x256xf32, #tpu.memory_space<hbm>> -> memref<128x128xf32, #tpu.memory_space<hbm>>
        %dma_start3A_177 = arith.constant 9480 : i32
        %dma_start3A_178 = arith.constant 128 : i32
        %dma_start3A_179 = tpu.memref_slice %arg7[%dma_start3A_177, %dma_start3A_178] : memref<10000x256xf32, #tpu.memory_space<hbm>> -> memref<128x128xf32, #tpu.memory_space<hbm>>
        %dma_start3A_180 = arith.constant 0 : i32
        %dma_start3A_181 = arith.constant 0 : i32
        %dma_start3A_182 = tpu.memref_slice %arg10[%dma_start3A_180, %dma_start3A_181] : memref<128x128xf32, #tpu.memory_space<vmem>> -> memref<128x128xf32, #tpu.memory_space<vmem>>
        tpu.enqueue_dma source(%dma_start3A_182 : memref<128x128xf32, #tpu.memory_space<vmem>>) target(%dma_start3A_179 : memref<128x128xf32, #tpu.memory_space<hbm>>) target_semaphore(%run_scoped3A : memref<!tpu.dma_semaphore, #tpu.memory_space<semaphore_mem>>)
        %dma_wait3A_183 = arith.constant 0 : i32
        %dma_wait3A_184 = arith.constant 0 : i32
        %dma_wait3A_185 = tpu.memref_slice %arg10[%dma_wait3A_183, %dma_wait3A_184] : memref<128x128xf32, #tpu.memory_space<vmem>> -> memref<128x128xf32, #tpu.memory_space<vmem>>
        %dma_wait3A_186 = arith.constant 9480 : i32
        %dma_wait3A_187 = arith.constant 128 : i32
        %dma_wait3A_188 = tpu.memref_slice %arg7[%dma_wait3A_186, %dma_wait3A_187] : memref<10000x256xf32, #tpu.memory_space<hbm>> -> memref<128x128xf32, #tpu.memory_space<hbm>>
        %dma_wait3A_189 = arith.constant 9480 : i32
        %dma_wait3A_190 = arith.constant 128 : i32
        %dma_wait3A_191 = tpu.memref_slice %arg7[%dma_wait3A_189, %dma_wait3A_190] : memref<10000x256xf32, #tpu.memory_space<hbm>> -> memref<128x128xf32, #tpu.memory_space<hbm>>
        %dma_wait3A_192 = arith.constant 0 : i32
        %dma_wait3A_193 = arith.constant 0 : i32
        %dma_wait3A_194 = tpu.memref_slice %arg10[%dma_wait3A_192, %dma_wait3A_193] : memref<128x128xf32, #tpu.memory_space<vmem>> -> memref<128x128xf32, #tpu.memory_space<vmem>>
        tpu.wait_dma2 semaphore(%run_scoped3A : memref<!tpu.dma_semaphore, #tpu.memory_space<semaphore_mem>>) src(%dma_wait3A_194 : memref<128x128xf32, #tpu.memory_space<vmem>>) dst(%dma_wait3A_191 : memref<128x128xf32, #tpu.memory_space<hbm>>)
        tpu.yield
      }) : () -> ()
      %dma_wait3A_87 = arith.constant 0 : i32
      %dma_wait3A_88 = arith.constant 0 : i32
      %dma_wait3A_89 = tpu.memref_slice %arg11[%dma_wait3A_87, %dma_wait3A_88] : memref<128x128xf32, #tpu.memory_space<vmem>> -> memref<128x128xf32, #tpu.memory_space<vmem>>
      %dma_wait3A_90 = arith.constant 9608 : i32
      %dma_wait3A_91 = arith.constant 0 : i32
      %dma_wait3A_92 = tpu.memref_slice %arg8[%dma_wait3A_90, %dma_wait3A_91] : memref<10240x128xf32, #tpu.memory_space<vmem_shared>> -> memref<128x128xf32, #tpu.memory_space<vmem_shared>>
      %dma_wait3A_93 = arith.constant 0 : i32
      %dma_wait3A_94 = arith.constant 0 : i32
      %dma_wait3A_95 = tpu.memref_slice %arg11[%dma_wait3A_93, %dma_wait3A_94] : memref<128x128xf32, #tpu.memory_space<vmem>> -> memref<128x128xf32, #tpu.memory_space<vmem>>
      %dma_wait3A_96 = arith.constant 9608 : i32
      %dma_wait3A_97 = arith.constant 0 : i32
      %dma_wait3A_98 = tpu.memref_slice %arg8[%dma_wait3A_96, %dma_wait3A_97] : memref<10240x128xf32, #tpu.memory_space<vmem_shared>> -> memref<128x128xf32, #tpu.memory_space<vmem_shared>>
      tpu.wait_dma2 semaphore(%arg13 : memref<!tpu.dma_semaphore, #tpu.memory_space<semaphore_mem>>) src(%dma_wait3A_98 : memref<128x128xf32, #tpu.memory_space<vmem_shared>>) dst(%dma_wait3A_95 : memref<128x128xf32, #tpu.memory_space<vmem>>)
      %dma_start3A_99 = arith.constant 0 : i32
      %dma_start3A_100 = arith.constant 0 : i32
      %dma_start3A_101 = tpu.memref_slice %arg10[%dma_start3A_99, %dma_start3A_100] : memref<128x128xf32, #tpu.memory_space<vmem>> -> memref<128x128xf32, #tpu.memory_space<vmem>>
      %dma_start3A_102 = arith.constant 9736 : i32
      %dma_start3A_103 = arith.constant 0 : i32
      %dma_start3A_104 = tpu.memref_slice %arg8[%dma_start3A_102, %dma_start3A_103] : memref<10240x128xf32, #tpu.memory_space<vmem_shared>> -> memref<128x128xf32, #tpu.memory_space<vmem_shared>>
      %dma_start3A_105 = arith.constant 0 : i32
      %dma_start3A_106 = arith.constant 0 : i32
      %dma_start3A_107 = tpu.memref_slice %arg10[%dma_start3A_105, %dma_start3A_106] : memref<128x128xf32, #tpu.memory_space<vmem>> -> memref<128x128xf32, #tpu.memory_space<vmem>>
      %dma_start3A_108 = arith.constant 9736 : i32
      %dma_start3A_109 = arith.constant 0 : i32
      %dma_start3A_110 = tpu.memref_slice %arg8[%dma_start3A_108, %dma_start3A_109] : memref<10240x128xf32, #tpu.memory_space<vmem_shared>> -> memref<128x128xf32, #tpu.memory_space<vmem_shared>>
      tpu.enqueue_dma source(%dma_start3A_110 : memref<128x128xf32, #tpu.memory_space<vmem_shared>>) target(%dma_start3A_107 : memref<128x128xf32, #tpu.memory_space<vmem>>) target_semaphore(%arg12 : memref<!tpu.dma_semaphore, #tpu.memory_space<semaphore_mem>>)
      "tpu.region"() ({
        %run_scoped3A = tpu.sem_alloc : memref<!tpu.dma_semaphore, #tpu.memory_space<semaphore_mem>>
        %dma_start3A_171 = arith.constant 0 : i32
        %dma_start3A_172 = arith.constant 0 : i32
        %dma_start3A_173 = tpu.memref_slice %arg11[%dma_start3A_171, %dma_start3A_172] : memref<128x128xf32, #tpu.memory_space<vmem>> -> memref<128x128xf32, #tpu.memory_space<vmem>>
        %dma_start3A_174 = arith.constant 9608 : i32
        %dma_start3A_175 = arith.constant 128 : i32
        %dma_start3A_176 = tpu.memref_slice %arg7[%dma_start3A_174, %dma_start3A_175] : memref<10000x256xf32, #tpu.memory_space<hbm>> -> memref<128x128xf32, #tpu.memory_space<hbm>>
        %dma_start3A_177 = arith.constant 9608 : i32
        %dma_start3A_178 = arith.constant 128 : i32
        %dma_start3A_179 = tpu.memref_slice %arg7[%dma_start3A_177, %dma_start3A_178] : memref<10000x256xf32, #tpu.memory_space<hbm>> -> memref<128x128xf32, #tpu.memory_space<hbm>>
        %dma_start3A_180 = arith.constant 0 : i32
        %dma_start3A_181 = arith.constant 0 : i32
        %dma_start3A_182 = tpu.memref_slice %arg11[%dma_start3A_180, %dma_start3A_181] : memref<128x128xf32, #tpu.memory_space<vmem>> -> memref<128x128xf32, #tpu.memory_space<vmem>>
        tpu.enqueue_dma source(%dma_start3A_182 : memref<128x128xf32, #tpu.memory_space<vmem>>) target(%dma_start3A_179 : memref<128x128xf32, #tpu.memory_space<hbm>>) target_semaphore(%run_scoped3A : memref<!tpu.dma_semaphore, #tpu.memory_space<semaphore_mem>>)
        %dma_wait3A_183 = arith.constant 0 : i32
        %dma_wait3A_184 = arith.constant 0 : i32
        %dma_wait3A_185 = tpu.memref_slice %arg11[%dma_wait3A_183, %dma_wait3A_184] : memref<128x128xf32, #tpu.memory_space<vmem>> -> memref<128x128xf32, #tpu.memory_space<vmem>>
        %dma_wait3A_186 = arith.constant 9608 : i32
        %dma_wait3A_187 = arith.constant 128 : i32
        %dma_wait3A_188 = tpu.memref_slice %arg7[%dma_wait3A_186, %dma_wait3A_187] : memref<10000x256xf32, #tpu.memory_space<hbm>> -> memref<128x128xf32, #tpu.memory_space<hbm>>
        %dma_wait3A_189 = arith.constant 9608 : i32
        %dma_wait3A_190 = arith.constant 128 : i32
        %dma_wait3A_191 = tpu.memref_slice %arg7[%dma_wait3A_189, %dma_wait3A_190] : memref<10000x256xf32, #tpu.memory_space<hbm>> -> memref<128x128xf32, #tpu.memory_space<hbm>>
        %dma_wait3A_192 = arith.constant 0 : i32
        %dma_wait3A_193 = arith.constant 0 : i32
        %dma_wait3A_194 = tpu.memref_slice %arg11[%dma_wait3A_192, %dma_wait3A_193] : memref<128x128xf32, #tpu.memory_space<vmem>> -> memref<128x128xf32, #tpu.memory_space<vmem>>
        tpu.wait_dma2 semaphore(%run_scoped3A : memref<!tpu.dma_semaphore, #tpu.memory_space<semaphore_mem>>) src(%dma_wait3A_194 : memref<128x128xf32, #tpu.memory_space<vmem>>) dst(%dma_wait3A_191 : memref<128x128xf32, #tpu.memory_space<hbm>>)
        tpu.yield
      }) : () -> ()
      %dma_wait3A_111 = arith.constant 0 : i32
      %dma_wait3A_112 = arith.constant 0 : i32
      %dma_wait3A_113 = tpu.memref_slice %arg10[%dma_wait3A_111, %dma_wait3A_112] : memref<128x128xf32, #tpu.memory_space<vmem>> -> memref<128x128xf32, #tpu.memory_space<vmem>>
      %dma_wait3A_114 = arith.constant 9736 : i32
      %dma_wait3A_115 = arith.constant 0 : i32
      %dma_wait3A_116 = tpu.memref_slice %arg8[%dma_wait3A_114, %dma_wait3A_115] : memref<10240x128xf32, #tpu.memory_space<vmem_shared>> -> memref<128x128xf32, #tpu.memory_space<vmem_shared>>
      %dma_wait3A_117 = arith.constant 0 : i32
      %dma_wait3A_118 = arith.constant 0 : i32
      %dma_wait3A_119 = tpu.memref_slice %arg10[%dma_wait3A_117, %dma_wait3A_118] : memref<128x128xf32, #tpu.memory_space<vmem>> -> memref<128x128xf32, #tpu.memory_space<vmem>>
      %dma_wait3A_120 = arith.constant 9736 : i32
      %dma_wait3A_121 = arith.constant 0 : i32
      %dma_wait3A_122 = tpu.memref_slice %arg8[%dma_wait3A_120, %dma_wait3A_121] : memref<10240x128xf32, #tpu.memory_space<vmem_shared>> -> memref<128x128xf32, #tpu.memory_space<vmem_shared>>
      tpu.wait_dma2 semaphore(%arg12 : memref<!tpu.dma_semaphore, #tpu.memory_space<semaphore_mem>>) src(%dma_wait3A_122 : memref<128x128xf32, #tpu.memory_space<vmem_shared>>) dst(%dma_wait3A_119 : memref<128x128xf32, #tpu.memory_space<vmem>>)
      %dma_start3A_123 = arith.constant 0 : i32
      %dma_start3A_124 = arith.constant 0 : i32
      %dma_start3A_125 = tpu.memref_slice %arg11[%dma_start3A_123, %dma_start3A_124] : memref<128x128xf32, #tpu.memory_space<vmem>> -> memref<128x128xf32, #tpu.memory_space<vmem>>
      %dma_start3A_126 = arith.constant 9864 : i32
      %dma_start3A_127 = arith.constant 0 : i32
      %dma_start3A_128 = tpu.memref_slice %arg8[%dma_start3A_126, %dma_start3A_127] : memref<10240x128xf32, #tpu.memory_space<vmem_shared>> -> memref<128x128xf32, #tpu.memory_space<vmem_shared>>
      %dma_start3A_129 = arith.constant 0 : i32
      %dma_start3A_130 = arith.constant 0 : i32
      %dma_start3A_131 = tpu.memref_slice %arg11[%dma_start3A_129, %dma_start3A_130] : memref<128x128xf32, #tpu.memory_space<vmem>> -> memref<128x128xf32, #tpu.memory_space<vmem>>
      %dma_start3A_132 = arith.constant 9864 : i32
      %dma_start3A_133 = arith.constant 0 : i32
      %dma_start3A_134 = tpu.memref_slice %arg8[%dma_start3A_132, %dma_start3A_133] : memref<10240x128xf32, #tpu.memory_space<vmem_shared>> -> memref<128x128xf32, #tpu.memory_space<vmem_shared>>
      tpu.enqueue_dma source(%dma_start3A_134 : memref<128x128xf32, #tpu.memory_space<vmem_shared>>) target(%dma_start3A_131 : memref<128x128xf32, #tpu.memory_space<vmem>>) target_semaphore(%arg13 : memref<!tpu.dma_semaphore, #tpu.memory_space<semaphore_mem>>)
      "tpu.region"() ({
        %run_scoped3A = tpu.sem_alloc : memref<!tpu.dma_semaphore, #tpu.memory_space<semaphore_mem>>
        %dma_start3A_171 = arith.constant 0 : i32
        %dma_start3A_172 = arith.constant 0 : i32
        %dma_start3A_173 = tpu.memref_slice %arg10[%dma_start3A_171, %dma_start3A_172] : memref<128x128xf32, #tpu.memory_space<vmem>> -> memref<128x128xf32, #tpu.memory_space<vmem>>
        %dma_start3A_174 = arith.constant 9736 : i32
        %dma_start3A_175 = arith.constant 128 : i32
        %dma_start3A_176 = tpu.memref_slice %arg7[%dma_start3A_174, %dma_start3A_175] : memref<10000x256xf32, #tpu.memory_space<hbm>> -> memref<128x128xf32, #tpu.memory_space<hbm>>
        %dma_start3A_177 = arith.constant 9736 : i32
        %dma_start3A_178 = arith.constant 128 : i32
        %dma_start3A_179 = tpu.memref_slice %arg7[%dma_start3A_177, %dma_start3A_178] : memref<10000x256xf32, #tpu.memory_space<hbm>> -> memref<128x128xf32, #tpu.memory_space<hbm>>
        %dma_start3A_180 = arith.constant 0 : i32
        %dma_start3A_181 = arith.constant 0 : i32
        %dma_start3A_182 = tpu.memref_slice %arg10[%dma_start3A_180, %dma_start3A_181] : memref<128x128xf32, #tpu.memory_space<vmem>> -> memref<128x128xf32, #tpu.memory_space<vmem>>
        tpu.enqueue_dma source(%dma_start3A_182 : memref<128x128xf32, #tpu.memory_space<vmem>>) target(%dma_start3A_179 : memref<128x128xf32, #tpu.memory_space<hbm>>) target_semaphore(%run_scoped3A : memref<!tpu.dma_semaphore, #tpu.memory_space<semaphore_mem>>)
        %dma_wait3A_183 = arith.constant 0 : i32
        %dma_wait3A_184 = arith.constant 0 : i32
        %dma_wait3A_185 = tpu.memref_slice %arg10[%dma_wait3A_183, %dma_wait3A_184] : memref<128x128xf32, #tpu.memory_space<vmem>> -> memref<128x128xf32, #tpu.memory_space<vmem>>
        %dma_wait3A_186 = arith.constant 9736 : i32
        %dma_wait3A_187 = arith.constant 128 : i32
        %dma_wait3A_188 = tpu.memref_slice %arg7[%dma_wait3A_186, %dma_wait3A_187] : memref<10000x256xf32, #tpu.memory_space<hbm>> -> memref<128x128xf32, #tpu.memory_space<hbm>>
        %dma_wait3A_189 = arith.constant 9736 : i32
        %dma_wait3A_190 = arith.constant 128 : i32
        %dma_wait3A_191 = tpu.memref_slice %arg7[%dma_wait3A_189, %dma_wait3A_190] : memref<10000x256xf32, #tpu.memory_space<hbm>> -> memref<128x128xf32, #tpu.memory_space<hbm>>
        %dma_wait3A_192 = arith.constant 0 : i32
        %dma_wait3A_193 = arith.constant 0 : i32
        %dma_wait3A_194 = tpu.memref_slice %arg10[%dma_wait3A_192, %dma_wait3A_193] : memref<128x128xf32, #tpu.memory_space<vmem>> -> memref<128x128xf32, #tpu.memory_space<vmem>>
        tpu.wait_dma2 semaphore(%run_scoped3A : memref<!tpu.dma_semaphore, #tpu.memory_space<semaphore_mem>>) src(%dma_wait3A_194 : memref<128x128xf32, #tpu.memory_space<vmem>>) dst(%dma_wait3A_191 : memref<128x128xf32, #tpu.memory_space<hbm>>)
        tpu.yield
      }) : () -> ()
      %dma_wait3A_135 = arith.constant 0 : i32
      %dma_wait3A_136 = arith.constant 0 : i32
      %dma_wait3A_137 = tpu.memref_slice %arg11[%dma_wait3A_135, %dma_wait3A_136] : memref<128x128xf32, #tpu.memory_space<vmem>> -> memref<128x128xf32, #tpu.memory_space<vmem>>
      %dma_wait3A_138 = arith.constant 9864 : i32
      %dma_wait3A_139 = arith.constant 0 : i32
      %dma_wait3A_140 = tpu.memref_slice %arg8[%dma_wait3A_138, %dma_wait3A_139] : memref<10240x128xf32, #tpu.memory_space<vmem_shared>> -> memref<128x128xf32, #tpu.memory_space<vmem_shared>>
      %dma_wait3A_141 = arith.constant 0 : i32
      %dma_wait3A_142 = arith.constant 0 : i32
      %dma_wait3A_143 = tpu.memref_slice %arg11[%dma_wait3A_141, %dma_wait3A_142] : memref<128x128xf32, #tpu.memory_space<vmem>> -> memref<128x128xf32, #tpu.memory_space<vmem>>
      %dma_wait3A_144 = arith.constant 9864 : i32
      %dma_wait3A_145 = arith.constant 0 : i32
      %dma_wait3A_146 = tpu.memref_slice %arg8[%dma_wait3A_144, %dma_wait3A_145] : memref<10240x128xf32, #tpu.memory_space<vmem_shared>> -> memref<128x128xf32, #tpu.memory_space<vmem_shared>>
      tpu.wait_dma2 semaphore(%arg13 : memref<!tpu.dma_semaphore, #tpu.memory_space<semaphore_mem>>) src(%dma_wait3A_146 : memref<128x128xf32, #tpu.memory_space<vmem_shared>>) dst(%dma_wait3A_143 : memref<128x128xf32, #tpu.memory_space<vmem>>)
      %dma_start3A_147 = arith.constant 0 : i32
      %dma_start3A_148 = arith.constant 0 : i32
      %dma_start3A_149 = tpu.memref_slice %arg10[%dma_start3A_147, %dma_start3A_148] : memref<128x128xf32, #tpu.memory_space<vmem>> -> memref<8x128xf32, #tpu.memory_space<vmem>>
      %dma_start3A_150 = arith.constant 9992 : i32
      %dma_start3A_151 = arith.constant 0 : i32
      %dma_start3A_152 = tpu.memref_slice %arg8[%dma_start3A_150, %dma_start3A_151] : memref<10240x128xf32, #tpu.memory_space<vmem_shared>> -> memref<8x128xf32, #tpu.memory_space<vmem_shared>>
      %dma_start3A_153 = arith.constant 0 : i32
      %dma_start3A_154 = arith.constant 0 : i32
      %dma_start3A_155 = tpu.memref_slice %arg10[%dma_start3A_153, %dma_start3A_154] : memref<128x128xf32, #tpu.memory_space<vmem>> -> memref<8x128xf32, #tpu.memory_space<vmem>>
      %dma_start3A_156 = arith.constant 9992 : i32
      %dma_start3A_157 = arith.constant 0 : i32
      %dma_start3A_158 = tpu.memref_slice %arg8[%dma_start3A_156, %dma_start3A_157] : memref<10240x128xf32, #tpu.memory_space<vmem_shared>> -> memref<8x128xf32, #tpu.memory_space<vmem_shared>>
      tpu.enqueue_dma source(%dma_start3A_158 : memref<8x128xf32, #tpu.memory_space<vmem_shared>>) target(%dma_start3A_155 : memref<8x128xf32, #tpu.memory_space<vmem>>) target_semaphore(%arg12 : memref<!tpu.dma_semaphore, #tpu.memory_space<semaphore_mem>>)
      "tpu.region"() ({
        %run_scoped3A = tpu.sem_alloc : memref<!tpu.dma_semaphore, #tpu.memory_space<semaphore_mem>>
        %dma_start3A_171 = arith.constant 0 : i32
        %dma_start3A_172 = arith.constant 0 : i32
        %dma_start3A_173 = tpu.memref_slice %arg11[%dma_start3A_171, %dma_start3A_172] : memref<128x128xf32, #tpu.memory_space<vmem>> -> memref<128x128xf32, #tpu.memory_space<vmem>>
        %dma_start3A_174 = arith.constant 9864 : i32
        %dma_start3A_175 = arith.constant 128 : i32
        %dma_start3A_176 = tpu.memref_slice %arg7[%dma_start3A_174, %dma_start3A_175] : memref<10000x256xf32, #tpu.memory_space<hbm>> -> memref<128x128xf32, #tpu.memory_space<hbm>>
        %dma_start3A_177 = arith.constant 9864 : i32
        %dma_start3A_178 = arith.constant 128 : i32
        %dma_start3A_179 = tpu.memref_slice %arg7[%dma_start3A_177, %dma_start3A_178] : memref<10000x256xf32, #tpu.memory_space<hbm>> -> memref<128x128xf32, #tpu.memory_space<hbm>>
        %dma_start3A_180 = arith.constant 0 : i32
        %dma_start3A_181 = arith.constant 0 : i32
        %dma_start3A_182 = tpu.memref_slice %arg11[%dma_start3A_180, %dma_start3A_181] : memref<128x128xf32, #tpu.memory_space<vmem>> -> memref<128x128xf32, #tpu.memory_space<vmem>>
        tpu.enqueue_dma source(%dma_start3A_182 : memref<128x128xf32, #tpu.memory_space<vmem>>) target(%dma_start3A_179 : memref<128x128xf32, #tpu.memory_space<hbm>>) target_semaphore(%run_scoped3A : memref<!tpu.dma_semaphore, #tpu.memory_space<semaphore_mem>>)
        %dma_wait3A_183 = arith.constant 0 : i32
        %dma_wait3A_184 = arith.constant 0 : i32
        %dma_wait3A_185 = tpu.memref_slice %arg11[%dma_wait3A_183, %dma_wait3A_184] : memref<128x128xf32, #tpu.memory_space<vmem>> -> memref<128x128xf32, #tpu.memory_space<vmem>>
        %dma_wait3A_186 = arith.constant 9864 : i32
        %dma_wait3A_187 = arith.constant 128 : i32
        %dma_wait3A_188 = tpu.memref_slice %arg7[%dma_wait3A_186, %dma_wait3A_187] : memref<10000x256xf32, #tpu.memory_space<hbm>> -> memref<128x128xf32, #tpu.memory_space<hbm>>
        %dma_wait3A_189 = arith.constant 9864 : i32
        %dma_wait3A_190 = arith.constant 128 : i32
        %dma_wait3A_191 = tpu.memref_slice %arg7[%dma_wait3A_189, %dma_wait3A_190] : memref<10000x256xf32, #tpu.memory_space<hbm>> -> memref<128x128xf32, #tpu.memory_space<hbm>>
        %dma_wait3A_192 = arith.constant 0 : i32
        %dma_wait3A_193 = arith.constant 0 : i32
        %dma_wait3A_194 = tpu.memref_slice %arg11[%dma_wait3A_192, %dma_wait3A_193] : memref<128x128xf32, #tpu.memory_space<vmem>> -> memref<128x128xf32, #tpu.memory_space<vmem>>
        tpu.wait_dma2 semaphore(%run_scoped3A : memref<!tpu.dma_semaphore, #tpu.memory_space<semaphore_mem>>) src(%dma_wait3A_194 : memref<128x128xf32, #tpu.memory_space<vmem>>) dst(%dma_wait3A_191 : memref<128x128xf32, #tpu.memory_space<hbm>>)
        tpu.yield
      }) : () -> ()
      %dma_wait3A_159 = arith.constant 0 : i32
      %dma_wait3A_160 = arith.constant 0 : i32
      %dma_wait3A_161 = tpu.memref_slice %arg10[%dma_wait3A_159, %dma_wait3A_160] : memref<128x128xf32, #tpu.memory_space<vmem>> -> memref<8x128xf32, #tpu.memory_space<vmem>>
      %dma_wait3A_162 = arith.constant 9992 : i32
      %dma_wait3A_163 = arith.constant 0 : i32
      %dma_wait3A_164 = tpu.memref_slice %arg8[%dma_wait3A_162, %dma_wait3A_163] : memref<10240x128xf32, #tpu.memory_space<vmem_shared>> -> memref<8x128xf32, #tpu.memory_space<vmem_shared>>
      %dma_wait3A_165 = arith.constant 0 : i32
      %dma_wait3A_166 = arith.constant 0 : i32
      %dma_wait3A_167 = tpu.memref_slice %arg10[%dma_wait3A_165, %dma_wait3A_166] : memref<128x128xf32, #tpu.memory_space<vmem>> -> memref<8x128xf32, #tpu.memory_space<vmem>>
      %dma_wait3A_168 = arith.constant 9992 : i32
      %dma_wait3A_169 = arith.constant 0 : i32
      %dma_wait3A_170 = tpu.memref_slice %arg8[%dma_wait3A_168, %dma_wait3A_169] : memref<10240x128xf32, #tpu.memory_space<vmem_shared>> -> memref<8x128xf32, #tpu.memory_space<vmem_shared>>
      tpu.wait_dma2 semaphore(%arg12 : memref<!tpu.dma_semaphore, #tpu.memory_space<semaphore_mem>>) src(%dma_wait3A_170 : memref<8x128xf32, #tpu.memory_space<vmem_shared>>) dst(%dma_wait3A_167 : memref<8x128xf32, #tpu.memory_space<vmem>>)
      "tpu.region"() ({
        %run_scoped3A = tpu.sem_alloc : memref<!tpu.dma_semaphore, #tpu.memory_space<semaphore_mem>>
        %dma_start3A_171 = arith.constant 0 : i32
        %dma_start3A_172 = arith.constant 0 : i32
        %dma_start3A_173 = tpu.memref_slice %arg10[%dma_start3A_171, %dma_start3A_172] : memref<128x128xf32, #tpu.memory_space<vmem>> -> memref<8x128xf32, #tpu.memory_space<vmem>>
        %dma_start3A_174 = arith.constant 9992 : i32
        %dma_start3A_175 = arith.constant 128 : i32
        %dma_start3A_176 = tpu.memref_slice %arg7[%dma_start3A_174, %dma_start3A_175] : memref<10000x256xf32, #tpu.memory_space<hbm>> -> memref<8x128xf32, #tpu.memory_space<hbm>>
        %dma_start3A_177 = arith.constant 9992 : i32
        %dma_start3A_178 = arith.constant 128 : i32
        %dma_start3A_179 = tpu.memref_slice %arg7[%dma_start3A_177, %dma_start3A_178] : memref<10000x256xf32, #tpu.memory_space<hbm>> -> memref<8x128xf32, #tpu.memory_space<hbm>>
        %dma_start3A_180 = arith.constant 0 : i32
        %dma_start3A_181 = arith.constant 0 : i32
        %dma_start3A_182 = tpu.memref_slice %arg10[%dma_start3A_180, %dma_start3A_181] : memref<128x128xf32, #tpu.memory_space<vmem>> -> memref<8x128xf32, #tpu.memory_space<vmem>>
        tpu.enqueue_dma source(%dma_start3A_182 : memref<8x128xf32, #tpu.memory_space<vmem>>) target(%dma_start3A_179 : memref<8x128xf32, #tpu.memory_space<hbm>>) target_semaphore(%run_scoped3A : memref<!tpu.dma_semaphore, #tpu.memory_space<semaphore_mem>>)
        %dma_wait3A_183 = arith.constant 0 : i32
        %dma_wait3A_184 = arith.constant 0 : i32
        %dma_wait3A_185 = tpu.memref_slice %arg10[%dma_wait3A_183, %dma_wait3A_184] : memref<128x128xf32, #tpu.memory_space<vmem>> -> memref<8x128xf32, #tpu.memory_space<vmem>>
        %dma_wait3A_186 = arith.constant 9992 : i32
        %dma_wait3A_187 = arith.constant 128 : i32
        %dma_wait3A_188 = tpu.memref_slice %arg7[%dma_wait3A_186, %dma_wait3A_187] : memref<10000x256xf32, #tpu.memory_space<hbm>> -> memref<8x128xf32, #tpu.memory_space<hbm>>
        %dma_wait3A_189 = arith.constant 9992 : i32
        %dma_wait3A_190 = arith.constant 128 : i32
        %dma_wait3A_191 = tpu.memref_slice %arg7[%dma_wait3A_189, %dma_wait3A_190] : memref<10000x256xf32, #tpu.memory_space<hbm>> -> memref<8x128xf32, #tpu.memory_space<hbm>>
        %dma_wait3A_192 = arith.constant 0 : i32
        %dma_wait3A_193 = arith.constant 0 : i32
        %dma_wait3A_194 = tpu.memref_slice %arg10[%dma_wait3A_192, %dma_wait3A_193] : memref<128x128xf32, #tpu.memory_space<vmem>> -> memref<8x128xf32, #tpu.memory_space<vmem>>
        tpu.wait_dma2 semaphore(%run_scoped3A : memref<!tpu.dma_semaphore, #tpu.memory_space<semaphore_mem>>) src(%dma_wait3A_194 : memref<8x128xf32, #tpu.memory_space<vmem>>) dst(%dma_wait3A_191 : memref<8x128xf32, #tpu.memory_space<hbm>>)
        tpu.yield
      }) : () -> ()
    } else {
    }
    return
  }
}

module attributes {stable_mosaic.version = 14 : i64} {
  func.func @_tc_body(%arg0: i32, %arg1: memref<2000x256xf32, #tpu.memory_space<vmem>>, %arg2: memref<2000x256xf32, #tpu.memory_space<vmem>>, %arg3: memref<256x256xf32, #tpu.memory_space<vmem>>, %arg4: memref<256x256xf32, #tpu.memory_space<vmem>>, %arg5: memref<1x256xf32, #tpu.memory_space<vmem>>, %arg6: memref<2000x128xf32, #tpu.memory_space<vmem>>, %arg7: memref<2000x128xf32, #tpu.memory_space<vmem>>, %arg8: memref<2000x128xf32, #tpu.memory_space<vmem>>, %arg9: memref<2000x128xf32, #tpu.memory_space<vmem>>) attributes {dimension_semantics = [#tpu.dimension_semantics<arbitrary>], iteration_bounds = array<i64: 5>, scalar_prefetch = 0 : i64, scratch_operands = 0 : i64, tpu.core_type = #tpu.core_type<tc>, window_params = [{transform_indices = @transform_0, window_bounds = array<i64: 2000, 256>}, {transform_indices = @transform_1, window_bounds = array<i64: 2000, 256>}, {pipeline_mode = #tpu.pipeline_mode<synchronous>, transform_indices = @transform_2, window_bounds = array<i64: 256, 256>}, {pipeline_mode = #tpu.pipeline_mode<synchronous>, transform_indices = @transform_3, window_bounds = array<i64: 256, 256>}, {pipeline_mode = #tpu.pipeline_mode<synchronous>, transform_indices = @transform_4, window_bounds = array<i64: 1, 256>}, {transform_indices = @transform_5, window_bounds = array<i64: 2000, 128>}, {transform_indices = @transform_6, window_bounds = array<i64: 2000, 128>}, {transform_indices = @transform_7, window_bounds = array<i64: 2000, 128>}, {transform_indices = @transform_8, window_bounds = array<i64: 2000, 128>}]} {
    %get3A = arith.constant 0 : index
    %get3A_0 = arith.constant 0 : index
    %get3A_1 = vector.load %arg1[%get3A, %get3A_0] : memref<2000x256xf32, #tpu.memory_space<vmem>>, vector<2000x256xf32>
    %get3A_2 = arith.constant 0 : index
    %get3A_3 = arith.constant 0 : index
    %get3A_4 = vector.load %arg4[%get3A_2, %get3A_3] : memref<256x256xf32, #tpu.memory_space<vmem>>, vector<256x256xf32>
    %dot_general3A = arith.constant dense<0.000000e+00> : vector<2000x256xf32>
    %dot_general3A_5 = tpu.matmul %get3A_1, %get3A_4, %dot_general3A {dimension_numbers = #tpu.dot_dimension_numbers<[1], [0], [0], [1], [0, 0, 1, 1], [], []>, transpose_lhs_hint = false} : vector<2000x256xf32>, vector<256x256xf32>, vector<2000x256xf32> -> vector<2000x256xf32>
    %get3A_6 = arith.constant 0 : index
    %get3A_7 = arith.constant 0 : index
    %get3A_8 = vector.load %arg2[%get3A_6, %get3A_7] : memref<2000x256xf32, #tpu.memory_space<vmem>>, vector<2000x256xf32>
    %get3A_9 = arith.constant 0 : index
    %get3A_10 = arith.constant 0 : index
    %get3A_11 = vector.load %arg3[%get3A_9, %get3A_10] : memref<256x256xf32, #tpu.memory_space<vmem>>, vector<256x256xf32>
    %dot_general3A_12 = arith.constant dense<0.000000e+00> : vector<2000x256xf32>
    %dot_general3A_13 = tpu.matmul %get3A_8, %get3A_11, %dot_general3A_12 {dimension_numbers = #tpu.dot_dimension_numbers<[1], [0], [0], [1], [0, 0, 1, 1], [], []>, transpose_lhs_hint = false} : vector<2000x256xf32>, vector<256x256xf32>, vector<2000x256xf32> -> vector<2000x256xf32>
    %get3A_14 = arith.constant 0 : index
    %get3A_15 = arith.constant 0 : index
    %get3A_16 = vector.load %arg5[%get3A_14, %get3A_15] : memref<1x256xf32, #tpu.memory_space<vmem>>, vector<1x256xf32>
    %add3A = vector.broadcast %get3A_16 : vector<1x256xf32> to vector<2000x256xf32>
    %add3A_17 = arith.addf %dot_general3A_13, %add3A : vector<2000x256xf32>
    %slice3A = vector.extract_strided_slice %dot_general3A_5 {offsets = [0, 0], sizes = [2000, 128], strides = [1, 1]} : vector<2000x256xf32> to vector<2000x128xf32>
    %swap3A = arith.constant 0 : index
    %swap3A_18 = arith.constant 0 : index
    %swap3A_19 = vector.load %arg6[%swap3A, %swap3A_18] : memref<2000x128xf32, #tpu.memory_space<vmem>>, vector<2000x128xf32>
    tpu.vector_store %arg6[%swap3A, %swap3A_18], %slice3A {strides = array<i32>} : memref<2000x128xf32, #tpu.memory_space<vmem>>, vector<2000x128xf32>,
    %slice3A_20 = vector.extract_strided_slice %dot_general3A_5 {offsets = [0, 128], sizes = [2000, 128], strides = [1, 1]} : vector<2000x256xf32> to vector<2000x128xf32>
    %swap3A_21 = arith.constant 0 : index
    %swap3A_22 = arith.constant 0 : index
    %swap3A_23 = vector.load %arg7[%swap3A_21, %swap3A_22] : memref<2000x128xf32, #tpu.memory_space<vmem>>, vector<2000x128xf32>
    tpu.vector_store %arg7[%swap3A_21, %swap3A_22], %slice3A_20 {strides = array<i32>} : memref<2000x128xf32, #tpu.memory_space<vmem>>, vector<2000x128xf32>,
    %slice3A_24 = vector.extract_strided_slice %add3A_17 {offsets = [0, 0], sizes = [2000, 128], strides = [1, 1]} : vector<2000x256xf32> to vector<2000x128xf32>
    %swap3A_25 = arith.constant 0 : index
    %swap3A_26 = arith.constant 0 : index
    %swap3A_27 = vector.load %arg8[%swap3A_25, %swap3A_26] : memref<2000x128xf32, #tpu.memory_space<vmem>>, vector<2000x128xf32>
    tpu.vector_store %arg8[%swap3A_25, %swap3A_26], %slice3A_24 {strides = array<i32>} : memref<2000x128xf32, #tpu.memory_space<vmem>>, vector<2000x128xf32>,
    %slice3A_28 = vector.extract_strided_slice %add3A_17 {offsets = [0, 128], sizes = [2000, 128], strides = [1, 1]} : vector<2000x256xf32> to vector<2000x128xf32>
    %swap3A_29 = arith.constant 0 : index
    %swap3A_30 = arith.constant 0 : index
    %swap3A_31 = vector.load %arg9[%swap3A_29, %swap3A_30] : memref<2000x128xf32, #tpu.memory_space<vmem>>, vector<2000x128xf32>
    tpu.vector_store %arg9[%swap3A_29, %swap3A_30], %slice3A_28 {strides = array<i32>} : memref<2000x128xf32, #tpu.memory_space<vmem>>, vector<2000x128xf32>,
    return
  }
  func.func @transform_0(%arg0: i32) -> (i32, i32) {
    %c0_i32 = arith.constant 0 : i32
    %c0_i32_0 = arith.constant 0 : i32
    return %arg0, %c0_i32 : i32, i32
  }
  func.func @transform_1(%arg0: i32) -> (i32, i32) {
    %c0_i32 = arith.constant 0 : i32
    %c0_i32_0 = arith.constant 0 : i32
    return %arg0, %c0_i32 : i32, i32
  }
  func.func @transform_2(%arg0: i32) -> (i32, i32) {
    %c0_i32 = arith.constant 0 : i32
    %c0_i32_0 = arith.constant 0 : i32
    %c0_i32_1 = arith.constant 0 : i32
    return %c0_i32, %c0_i32_0 : i32, i32
  }
  func.func @transform_3(%arg0: i32) -> (i32, i32) {
    %c0_i32 = arith.constant 0 : i32
    %c0_i32_0 = arith.constant 0 : i32
    %c0_i32_1 = arith.constant 0 : i32
    return %c0_i32, %c0_i32_0 : i32, i32
  }
  func.func @transform_4(%arg0: i32) -> (i32, i32) {
    %c0_i32 = arith.constant 0 : i32
    %c0_i32_0 = arith.constant 0 : i32
    %c0_i32_1 = arith.constant 0 : i32
    return %c0_i32, %c0_i32_0 : i32, i32
  }
  func.func @transform_5(%arg0: i32) -> (i32, i32) {
    %c0_i32 = arith.constant 0 : i32
    %c0_i32_0 = arith.constant 0 : i32
    return %arg0, %c0_i32 : i32, i32
  }
  func.func @transform_6(%arg0: i32) -> (i32, i32) {
    %c0_i32 = arith.constant 0 : i32
    %c0_i32_0 = arith.constant 0 : i32
    return %arg0, %c0_i32 : i32, i32
  }
  func.func @transform_7(%arg0: i32) -> (i32, i32) {
    %c0_i32 = arith.constant 0 : i32
    %c0_i32_0 = arith.constant 0 : i32
    return %arg0, %c0_i32 : i32, i32
  }
  func.func @transform_8(%arg0: i32) -> (i32, i32) {
    %c0_i32 = arith.constant 0 : i32
    %c0_i32_0 = arith.constant 0 : i32
    return %arg0, %c0_i32 : i32, i32
  }
}

</mosaic_0001>

<sc_bundles>
// kernel: kernel.4.cloned.1.call-start
scs
__scs_entry_jumppad:
0x0: {  	(pc) =	sbr.rel $0x88, $3  }
0x1: {  	(tag) =	ssettag $0x0;
	lr =	simm.s32 $0x1  }
0x2: {  	[smem:$0x3F9B] =	sst lr;
	_ =	strace $0xD0000000  }
0x3: {  	_ = 	snop  }
0x4: {  	_ = 	snop  }
0x5: {  	_ = 	snop  }
0x6: {  	_ = 	snop  }
0x7: {  	_ = 	snop  }
__scs_overlays_trampoline_lowered:
0x8: {  	[smem:$0x3FAA] =	sst s0  }
0x9: {  	[smem:$0x3FAB] =	sst s1  }
0xa: {  	[smem:$0x3FAC] =	sst s2  }
0xb: {  	[smem:$0x3FAD] =	sst s3  }
0xc: {  	[smem:$0x3FAE] =	sst s4  }
0xd: {  	[smem:$0x3FAF] =	sst s5  }
0xe: {  	[smem:$0x3FB0] =	sst s6  }
0xf: {  	[smem:$0x3FB1] =	sst s7  }
0x10: {  	[smem:$0x3FB2] =	sst s8  }
0x11: {  	[smem:$0x3FB3] =	sst s9;
	s0 =	simm.s32 @!p0 $0x0  }
0x12: {  	s1 =	sld [smem:$0x3F99];
	s0 =	simm.s32 @p0 $0x1  }
0x13: {  	[smem:$0x3FB4] =	sst s0;
	s0 =	simm.s32 @!p1 $0x0  }
0x14: {  	s2 =	sld [smem:$0x3F98];
	s0 =	simm.s32 @p1 $0x1  }
0x15: {  	[smem:$0x3FB5] =	sst s0;
	s0 =	simm.s32 @!p2 $0x0  }
0x16: {  	s3 =	sld [smem:$0x3FDB];
	s0 =	simm.s32 @p2 $0x1  }
0x17: {  	s4 =	simm.s32 $0x1BF5;
	[smem:$0x3FB7] =	sst s0  }
0x18: {  	s0 =	sld [smem:$0x3F9A];
	_ =	swait.ge [sflag:s4], $0x0  }
0x19: {  	s7 =	sld [smem:$0x3F9B]  }
0x1a: {  	s8 =	sadd.s32 $0xFFFFE003, lr  }
0x1b: {  	s9 =	sadd.s32 $0xFFFFFEF7, lr;
	s5 =	simm.s32 $0xFFFFFFFF;
	p2 =	slt.u32 s8, $0xFFFFF086  }
0x1c: {  	p1 =	slt.u32 s9, $0xF7A;
	s5 =	simm.s32 @!p2 $0x0  }
0x1d: {  	s5 =	simm.s32 @p1 $0x1;
	p0 =	seq.s32 s7, s2  }
0x1e: {  	s7 =	smul.u32 @!p0 $0xF7A, s2;
	p2 =	seq.s32 @!p0 s5, $0x0  }
0x1f: {  	s9 =	smul.u32 $0xF7A, s1;
	s8 =	simm.s32 @!p0 $0x1BF5;
	p2 =	por !p2, p0  }
0x20: {  	[sflag:s8] =	ssyncset.s32 @!p0 $0xFFFFF086;
	s6 =	sadd.s32 @!p0 s3, s7;
	s7 =	simm.s32 @!p0 $0x108  }
0x21: {  	s3 =	sadd.s32 s3, s9;
	s6 =	sadd.s32 @!p0 $0x88, s6;
	s7 =	simm.s32 @p2 $0x1082  }
0x22: {  	[simem:s7], [sflag:s8] =	dma.local @!p0 [hbm:s6], $0xF7A  }
0x23: {  	s9 =	sor.u32 $0xD0000000, s2;
	s6 =	simm.s32 $0x108;
	_ =	swait.ge @!p0 [sflag:s8], $0x0  }
0x24: {  	s3 =	sadd.s32 $0x88, s3;
	s6 =	simm.s32 @!p1 $0x1082;
	[sflag:s4] =	ssyncset.s32 $0xFFFFF086  }
0x25: {  	[simem:s6], [sflag:s4] =	dma.local [hbm:s3], $0xF7A  }
0x26: {  	[smem:$0x3F9B] =	sst s1;
	(tag) =	ssettag s2;
	_ =	strace s9  }
0x27: {  	s1 =	sld [smem:$0x3FAB]  }
0x28: {  	s2 =	sld [smem:$0x3FAC]  }
0x29: {  	s4 =	sld [smem:$0x3FAE]  }
0x2a: {  	p0 =	seq.s32 s5, $0x0;
	s5 =	sld [smem:$0x3FAF]  }
0x2b: {  	s6 =	sld [smem:$0x3FB0]  }
0x2c: {  	s7 =	sld [smem:$0x3FB1]  }
0x2d: {  	s3 =	simm.s32 $0x108;
	s8 =	sld [smem:$0x3FB2]  }
0x2e: {  	s3 =	simm.s32 @!p0 $0x1082;
	s9 =	sld [smem:$0x3FB3]  }
0x2f: {  	lr =	sadd.s32 s0, s3;
	s0 =	sld [smem:$0x3FAA]  }
0x30: {  	s3 =	sld [smem:$0x3FAD]  }
0x31: {  	[smem:$0x3FB6] =	sst s10  }
0x32: {  	s10 =	sld [smem:$0x3FB4];
	_ =	sdelay $0x3  }
0x33: {  	p0 =	seq.s32 s10, $0x1;
	s10 =	sld [smem:$0x3FB6];
	_ =	sdelay $0x3  }
0x34: {  	[smem:$0x3FB6] =	sst s10  }
0x35: {  	s10 =	sld [smem:$0x3FB5];
	_ =	sdelay $0x3  }
0x36: {  	p1 =	seq.s32 s10, $0x1;
	s10 =	sld [smem:$0x3FB6];
	_ =	sdelay $0x3  }
0x37: {  	[smem:$0x3FB6] =	sst s10  }
0x38: {  	s10 =	sld [smem:$0x3FB7]  }
0x39: {  	_ = 	snop;
	(pc) =	sbr.ind lr, $3  }
0x3a: {  	_ = 	snop  }
0x3b: {  	_ = 	snop  }
0x3c: {  	p2 =	seq.s32 s10, $0x1;
	s10 =	sld [smem:$0x3FB6]  }
0x3d: {  	_ =	shalt  }
0x3e: {  	_ =	shalt  }
0x3f: {  	_ =	shalt  }
0x40: {  	_ =	shalt  }
0x41: {  	_ =	shalt  }
0x42: {  	_ =	shalt  }
0x43: {  	_ =	shalt  }
0x44: {  	_ =	shalt  }
0x45: {  	_ =	shalt  }
0x46: {  	_ =	shalt  }
0x47: {  	_ =	shalt  }
0x48: {  	_ =	shalt  }
0x49: {  	_ =	shalt  }
0x4a: {  	_ =	shalt  }
0x4b: {  	_ =	shalt  }
0x4c: {  	_ =	shalt  }
0x4d: {  	_ =	shalt  }
0x4e: {  	_ =	shalt  }
0x4f: {  	_ =	shalt  }
0x50: {  	_ =	shalt  }
0x51: {  	_ =	shalt  }
0x52: {  	_ =	shalt  }
0x53: {  	_ =	shalt  }
0x54: {  	_ =	shalt  }
0x55: {  	_ =	shalt  }
0x56: {  	_ =	shalt  }
0x57: {  	_ =	shalt  }
0x58: {  	_ =	shalt  }
0x59: {  	_ =	shalt  }
0x5a: {  	_ =	shalt  }
0x5b: {  	_ =	shalt  }
0x5c: {  	_ =	shalt  }
0x5d: {  	_ =	shalt  }
0x5e: {  	_ =	shalt  }
0x5f: {  	_ =	shalt  }
0x60: {  	_ =	shalt  }
0x61: {  	_ =	shalt  }
0x62: {  	_ =	shalt  }
0x63: {  	_ =	shalt  }
0x64: {  	_ =	shalt  }
0x65: {  	_ =	shalt  }
0x66: {  	_ =	shalt  }
0x67: {  	_ =	shalt  }
0x68: {  	_ =	shalt  }
0x69: {  	_ =	shalt  }
0x6a: {  	_ =	shalt  }
0x6b: {  	_ =	shalt  }
0x6c: {  	_ =	shalt  }
0x6d: {  	_ =	shalt  }
0x6e: {  	_ =	shalt  }
0x6f: {  	_ =	shalt  }
0x70: {  	_ =	shalt  }
0x71: {  	_ =	shalt  }
0x72: {  	_ =	shalt  }
0x73: {  	_ =	shalt  }
0x74: {  	_ =	shalt  }
0x75: {  	_ =	shalt  }
0x76: {  	_ =	shalt  }
0x77: {  	_ =	shalt  }
0x78: {  	_ =	shalt  }
0x79: {  	_ =	shalt  }
0x7a: {  	_ =	shalt  }
0x7b: {  	_ =	shalt  }
0x7c: {  	_ =	shalt  }
0x7d: {  	_ =	shalt  }
0x7e: {  	_ =	shalt  }
0x7f: {  	_ =	shalt  }
0x80: {  	_ =	shalt  }
0x81: {  	_ =	shalt  }
0x82: {  	_ =	shalt  }
0x83: {  	_ =	shalt  }
0x84: {  	_ =	shalt  }
0x85: {  	_ =	shalt  }
0x86: {  	_ =	shalt  }
0x87: {  	_ =	shalt  }
.Lfunc_end0:
.L_simem_size_0:
called_computation_lowered:
.L_overlay_start_0:
0x88: {  	s2 =	sld [smem:$0x3FD9]  }
0x89: {  	s3 =	sld [smem:$0x3FFE];
	_ =	sdelay $0x1  }
0x8a: {  	s1 =	srdreg.scid  }
0x8b: {  	s0 =	sand.u32 $0x1, s1  }
0x8c: {  	s14 =	sshll.u32 s0, $0xA;
	s2 =	sadd.s32 s3, s2  }
0x8d: {  	s2 =	sadd.s32 s2, s14  }
0x8e: {  	[smem:$0x3FC2] =	sst s2  }
0x8f: {  	_ = 	snop  }
0x90: {  	s2 =	sld [smem:$0x3FD0];
	_ =	sdelay $0x2  }
0x91: {  	s15 =	simm.s32 $0xA;
	s4 =	simm.s32 $0x10  }
0x92: {  	[smem:s4], [sflag:s15] =	dma.local [hbm:s2], $0x1  }
0x93: {  	_ =	swait.eq [sflag:s15], $0x1  }
0x94: {  	[sflag:s15] =	ssyncset.done $0x0  }
0x95: {  	s16 =	sld [smem:$0x10];
	[sflag:s15] =	ssyncadd.s32 $0xFFFFFFFF  }
0x96: {  	s17 =	sld [smem:$0x11];
	(tm) =	ssettm $0x1  }
0x97: {  	s18 =	sld [smem:$0x3FFB];
	_ =	sdelay $0x3  }
0x98: {  	_ =	strace s18  }
0x99: {  	s4 =	sld [smem:$0x3FFC];
	_ =	sdelay $0x3  }
0x9a: {  	_ =	strace s4  }
0x9b: {  	s4 =	sld [smem:$0x3FFD];
	_ =	sdelay $0x3  }
0x9c: {  	_ =	strace s4  }
0x9d: {  	_ =	strace $0x8FFFFFFF  }
0x9e: {  	s19 =	sld [smem:$0x3FDB];
	_ =	sdelay $0x1  }
0x9f: {  	s5 =	simm.s32 $_scs_section_size  }
0xa0: {  	s6 =	simm.s32 $_size__tile_overlayer_lowered;
	s7 =	simm.s32 $_tile_overlayer_lowered  }
0xa1: {  	s22 =	simm.s32 $0x1BFF;
	s21 =	sshll.u32 s7, $0x1;
	s4 =	sadd.s32 s5, s19  }
0xa2: {  	s8 =	simm.s32 $0x0;
	s20 =	sshll.u32 s6, $0x1;
	s6 =	sadd.s32 s21, s4  }
0xa3: {  	[timem:s8], [sflag:s22] =	dma.local [hbm:s6], s20  }
0xa4: {  	_ =	swait.ge [sflag:s22], s20  }
0xa5: {  	s5 =	ssub.s32 $0x0, s20;
	[sflag:s22] =	ssyncset.done $0x0  }
0xa6: {  	[sflag:s22] =	ssyncadd.s32 s5;
	_ =	sdelay $0x1  }
0xa7: {  	s23 =	simm.s32 $0x1B8B  }
0xa8: {  	_ =	swait.ge [sflag:s23], $0x1  }
0xa9: {  	[sflag:s23] =	ssyncset.done $0x0  }
0xaa: {  	s25 =	simm.s32 $0x1B8E;
	s24 =	sld [smem:$0x3FFE];
	[sflag:s23] =	ssyncadd.s32 $0xFFFFFFFF  }
0xab: {  	s26 =	simm.s32 $execute0_lowered;
	[smem:$0x3FD2] =	sst s25  }
0xac: {  	s6 =	sshll.u32 s26, $0x1;
	_ =	strace $0x80000046;
	[dreg:$0x1] =	wrdreg $0xFFFFFFFF  }
0xad: {  	s28 =	simm.s32 $_size_execute0_lowered;
	s4 =	sadd.s32 s4, s6;
	[dreg:$0x0] =	wrdreg $0x0  }
0xae: {  	s6 =	sshll.u32 s28, $0x1;
	[dreg:$0x2] =	wrdreg s4  }
0xaf: {  	[dreg:$0x3] =	wrdreg s6  }
0xb0: {  	[dreg:$0x4] =	wrdreg $0xC0  }
0xb1: {  	_ =	task [dreg:s8], $0x5FFFF  }
0xb2: {  	[dreg:$0x1] =	wrdreg $0xFFFFFFFF  }
0xb3: {  	[dreg:$0x0] =	wrdreg $0x60  }
0xb4: {  	[dreg:$0x2] =	wrdreg s16  }
0xb5: {  	[dreg:$0x3] =	wrdreg s24  }
0xb6: {  	[dreg:$0x4] =	wrdreg s17  }
0xb7: {  	[dreg:$0x5] =	wrdreg $0x0  }
0xb8: {  	[dreg:$0x6] =	wrdreg $0x9  }
0xb9: {  	_ =	task.clear_ibuf [dreg:s8], $0x7FFFF;
	_ =	strace $0x90000046  }
0xba: {  	s29 =	simm.s32 $0x9;
	_ =	strace $0x80000048  }
0xbb: {  	_ =	swait.ge [sflag:s29], $0x1  }
0xbc: {  	[sflag:s29] =	ssyncadd.s32 $0xFFFFFFFF  }
0xbd: {  	_ =	strace $0x90000048  }
0xbe: {  	_ =	sfence  }
0xbf: {  	s30 =	sld [smem:$0x0];
	_ =	sdelay $0x2  }
0xc0: {  	s31 =	sshll.u32 s1, $0xD;
	s1 =	sshrl.u32 s1, $0x2  }
0xc1: {  	s3 =	sand.u32 $0x4000, s31;
	s1 =	sadd.s32 s1, s30  }
0xc2: {  	s0 =	sor.u32 s3, s0;
	s1 =	sshll.u32 s1, $0x11  }
0xc3: {  	s0 =	sor.u32 s1, s0  }
0xc4: {  	s0 =	sadd.s32 $0x8F2B, s0  }
0xc5: {  	[sflag:s0] =	ssyncadd.remote.s32 $0x1  }
0xc6: {  	_ =	sfence.sel $0xFFFF  }
0xc7: {  	[dreg:$0x0] =	wrdreg $0xFFFFFFFF;
	(pc) =	sbr.abs _section_cstart, $3  }
0xc8: {  	[dreg:$0x1] =	wrdreg $0xFFFFFFFF  }
0xc9: {  	_ =	task.clear_ibuf [dreg:s8], $0x2FFFF;
	_ =	strace $0x9FFFFFFF  }
0xca: {  	(tm) =	ssettm $0x7FFFFFFF  }
0xcb: {  	_ =	shalt  }
tec
execute0_lowered:
.L_overlay_start_1:
0x0: {  	(tag) =	ssettag $0x1  }
0x1: {  	s1 =	rddreg [dreg:$0x0]  }
0x2: {  	s4 =	rddreg [dreg:$0x1]  }
0x3: {  	s0 =	rddreg [dreg:$0x2]  }
0x4: {  	s3 =	rddreg [dreg:$0x3]  }
0x5: {  	s2 =	srdreg.scid;
	s22 =	stileid.u32  }
0x6: {  	s26 =	simm.s32 $0x0;
	s31 =	simm.s32 $0x800;
	s5 =	sand.u32 $0x1, s2  }
0x7: {  	s6 =	smul.u32 $0x280, s22;
	[smem:$0x7FF] =	sst s26;
	s7 =	sadd.s32 $0x33A00, s4  }
0x8: {  	s9 =	smul.u32 $0x2800, s22;
	s11 =	sadd.s32 $0x5BA00, s4;
	s18 =	sadd.s32 $0x1A00, s4  }
0x9: {  	s19 =	smul.u32 $0x50000, s22;
	p5 =	sne.s32 s22, $0xF;
	p1 =	seq.s32 s22, $0xF  }
0xa: {  	s2 =	ssub.s32 $0x2, s5;
	p3 =	seq.s32 s5, $0x0;
	p0 =	seq.s32 s5, $0x1  }
0xb: {  	p2 =	sne.s32 s5, $0x0;
	s8 =	sshrl.u32 s2, $0x1;
	s10 =	sadd.s32 $0x80, s6  }
0xc: {  	s12 =	sadd.s32 s7, s9;
	s25 =	sadd.s32 $0x100, s6;
	s14 =	sadd.s32 $0x180, s6  }
0xd: {  	s6 =	sadd.s32 $0x200, s6;
	s29 =	sadd.s32 s11, s9;
	s20 =	sshrl.u32 s19, $0x2  }
0xe: {  	p4 =	por !p3, !p5;
	p6 =	por !p3, !p1;
	s2 =	ssub.s32 s2, s8  }
0xf: {  	s23 =	sshll.u32 s10, $0x4;
	[dreg:$0x5] =	wrdreg s12;
	s13 =	sshll.u32 s25, $0x4  }
0x10: {  	s28 =	sshll.u32 s14, $0x4;
	s16 =	sshll.u32 s6, $0x4;
	[dreg:$0xa] =	wrdreg s29  }
0x11: {  	s21 =	sshll.u32 s10, $0x7;
	s6 =	sshll.u32 s6, $0x7;
	s24 =	sadd.s32 s7, s23  }
0x12: {  	s29 =	smul.u32 $0x278, s22;
	s15 =	sadd.s32 s7, s13;
	[dreg:$0x6] =	wrdreg s24  }
0x13: {  	p3 =	por !p4, !p4;
	s17 =	sadd.s32 s7, s28;
	[dreg:$0x7] =	wrdreg s15  }
0x14: {  	p4 =	por !p6, !p6;
	s7 =	sadd.s32 s7, s16;
	[dreg:$0x8] =	wrdreg s17  }
0x15: {  	s8 =	sadd.s32 s11, s23;
	s9 =	sadd.s32 s11, s13;
	[dreg:$0x9] =	wrdreg s7  }
0x16: {  	s13 =	smul.u32 $0x5000, s22;
	s16 =	sadd.s32 s11, s16;
	[dreg:$0xb] =	wrdreg s8  }
0x17: {  	s23 =	sshll.u32 s25, $0x7;
	[dreg:$0xc] =	wrdreg s9;
	s15 =	sadd.s32 s11, s28  }
0x18: {  	[dreg:$0xe] =	wrdreg s16;
	s17 =	smul.u32 $0xA00, s22;
	s16 =	sadd.s32 $0xBA00, s4  }
0x19: {  	s24 =	sshll.u32 s14, $0x7;
	s19 =	sadd.s32 s23, s3;
	s28 =	smul.u32 $0x4F000, s22  }
0x1a: {  	s9 =	sadd.s32 $0x100, s29;
	s12 =	sadd.s32 $0x180, s29;
	s5 =	sadd.s32 $0x200, s29  }
0x1b: {  	[dreg:$0xd] =	wrdreg s15;
	s7 =	sshrl.u32 s13, $0x3;
	s11 =	sshll.u32 s9, $0x7  }
0x1c: {  	s14 =	sshll.u32 s12, $0x7;
	s8 =	sadd.s32 s18, s17;
	s7 =	sadd.s32 s18, s7  }
0x1d: {  	s18 =	sadd.s32 s21, s3;
	s21 =	sadd.s32 s6, s3;
	s6 =	simm.s32 @!p4 $0x0  }
0x1e: {  	s4 =	sshrl.u32 s28, $0x2;
	[dreg:$0xf] =	wrdreg s8;
	s25 =	sadd.s32 $0x500, s7  }
0x1f: {  	s6 =	simm.s32 @p4 $0x1;
	_ =	strace $0x80000047;
	[dreg:$0x10] =	wrdreg s25  }
0x20: {  	s15 =	smul.u32 $0x4F00, s22;
	s4 =	sadd.s32 s4, s3;
	[smem:$0x7F2] =	sst s6  }
0x21: {  	s22 =	sshll.u32 s5, $0x7;
	s13 =	sadd.s32 s11, s3;
	[dreg:$0x11] =	wrdreg s4  }
0x22: {  	s5 =	sshll.u32 s5, $0x5;
	s8 =	sadd.s32 s22, s3;
	[dreg:$0x13] =	wrdreg s13  }
0x23: {  	s23 =	sshll.u32 s12, $0x5;
	s11 =	sadd.s32 s0, s5;
	[dreg:$0x15] =	wrdreg s8  }
0x24: {  	s12 =	sadd.s32 $0x4A100, s0;
	s17 =	sadd.s32 s20, s3;
	[dreg:$0x1f] =	wrdreg s11  }
0x25: {  	s20 =	sadd.s32 s24, s3;
	s22 =	sadd.s32 $0x4E100, s0;
	[smem:$0x7F3] =	sst s12  }
0x26: {  	s24 =	sadd.s32 $0x80, s0;
	s25 =	sadd.s32 s0, s15;
	[smem:$0x7F7] =	sst s22  }
0x27: {  	s30 =	simm.s32 $0x0;
	s8 =	sadd.s32 s23, s24;
	[dreg:$0x16] =	wrdreg s25  }
0x28: {  	s6 =	sadd.s32 $0x80, s29;
	s13 =	sadd.s32 $0x4B100, s0;
	[dreg:$0x1d] =	wrdreg s8  }
0x29: {  	s10 =	sshll.u32 s6, $0x7;
	[smem:$0x7F4] =	sst s13;
	s25 =	sadd.s32 $0x4C180, s0  }
0x2a: {  	s4 =	sshll.u32 s6, $0x5;
	s7 =	sadd.s32 s10, s3;
	[smem:$0x7FA] =	sst s25  }
0x2b: {  	p5 =	por !p5, !p0;
	s28 =	sadd.s32 s0, s4;
	[dreg:$0x12] =	wrdreg s7  }
0x2c: {  	s6 =	sshll.u32 s9, $0x5;
	s4 =	sadd.s32 s4, s24;
	[dreg:$0x18] =	wrdreg s28  }
0x2d: {  	p5 =	por !p5, !p5;
	s29 =	sadd.s32 s0, s6;
	[dreg:$0x19] =	wrdreg s4  }
0x2e: {  	s11 =	simm.s32 $0x14000;
	s6 =	sadd.s32 s6, s24;
	[dreg:$0x1a] =	wrdreg s29  }
0x2f: {  	s12 =	simm.s32 $0x3;
	s10 =	sadd.s32 s5, s24;
	[dreg:$0x1b] =	wrdreg s6  }
0x30: {  	s22 =	simm.s32 $0x1A800;
	s7 =	sadd.s32 s14, s3;
	[dreg:$0x1e] =	wrdreg s10  }
0x31: {  	s8 =	sadd.s32 $0x134400, s3;
	s14 =	sadd.s32 $0x4C100, s0;
	[dreg:$0x14] =	wrdreg s7  }
0x32: {  	s13 =	simm.s32 $0x80;
	s28 =	sadd.s32 $0x4D180, s0;
	[smem:$0x7F5] =	sst s14  }
0x33: {  	s5 =	sadd.s32 $0x128400, s3;
	s29 =	smax.u32 s2, $0x1;
	[smem:$0x7FB] =	sst s28  }
0x34: {  	s6 =	sadd.s32 $0x12C400, s3;
	s7 =	sadd.s32 s15, s24;
	[smem:$0x7FD] =	sst s29  }
0x35: {  	s10 =	sadd.s32 $0x138400, s3;
	s15 =	sadd.s32 $0x4D100, s0;
	[dreg:$0x17] =	wrdreg s7  }
.Ltmp0:
0x36: {  	s24 =	sadd.s32 $0x4B180, s0;
	[smem:$0x7F6] =	sst s15;
	(pc) =	sbr.rel .LBB2_1-.Ltmp0, $4  }
0x37: {  	s4 =	simm.s32 $0x2;
	s7 =	sadd.s32 s0, s23;
	[smem:$0x7F9] =	sst s24  }
0x38: {  	s2 =	simm.s32 $0x400;
	s23 =	sadd.s32 $0x4A180, s0;
	[dreg:$0x1c] =	wrdreg s7  }
0x39: {  	s14 =	simm.s32 $0x16800;
	s0 =	sadd.s32 $0x4E180, s0;
	[smem:$0x7F8] =	sst s23  }
0x3a: {  	s15 =	simm.s32 $0x1;
	[smem:$0x7FC] =	sst s0;
	s7 =	sadd.s32 $0x130400, s3  }
.LBB2_17:
0x3b: {  	[tilespmem:s14], [sflag:$0x1] =	stream.linear.gather [spmem:s5], $0x4000, $0x38;
	[tilespmem:$0x1E800] =	vst v63  }
0x3c: {  	_ =	swait.ge [sflag:s15], $0x4000  }
0x3d: {  	[sflag:s15] =	ssyncset.done $0x0  }
0x3e: {  	s0 =	sld [smem:$0x7F3];
	[sflag:s15] =	ssyncadd.s32 $0xFFFFC000  }
0x3f: {  	[tilespmem:s22], [sflag:$0x2] =	stream.linear.gather [spmem:s6], $0x4000, $0x38;
	[tilespmem:$0x1E800] =	vst v63  }
0x40: {  	_ = 	snop  }
0x41: {  	[hbm4b:s0+s2] =	stream.strided.scatter [tilespmem:s14], [sflag:$0x3], $0x4000, s31, s2, $0x38;
	[tilespmem:$0x1E800] =	vst v63  }
0x42: {  	_ =	swait.ge [sflag:s12], $0x4000  }
0x43: {  	[sflag:s12] =	ssyncset.done $0x0  }
0x44: {  	[sflag:s12] =	ssyncadd.s32 $0xFFFFC000  }
0x45: {  	_ =	swait.ge [sflag:s4], $0x4000  }
0x46: {  	[sflag:s4] =	ssyncset.done $0x0  }
0x47: {  	s24 =	sld [smem:$0x7F4];
	[sflag:s4] =	ssyncadd.s32 $0xFFFFC000  }
0x48: {  	[tilespmem:s14], [sflag:$0x1] =	stream.linear.gather [spmem:s7], $0x4000, $0x38;
	[tilespmem:$0x1E800] =	vst v63  }
0x49: {  	_ = 	snop  }
0x4a: {  	[hbm4b:s24+s2] =	stream.strided.scatter [tilespmem:s22], [sflag:$0x3], $0x4000, s31, s2, $0x38;
	[tilespmem:$0x1E800] =	vst v63  }
0x4b: {  	_ =	swait.ge [sflag:s12], $0x4000  }
0x4c: {  	[sflag:s12] =	ssyncset.done $0x0  }
0x4d: {  	[sflag:s12] =	ssyncadd.s32 $0xFFFFC000  }
0x4e: {  	_ =	swait.ge [sflag:s15], $0x4000  }
0x4f: {  	[sflag:s15] =	ssyncset.done $0x0  }
0x50: {  	s25 =	sld [smem:$0x7F5];
	[sflag:s15] =	ssyncadd.s32 $0xFFFFC000  }
0x51: {  	[tilespmem:s22], [sflag:$0x2] =	stream.linear.gather [spmem:s8], $0x4000, $0x38;
	[tilespmem:$0x1E800] =	vst v63  }
0x52: {  	_ = 	snop  }
0x53: {  	[hbm4b:s25+s2] =	stream.strided.scatter [tilespmem:s14], [sflag:$0x3], $0x4000, s31, s2, $0x38;
	[tilespmem:$0x1E800] =	vst v63  }
0x54: {  	_ =	swait.ge [sflag:s12], $0x4000  }
0x55: {  	[sflag:s12] =	ssyncset.done $0x0  }
0x56: {  	[sflag:s12] =	ssyncadd.s32 $0xFFFFC000  }
0x57: {  	_ =	swait.ge [sflag:s4], $0x4000  }
0x58: {  	[sflag:s4] =	ssyncset.done $0x0  }
0x59: {  	s28 =	sld [smem:$0x7F6];
	[sflag:s4] =	ssyncadd.s32 $0xFFFFC000  }
0x5a: {  	[tilespmem:s14], [sflag:$0x1] =	stream.linear.gather [spmem:s10], $0x400, $0x38;
	[tilespmem:$0x1E800] =	vst v63  }
0x5b: {  	_ = 	snop  }
0x5c: {  	[hbm4b:s28+s2] =	stream.strided.scatter [tilespmem:s22], [sflag:$0x3], $0x4000, s31, s2, $0x38;
	[tilespmem:$0x1E800] =	vst v63  }
0x5d: {  	_ =	swait.ge [sflag:s12], $0x4000  }
0x5e: {  	[sflag:s12] =	ssyncset.done $0x0  }
0x5f: {  	[sflag:s12] =	ssyncadd.s32 $0xFFFFC000  }
0x60: {  	_ =	swait.ge [sflag:s15], $0x400  }
0x61: {  	s29 =	sld [smem:$0x7F7]  }
0x62: {  	[sflag:s15] =	ssyncset.done $0x0  }
0x63: {  	[sflag:s15] =	ssyncadd.s32 $0xFFFFFC00  }
0x64: {  	[hbm4b:s29+s26] =	stream.linear.scatter [tilespmem:s14], [sflag:$0x3], $0x400, $0x38;
	[tilespmem:$0x1E800] =	vst v63  }
0x65: {  	_ =	swait.ge [sflag:s12], $0x400  }
0x66: {  	[sflag:s12] =	ssyncset.done $0x0  }
0x67: {  	p6 =	por $0x1, $0x1;
	[sflag:s12] =	ssyncadd.s32 $0xFFFFFC00  }
.LBB2_18:
0x68: {  	p6 =	por !p6, !p0  }
0x69: {  	p6 =	por !p6, !p6  }
0x6a: {  	s0 =	simm.s32 @p6 $0x16800;
	s9 =	simm.s32 @p6 $0x1  }
0x6b: {  	[tilespmem:s0], [sflag:$0x1] =	stream.linear.gather @p6 [spmem:s5], $0x4000, $0x38;
	[tilespmem:$0x1E800] =	vst v63  }
0x6c: {  	_ =	swait.ge @p6 [sflag:s9], $0x4000  }
0x6d: {  	[sflag:s9] =	ssyncset.done @p6 $0x0  }
0x6e: {  	s23 =	simm.s32 @p6 $0x1A800;
	s26 =	sld [smem:$0x7F8];
	[sflag:s9] =	ssyncadd.s32 @p6 $0xFFFFC000  }
0x6f: {  	[tilespmem:s23], [sflag:$0x2] =	stream.linear.gather @p6 [spmem:s6], $0x4000, $0x38;
	[tilespmem:$0x1E800] =	vst v63  }
0x70: {  	s24 =	simm.s32 @p6 $0x400;
	s25 =	simm.s32 @p6 $0x800  }
0x71: {  	[hbm4b:s26+s24] =	stream.strided.scatter @p6 [tilespmem:s0], [sflag:$0x3], $0x4000, s25, s24, $0x38;
	[tilespmem:$0x1E800] =	vst v63  }
0x72: {  	s26 =	simm.s32 @p6 $0x3  }
0x73: {  	_ =	swait.ge @p6 [sflag:s26], $0x4000  }
0x74: {  	[sflag:s26] =	ssyncset.done @p6 $0x0  }
0x75: {  	s29 =	simm.s32 @p6 $0x2;
	[sflag:s26] =	ssyncadd.s32 @p6 $0xFFFFC000  }
0x76: {  	_ =	swait.ge @p6 [sflag:s29], $0x4000  }
0x77: {  	[sflag:s29] =	ssyncset.done @p6 $0x0  }
0x78: {  	s28 =	sld [smem:$0x7F9];
	[sflag:s29] =	ssyncadd.s32 @p6 $0xFFFFC000  }
0x79: {  	[tilespmem:s0], [sflag:$0x1] =	stream.linear.gather @p6 [spmem:s7], $0x4000, $0x38;
	[tilespmem:$0x1E800] =	vst v63  }
0x7a: {  	_ = 	snop  }
0x7b: {  	[hbm4b:s28+s24] =	stream.strided.scatter @p6 [tilespmem:s23], [sflag:$0x3], $0x4000, s25, s24, $0x38;
	[tilespmem:$0x1E800] =	vst v63  }
0x7c: {  	_ =	swait.ge @p6 [sflag:s26], $0x4000  }
0x7d: {  	[sflag:s26] =	ssyncset.done @p6 $0x0  }
0x7e: {  	[sflag:s26] =	ssyncadd.s32 @p6 $0xFFFFC000  }
0x7f: {  	_ =	swait.ge @p6 [sflag:s9], $0x4000  }
0x80: {  	[sflag:s9] =	ssyncset.done @p6 $0x0  }
0x81: {  	s28 =	sld [smem:$0x7FA];
	[sflag:s9] =	ssyncadd.s32 @p6 $0xFFFFC000  }
0x82: {  	[tilespmem:s23], [sflag:$0x2] =	stream.linear.gather @p6 [spmem:s8], $0x4000, $0x38;
	[tilespmem:$0x1E800] =	vst v63  }
0x83: {  	_ = 	snop  }
0x84: {  	[hbm4b:s28+s24] =	stream.strided.scatter @p6 [tilespmem:s0], [sflag:$0x3], $0x4000, s25, s24, $0x38;
	[tilespmem:$0x1E800] =	vst v63  }
0x85: {  	_ =	swait.ge @p6 [sflag:s26], $0x4000  }
0x86: {  	[sflag:s26] =	ssyncset.done @p6 $0x0  }
0x87: {  	[sflag:s26] =	ssyncadd.s32 @p6 $0xFFFFC000  }
0x88: {  	_ =	swait.ge @p6 [sflag:s29], $0x4000  }
0x89: {  	[sflag:s29] =	ssyncset.done @p6 $0x0  }
0x8a: {  	s28 =	sld [smem:$0x7FB];
	[sflag:s29] =	ssyncadd.s32 @p6 $0xFFFFC000  }
0x8b: {  	[tilespmem:s0], [sflag:$0x1] =	stream.linear.gather @p6 [spmem:s10], $0x400, $0x38;
	[tilespmem:$0x1E800] =	vst v63  }
0x8c: {  	_ = 	snop  }
0x8d: {  	[hbm4b:s28+s24] =	stream.strided.scatter @p6 [tilespmem:s23], [sflag:$0x3], $0x4000, s25, s24, $0x38;
	[tilespmem:$0x1E800] =	vst v63  }
0x8e: {  	_ =	swait.ge @p6 [sflag:s26], $0x4000  }
0x8f: {  	[sflag:s26] =	ssyncset.done @p6 $0x0  }
0x90: {  	[sflag:s26] =	ssyncadd.s32 @p6 $0xFFFFC000  }
0x91: {  	_ =	swait.ge @p6 [sflag:s9], $0x400  }
0x92: {  	s23 =	sld [smem:$0x7FC]  }
0x93: {  	[sflag:s9] =	ssyncset.done @p6 $0x0  }
0x94: {  	[sflag:s9] =	ssyncadd.s32 @p6 $0xFFFFFC00;
	s9 =	simm.s32 @p6 $0x0  }
0x95: {  	[hbm4b:s23+s9] =	stream.linear.scatter @p6 [tilespmem:s0], [sflag:$0x3], $0x400, $0x38;
	[tilespmem:$0x1E800] =	vst v63  }
0x96: {  	_ =	swait.ge @p6 [sflag:s26], $0x400  }
0x97: {  	s29 =	sld [smem:$0x7FD];
	_ =	sdelay $0x1  }
0x98: {  	s30 =	sadd.s32 $0x1, s30  }
0x99: {  	p4 =	sne.s32 s30, s29  }
.Ltmp1:
0x9a: {  	_ = 	snop;
	(pc) =	sbr.rel @!p4 .LBB2_19-.Ltmp1, $3  }
0x9b: {  	_ =	sdelay $0x1  }
0x9c: {  	[sflag:s26] =	ssyncset.done @p6 $0x0  }
0x9d: {  	[sflag:s26] =	ssyncadd.s32 @p6 $0xFFFFFC00;
	s26 =	simm.s32 $0x0  }
.LBB2_1:
0x9e: {  	s0 =	simm.s32 @!p2 $0x0  }
0x9f: {  	s9 =	simm.s32 @!p2 $0x16800;
	s23 =	rddreg [dreg:$0x5];
	s29 =	simm.s32 @!p2 $0x1  }
0xa0: {  	[tilespmem:s9], [sflag:$0x1] =	stream.linear.gather @!p2 [hbm4b:s23+s0], $0x4000, $0x38;
	[tilespmem:$0x1E800] =	vst v63  }
0xa1: {  	_ =	swait.ge @!p2 [sflag:s29], $0x4000  }
0xa2: {  	[sflag:s29] =	ssyncset.done @!p2 $0x0  }
0xa3: {  	s23 =	simm.s32 @!p2 $0x1A800;
	s24 =	rddreg [dreg:$0x6];
	[sflag:s29] =	ssyncadd.s32 @!p2 $0xFFFFC000  }
0xa4: {  	[tilespmem:s23], [sflag:$0x2] =	stream.linear.gather @!p2 [hbm4b:s24+s0], $0x4000, $0x38;
	[tilespmem:$0x1E800] =	vst v63  }
0xa5: {  	s24 =	simm.s32 @!p2 $0x3  }
0xa6: {  	[spmem:s17] =	stream.linear.scatter @!p2 [tilespmem:s9], [sflag:$0x3], $0x4000, $0x38;
	[tilespmem:$0x1E800] =	vst v63  }
0xa7: {  	_ =	swait.ge @!p2 [sflag:s24], $0x4000  }
0xa8: {  	[sflag:s24] =	ssyncset.done @!p2 $0x0  }
0xa9: {  	s25 =	simm.s32 @!p2 $0x2;
	[sflag:s24] =	ssyncadd.s32 @!p2 $0xFFFFC000  }
0xaa: {  	_ =	swait.ge @!p2 [sflag:s25], $0x4000  }
0xab: {  	[sflag:s25] =	ssyncset.done @!p2 $0x0  }
0xac: {  	s28 =	rddreg [dreg:$0x7];
	[sflag:s25] =	ssyncadd.s32 @!p2 $0xFFFFC000  }
0xad: {  	[tilespmem:s9], [sflag:$0x1] =	stream.linear.gather @!p2 [hbm4b:s28+s0], $0x4000, $0x38;
	[tilespmem:$0x1E800] =	vst v63  }
0xae: {  	_ = 	snop  }
0xaf: {  	[spmem:s18] =	stream.linear.scatter @!p2 [tilespmem:s23], [sflag:$0x3], $0x4000, $0x38;
	[tilespmem:$0x1E800] =	vst v63  }
0xb0: {  	_ =	swait.ge @!p2 [sflag:s24], $0x4000  }
0xb1: {  	[sflag:s24] =	ssyncset.done @!p2 $0x0  }
0xb2: {  	[sflag:s24] =	ssyncadd.s32 @!p2 $0xFFFFC000  }
0xb3: {  	_ =	swait.ge @!p2 [sflag:s29], $0x4000  }
0xb4: {  	[sflag:s29] =	ssyncset.done @!p2 $0x0  }
0xb5: {  	s28 =	rddreg [dreg:$0x8];
	[sflag:s29] =	ssyncadd.s32 @!p2 $0xFFFFC000  }
0xb6: {  	[tilespmem:s23], [sflag:$0x2] =	stream.linear.gather @!p2 [hbm4b:s28+s0], $0x4000, $0x38;
	[tilespmem:$0x1E800] =	vst v63  }
0xb7: {  	_ = 	snop  }
0xb8: {  	[spmem:s19] =	stream.linear.scatter @!p2 [tilespmem:s9], [sflag:$0x3], $0x4000, $0x38;
	[tilespmem:$0x1E800] =	vst v63  }
0xb9: {  	_ =	swait.ge @!p2 [sflag:s24], $0x4000  }
0xba: {  	[sflag:s24] =	ssyncset.done @!p2 $0x0  }
0xbb: {  	[sflag:s24] =	ssyncadd.s32 @!p2 $0xFFFFC000  }
0xbc: {  	_ =	swait.ge @!p2 [sflag:s25], $0x4000  }
0xbd: {  	[sflag:s25] =	ssyncset.done @!p2 $0x0  }
0xbe: {  	[sflag:s25] =	ssyncadd.s32 @!p2 $0xFFFFC000;
	s25 =	rddreg [dreg:$0x9]  }
0xbf: {  	[tilespmem:s9], [sflag:$0x1] =	stream.linear.gather @!p2 [hbm4b:s25+s0], $0x4000, $0x38;
	[tilespmem:$0x1E800] =	vst v63  }
0xc0: {  	_ = 	snop  }
0xc1: {  	[spmem:s20] =	stream.linear.scatter @!p2 [tilespmem:s23], [sflag:$0x3], $0x4000, $0x38;
	[tilespmem:$0x1E800] =	vst v63  }
0xc2: {  	_ =	swait.ge @!p2 [sflag:s24], $0x4000  }
0xc3: {  	[sflag:s24] =	ssyncset.done @!p2 $0x0  }
0xc4: {  	[sflag:s24] =	ssyncadd.s32 @!p2 $0xFFFFC000  }
0xc5: {  	_ =	swait.ge @!p2 [sflag:s29], $0x4000  }
0xc6: {  	[sflag:s29] =	ssyncset.done @!p2 $0x0  }
0xc7: {  	[sflag:s29] =	ssyncadd.s32 @!p2 $0xFFFFC000  }
0xc8: {  	[spmem:s21] =	stream.linear.scatter @!p2 [tilespmem:s9], [sflag:$0x3], $0x4000, $0x38;
	[tilespmem:$0x1E800] =	vst v63  }
0xc9: {  	_ =	swait.ge @!p2 [sflag:s24], $0x4000  }
0xca: {  	s0 =	simm.s32 @p0 $0x0;
	[sflag:s24] =	ssyncset.done @!p2 $0x0  }
0xcb: {  	s9 =	simm.s32 @p0 $0x16800;
	s23 =	rddreg [dreg:$0xa];
	[sflag:s24] =	ssyncadd.s32 @!p2 $0xFFFFC000  }
0xcc: {  	[tilespmem:s9], [sflag:$0x1] =	stream.linear.gather @p0 [hbm4b:s23+s0], $0x4000, $0x38;
	[tilespmem:$0x1E800] =	vst v63  }
0xcd: {  	s23 =	simm.s32 @p0 $0x1  }
0xce: {  	_ =	swait.ge @p0 [sflag:s23], $0x4000  }
0xcf: {  	[sflag:s23] =	ssyncset.done @p0 $0x0  }
0xd0: {  	s24 =	simm.s32 @p0 $0x1A800;
	s25 =	rddreg [dreg:$0xb];
	[sflag:s23] =	ssyncadd.s32 @p0 $0xFFFFC000  }
0xd1: {  	[tilespmem:s24], [sflag:$0x2] =	stream.linear.gather @p0 [hbm4b:s25+s0], $0x4000, $0x38;
	[tilespmem:$0x1E800] =	vst v63  }
0xd2: {  	s25 =	simm.s32 @p0 $0x3  }
0xd3: {  	[spmem:s17] =	stream.linear.scatter @p0 [tilespmem:s9], [sflag:$0x3], $0x4000, $0x38;
	[tilespmem:$0x1E800] =	vst v63  }
0xd4: {  	_ =	swait.ge @p0 [sflag:s25], $0x4000  }
0xd5: {  	[sflag:s25] =	ssyncset.done @p0 $0x0  }
0xd6: {  	s29 =	simm.s32 @p0 $0x2;
	[sflag:s25] =	ssyncadd.s32 @p0 $0xFFFFC000  }
0xd7: {  	_ =	swait.ge @p0 [sflag:s29], $0x4000  }
0xd8: {  	[sflag:s29] =	ssyncset.done @p0 $0x0  }
0xd9: {  	s28 =	rddreg [dreg:$0xc];
	[sflag:s29] =	ssyncadd.s32 @p0 $0xFFFFC000  }
0xda: {  	[tilespmem:s9], [sflag:$0x1] =	stream.linear.gather @p0 [hbm4b:s28+s0], $0x4000, $0x38;
	[tilespmem:$0x1E800] =	vst v63  }
0xdb: {  	_ = 	snop  }
0xdc: {  	[spmem:s18] =	stream.linear.scatter @p0 [tilespmem:s24], [sflag:$0x3], $0x4000, $0x38;
	[tilespmem:$0x1E800] =	vst v63  }
0xdd: {  	_ =	swait.ge @p0 [sflag:s25], $0x4000  }
0xde: {  	[sflag:s25] =	ssyncset.done @p0 $0x0  }
0xdf: {  	[sflag:s25] =	ssyncadd.s32 @p0 $0xFFFFC000  }
0xe0: {  	_ =	swait.ge @p0 [sflag:s23], $0x4000  }
0xe1: {  	[sflag:s23] =	ssyncset.done @p0 $0x0  }
0xe2: {  	s28 =	rddreg [dreg:$0xd];
	[sflag:s23] =	ssyncadd.s32 @p0 $0xFFFFC000  }
0xe3: {  	[tilespmem:s24], [sflag:$0x2] =	stream.linear.gather @p0 [hbm4b:s28+s0], $0x4000, $0x38;
	[tilespmem:$0x1E800] =	vst v63  }
0xe4: {  	_ = 	snop  }
0xe5: {  	[spmem:s19] =	stream.linear.scatter @p0 [tilespmem:s9], [sflag:$0x3], $0x4000, $0x38;
	[tilespmem:$0x1E800] =	vst v63  }
0xe6: {  	_ =	swait.ge @p0 [sflag:s25], $0x4000  }
0xe7: {  	[sflag:s25] =	ssyncset.done @p0 $0x0  }
0xe8: {  	[sflag:s25] =	ssyncadd.s32 @p0 $0xFFFFC000  }
0xe9: {  	_ =	swait.ge @p0 [sflag:s29], $0x4000  }
0xea: {  	[sflag:s29] =	ssyncset.done @p0 $0x0  }
0xeb: {  	s28 =	rddreg [dreg:$0xe];
	[sflag:s29] =	ssyncadd.s32 @p0 $0xFFFFC000  }
0xec: {  	[tilespmem:s9], [sflag:$0x1] =	stream.linear.gather @p0 [hbm4b:s28+s0], $0x4000, $0x38;
	[tilespmem:$0x1E800] =	vst v63  }
0xed: {  	_ = 	snop  }
0xee: {  	[spmem:s20] =	stream.linear.scatter @p0 [tilespmem:s24], [sflag:$0x3], $0x4000, $0x38;
	[tilespmem:$0x1E800] =	vst v63  }
0xef: {  	_ =	swait.ge @p0 [sflag:s25], $0x4000  }
0xf0: {  	[sflag:s25] =	ssyncset.done @p0 $0x0  }
0xf1: {  	[sflag:s25] =	ssyncadd.s32 @p0 $0xFFFFC000  }
0xf2: {  	_ =	swait.ge @p0 [sflag:s23], $0x4000  }
0xf3: {  	[sflag:s23] =	ssyncset.done @p0 $0x0  }
0xf4: {  	[sflag:s23] =	ssyncadd.s32 @p0 $0xFFFFC000  }
0xf5: {  	[spmem:s21] =	stream.linear.scatter @p0 [tilespmem:s9], [sflag:$0x3], $0x4000, $0x38;
	[tilespmem:$0x1E800] =	vst v63  }
.Ltmp2:
0xf6: {  	_ =	swait.ge @p0 [sflag:s25], $0x4000;
	(pc) =	sbr.rel @p2 .LBB2_7-.Ltmp2, $3  }
0xf7: {  	[sflag:s25] =	ssyncset.done @p0 $0x0  }
0xf8: {  	[sflag:s25] =	ssyncadd.s32 @p0 $0xFFFFC000  }
0xf9: {  	[bflag:$0x0] =	sbarrier.arrive $0xFFFF;
	_ =	sdelay $0x1  }
0xfa: {  	s0 =	rddreg [dreg:$0xf]  }
0xfb: {  	[tilespmem:s11], [sflag:$0x3] =	stream.linear.gather [hbm4b:s0+s26], $0x2800, $0x38;
	[tilespmem:$0x1E800] =	vst v63  }
0xfc: {  	_ =	swait.ge [sflag:s12], $0x2800  }
0xfd: {  	[sflag:s12] =	ssyncset.done $0x0  }
0xfe: {  	[sflag:s12] =	ssyncadd.s32 $0xFFFFD800  }
0xff: {  	[tilespmem:s14], [sflag:$0x1] =	stream.indirect.gather [hbm4b:s1+s13], $0x80, s11, s13, $0xb8;
	[tilespmem:$0x1E800] =	vst v63  }
0x100: {  	_ =	swait.ge [sflag:s15], $0x4000  }
0x101: {  	[sflag:s15] =	ssyncset.done $0x0  }
0x102: {  	s24 =	simm.s32 $0x14100;
	[sflag:s15] =	ssyncadd.s32 $0xFFFFC000  }
0x103: {  	[tilespmem:s22], [sflag:$0x2] =	stream.indirect.gather [hbm4b:s1+s13], $0x80, s24, s13, $0xb8;
	[tilespmem:$0x1E800] =	vst v63  }
0x104: {  	s25 =	simm.s32 $0x14080  }
0x105: {  	[spmem:s3] =	stream.indirect.scatter.add.f32 [tilespmem:s14], [sflag:$0x3], $0x80, s25, s13, $0xb8;
	[tilespmem:$0x1E800] =	vst v63  }
0x106: {  	_ =	swait.ge [sflag:s12], $0x4000  }
0x107: {  	[sflag:s12] =	ssyncset.done $0x0  }
0x108: {  	[sflag:s12] =	ssyncadd.s32 $0xFFFFC000  }
0x109: {  	_ =	swait.ge [sflag:s4], $0x4000  }
0x10a: {  	[sflag:s4] =	ssyncset.done $0x0  }
0x10b: {  	s28 =	simm.s32 $0x14200;
	[sflag:s4] =	ssyncadd.s32 $0xFFFFC000  }
0x10c: {  	[tilespmem:s14], [sflag:$0x1] =	stream.indirect.gather [hbm4b:s1+s13], $0x80, s28, s13, $0xb8;
	[tilespmem:$0x1E800] =	vst v63  }
0x10d: {  	s29 =	simm.s32 $0x14180  }
0x10e: {  	[spmem:s3] =	stream.indirect.scatter.add.f32 [tilespmem:s22], [sflag:$0x3], $0x80, s29, s13, $0xb8;
	[tilespmem:$0x1E800] =	vst v63  }
0x10f: {  	_ =	swait.ge [sflag:s12], $0x4000  }
0x110: {  	s0 =	simm.s32 $0xFFFF7000;
	[sflag:s12] =	ssyncset.done $0x0  }
.LBB2_3:
0x111: {  	p6 =	sne.s32 s0, $0xFFFFF800  }
0x112: {  	[sflag:s12] =	ssyncadd.s32 $0xFFFFC000;
	s9 =	smov.u32 s0;
	s0 =	sadd.s32 $0x800, s0  }
0x113: {  	_ = 	snop  }
0x114: {  	_ =	swait.ge [sflag:s15], $0x4000  }
0x115: {  	s9 =	sshra.s32 s9, $0x2;
	[sflag:s15] =	ssyncset.done $0x0  }
0x116: {  	s23 =	sadd.s32 $0x16700, s9;
	[sflag:s15] =	ssyncadd.s32 $0xFFFFC000  }
0x117: {  	[tilespmem:s22], [sflag:$0x2] =	stream.indirect.gather [hbm4b:s1+s13], $0x80, s23, s13, $0xb8;
	[tilespmem:$0x1E800] =	vst v63  }
0x118: {  	s23 =	sadd.s32 $0x16680, s9  }
0x119: {  	[spmem:s3] =	stream.indirect.scatter.add.f32 [tilespmem:s14], [sflag:$0x3], $0x80, s23, s13, $0xb8;
	[tilespmem:$0x1E800] =	vst v63  }
0x11a: {  	_ =	swait.ge [sflag:s12], $0x4000  }
0x11b: {  	[sflag:s12] =	ssyncset.done $0x0  }
0x11c: {  	[sflag:s12] =	ssyncadd.s32 $0xFFFFC000  }
0x11d: {  	_ =	swait.ge [sflag:s4], $0x4000  }
0x11e: {  	[sflag:s4] =	ssyncset.done $0x0  }
0x11f: {  	s23 =	sadd.s32 $0x16800, s9;
	[sflag:s4] =	ssyncadd.s32 $0xFFFFC000  }
0x120: {  	[tilespmem:s14], [sflag:$0x1] =	stream.indirect.gather [hbm4b:s1+s13], $0x80, s23, s13, $0xb8;
	[tilespmem:$0x1E800] =	vst v63  }
.Ltmp3:
0x121: {  	_ = 	snop;
	(pc) =	sbr.rel @p6 .LBB2_3-.Ltmp3, $4  }
0x122: {  	s9 =	sadd.s32 $0x16780, s9  }
0x123: {  	[spmem:s3] =	stream.indirect.scatter.add.f32 [tilespmem:s22], [sflag:$0x3], $0x80, s9, s13, $0xb8;
	[tilespmem:$0x1E800] =	vst v63  }
0x124: {  	_ =	swait.ge [sflag:s12], $0x4000  }
0x125: {  	[sflag:s12] =	ssyncset.done $0x0  }
0x126: {  	[sflag:s12] =	ssyncadd.s32 $0xFFFFC000  }
0x127: {  	_ =	swait.ge [sflag:s15], $0x4000  }
0x128: {  	[sflag:s15] =	ssyncset.done $0x0  }
0x129: {  	s0 =	simm.s32 $0x16700;
	[sflag:s15] =	ssyncadd.s32 $0xFFFFC000  }
0x12a: {  	[tilespmem:s22], [sflag:$0x2] =	stream.indirect.gather [hbm4b:s1+s13], $0x80, s0, s13, $0xb8;
	[tilespmem:$0x1E800] =	vst v63  }
0x12b: {  	s29 =	simm.s32 $0x16680  }
0x12c: {  	[spmem:s3] =	stream.indirect.scatter.add.f32 [tilespmem:s14], [sflag:$0x3], $0x80, s29, s13, $0xb8;
	[tilespmem:$0x1E800] =	vst v63  }
0x12d: {  	_ =	swait.ge [sflag:s12], $0x4000  }
0x12e: {  	[sflag:s12] =	ssyncset.done $0x0  }
0x12f: {  	[sflag:s12] =	ssyncadd.s32 $0xFFFFC000  }
0x130: {  	_ =	swait.ge [sflag:s4], $0x4000  }
0x131: {  	[sflag:s4] =	ssyncset.done $0x0  }
0x132: {  	s9 =	simm.s32 $0x16780;
	[sflag:s4] =	ssyncadd.s32 $0xFFFFC000  }
0x133: {  	[spmem:s3] =	stream.indirect.scatter.add.f32 [tilespmem:s22], [sflag:$0x3], $0x80, s9, s13, $0xb8;
	[tilespmem:$0x1E800] =	vst v63  }
0x134: {  	_ =	swait.ge [sflag:s12], $0x4000  }
0x135: {  	[sflag:s12] =	ssyncset.done $0x0  }
0x136: {  	s23 =	rddreg [dreg:$0x10];
	[sflag:s12] =	ssyncadd.s32 $0xFFFFC000  }
0x137: {  	[tilespmem:s11], [sflag:$0x3] =	stream.linear.gather [hbm4b:s23+s26], $0x2800, $0x38;
	[tilespmem:$0x1E800] =	vst v63  }
0x138: {  	_ =	swait.ge [sflag:s12], $0x2800  }
0x139: {  	[sflag:s12] =	ssyncset.done $0x0  }
0x13a: {  	[sflag:s12] =	ssyncadd.s32 $0xFFFFD800  }
0x13b: {  	[tilespmem:s14], [sflag:$0x1] =	stream.indirect.gather [hbm4b:s1+s13], $0x80, s11, s13, $0xb8;
	[tilespmem:$0x1E800] =	vst v63  }
0x13c: {  	_ =	swait.ge [sflag:s15], $0x4000  }
0x13d: {  	[sflag:s15] =	ssyncset.done $0x0  }
0x13e: {  	s24 =	simm.s32 $0x14100;
	[sflag:s15] =	ssyncadd.s32 $0xFFFFC000  }
0x13f: {  	[tilespmem:s22], [sflag:$0x2] =	stream.indirect.gather [hbm4b:s1+s13], $0x80, s24, s13, $0xb8;
	[tilespmem:$0x1E800] =	vst v63  }
0x140: {  	s25 =	simm.s32 $0x14080  }
0x141: {  	[spmem:s3] =	stream.indirect.scatter.add.f32 [tilespmem:s14], [sflag:$0x3], $0x80, s25, s13, $0xb8;
	[tilespmem:$0x1E800] =	vst v63  }
0x142: {  	_ =	swait.ge [sflag:s12], $0x4000  }
0x143: {  	[sflag:s12] =	ssyncset.done $0x0  }
0x144: {  	[sflag:s12] =	ssyncadd.s32 $0xFFFFC000  }
0x145: {  	_ =	swait.ge [sflag:s4], $0x4000  }
0x146: {  	[sflag:s4] =	ssyncset.done $0x0  }
0x147: {  	s28 =	simm.s32 $0x14200;
	[sflag:s4] =	ssyncadd.s32 $0xFFFFC000  }
0x148: {  	[tilespmem:s14], [sflag:$0x1] =	stream.indirect.gather [hbm4b:s1+s13], $0x80, s28, s13, $0xb8;
	[tilespmem:$0x1E800] =	vst v63  }
0x149: {  	s29 =	simm.s32 $0x14180  }
0x14a: {  	[spmem:s3] =	stream.indirect.scatter.add.f32 [tilespmem:s22], [sflag:$0x3], $0x80, s29, s13, $0xb8;
	[tilespmem:$0x1E800] =	vst v63  }
0x14b: {  	_ =	swait.ge [sflag:s12], $0x4000  }
0x14c: {  	s0 =	simm.s32 $0xFFFF7000;
	[sflag:s12] =	ssyncset.done $0x0  }
.LBB2_5:
0x14d: {  	p6 =	sne.s32 s0, $0xFFFFF800  }
0x14e: {  	[sflag:s12] =	ssyncadd.s32 $0xFFFFC000;
	s9 =	smov.u32 s0;
	s0 =	sadd.s32 $0x800, s0  }
0x14f: {  	_ = 	snop  }
0x150: {  	_ =	swait.ge [sflag:s15], $0x4000  }
0x151: {  	s9 =	sshra.s32 s9, $0x2;
	[sflag:s15] =	ssyncset.done $0x0  }
0x152: {  	s23 =	sadd.s32 $0x16700, s9;
	[sflag:s15] =	ssyncadd.s32 $0xFFFFC000  }
0x153: {  	[tilespmem:s22], [sflag:$0x2] =	stream.indirect.gather [hbm4b:s1+s13], $0x80, s23, s13, $0xb8;
	[tilespmem:$0x1E800] =	vst v63  }
0x154: {  	s23 =	sadd.s32 $0x16680, s9  }
0x155: {  	[spmem:s3] =	stream.indirect.scatter.add.f32 [tilespmem:s14], [sflag:$0x3], $0x80, s23, s13, $0xb8;
	[tilespmem:$0x1E800] =	vst v63  }
0x156: {  	_ =	swait.ge [sflag:s12], $0x4000  }
0x157: {  	[sflag:s12] =	ssyncset.done $0x0  }
0x158: {  	[sflag:s12] =	ssyncadd.s32 $0xFFFFC000  }
0x159: {  	_ =	swait.ge [sflag:s4], $0x4000  }
0x15a: {  	[sflag:s4] =	ssyncset.done $0x0  }
0x15b: {  	s23 =	sadd.s32 $0x16800, s9;
	[sflag:s4] =	ssyncadd.s32 $0xFFFFC000  }
0x15c: {  	[tilespmem:s14], [sflag:$0x1] =	stream.indirect.gather [hbm4b:s1+s13], $0x80, s23, s13, $0xb8;
	[tilespmem:$0x1E800] =	vst v63  }
.Ltmp4:
0x15d: {  	_ = 	snop;
	(pc) =	sbr.rel @p6 .LBB2_5-.Ltmp4, $4  }
0x15e: {  	s9 =	sadd.s32 $0x16780, s9  }
0x15f: {  	[spmem:s3] =	stream.indirect.scatter.add.f32 [tilespmem:s22], [sflag:$0x3], $0x80, s9, s13, $0xb8;
	[tilespmem:$0x1E800] =	vst v63  }
0x160: {  	_ =	swait.ge [sflag:s12], $0x4000  }
0x161: {  	[sflag:s12] =	ssyncset.done $0x0  }
0x162: {  	[sflag:s12] =	ssyncadd.s32 $0xFFFFC000  }
0x163: {  	_ =	swait.ge [sflag:s15], $0x4000  }
0x164: {  	[sflag:s15] =	ssyncset.done $0x0  }
0x165: {  	s0 =	simm.s32 $0x16700;
	[sflag:s15] =	ssyncadd.s32 $0xFFFFC000  }
0x166: {  	[tilespmem:s22], [sflag:$0x2] =	stream.indirect.gather [hbm4b:s1+s13], $0x80, s0, s13, $0xb8;
	[tilespmem:$0x1E800] =	vst v63  }
0x167: {  	s28 =	simm.s32 $0x16680  }
0x168: {  	[spmem:s3] =	stream.indirect.scatter.add.f32 [tilespmem:s14], [sflag:$0x3], $0x80, s28, s13, $0xb8;
	[tilespmem:$0x1E800] =	vst v63  }
0x169: {  	_ =	swait.ge [sflag:s12], $0x4000  }
0x16a: {  	[sflag:s12] =	ssyncset.done $0x0  }
0x16b: {  	[sflag:s12] =	ssyncadd.s32 $0xFFFFC000  }
0x16c: {  	_ =	swait.ge [sflag:s4], $0x4000  }
0x16d: {  	[sflag:s4] =	ssyncset.done $0x0  }
0x16e: {  	s29 =	simm.s32 $0x16780;
	[sflag:s4] =	ssyncadd.s32 $0xFFFFC000  }
0x16f: {  	[spmem:s3] =	stream.indirect.scatter.add.f32 [tilespmem:s22], [sflag:$0x3], $0x80, s29, s13, $0xb8;
	[tilespmem:$0x1E800] =	vst v63  }
0x170: {  	_ =	swait.ge [sflag:s12], $0x4000  }
0x171: {  	[sflag:s12] =	ssyncset.done $0x0  }
0x172: {  	[sflag:s12] =	ssyncadd.s32 $0xFFFFC000  }
.LBB2_7:
.Ltmp5:
0x173: {  	(pc) =	sbr.rel @!p0 .LBB2_13-.Ltmp5, $1  }
0x174: {  	_ =	sdelay $0x3  }
0x175: {  	s0 =	rddreg [dreg:$0xf]  }
0x176: {  	[tilespmem:s11], [sflag:$0x3] =	stream.linear.gather [hbm4b:s0+s26], $0x2800, $0x38;
	[tilespmem:$0x1E800] =	vst v63  }
0x177: {  	_ =	swait.ge [sflag:s12], $0x2800  }
0x178: {  	[sflag:s12] =	ssyncset.done $0x0  }
0x179: {  	[sflag:s12] =	ssyncadd.s32 $0xFFFFD800  }
0x17a: {  	[tilespmem:s14], [sflag:$0x1] =	stream.indirect.gather [hbm4b:s16+s13], $0x80, s11, s13, $0xb8;
	[tilespmem:$0x1E800] =	vst v63  }
0x17b: {  	_ =	swait.ge [sflag:s15], $0x4000  }
0x17c: {  	[sflag:s15] =	ssyncset.done $0x0  }
0x17d: {  	s24 =	simm.s32 $0x14100;
	[sflag:s15] =	ssyncadd.s32 $0xFFFFC000  }
0x17e: {  	[tilespmem:s22], [sflag:$0x2] =	stream.indirect.gather [hbm4b:s16+s13], $0x80, s24, s13, $0xb8;
	[tilespmem:$0x1E800] =	vst v63  }
0x17f: {  	s25 =	simm.s32 $0x14080  }
0x180: {  	[spmem:s3] =	stream.indirect.scatter.add.f32 [tilespmem:s14], [sflag:$0x3], $0x80, s25, s13, $0xb8;
	[tilespmem:$0x1E800] =	vst v63  }
0x181: {  	_ =	swait.ge [sflag:s12], $0x4000  }
0x182: {  	[sflag:s12] =	ssyncset.done $0x0  }
0x183: {  	[sflag:s12] =	ssyncadd.s32 $0xFFFFC000  }
0x184: {  	_ =	swait.ge [sflag:s4], $0x4000  }
0x185: {  	[sflag:s4] =	ssyncset.done $0x0  }
0x186: {  	s28 =	simm.s32 $0x14200;
	[sflag:s4] =	ssyncadd.s32 $0xFFFFC000  }
0x187: {  	[tilespmem:s14], [sflag:$0x1] =	stream.indirect.gather [hbm4b:s16+s13], $0x80, s28, s13, $0xb8;
	[tilespmem:$0x1E800] =	vst v63  }
0x188: {  	s29 =	simm.s32 $0x14180  }
0x189: {  	[spmem:s3] =	stream.indirect.scatter.add.f32 [tilespmem:s22], [sflag:$0x3], $0x80, s29, s13, $0xb8;
	[tilespmem:$0x1E800] =	vst v63  }
0x18a: {  	_ =	swait.ge [sflag:s12], $0x4000  }
0x18b: {  	s0 =	simm.s32 $0xFFFF7000;
	[sflag:s12] =	ssyncset.done $0x0  }
.LBB2_9:
0x18c: {  	p6 =	sne.s32 s0, $0xFFFFF800  }
0x18d: {  	[sflag:s12] =	ssyncadd.s32 $0xFFFFC000;
	s9 =	smov.u32 s0;
	s0 =	sadd.s32 $0x800, s0  }
0x18e: {  	_ = 	snop  }
0x18f: {  	_ =	swait.ge [sflag:s15], $0x4000  }
0x190: {  	s9 =	sshra.s32 s9, $0x2;
	[sflag:s15] =	ssyncset.done $0x0  }
0x191: {  	s23 =	sadd.s32 $0x16700, s9;
	[sflag:s15] =	ssyncadd.s32 $0xFFFFC000  }
0x192: {  	[tilespmem:s22], [sflag:$0x2] =	stream.indirect.gather [hbm4b:s16+s13], $0x80, s23, s13, $0xb8;
	[tilespmem:$0x1E800] =	vst v63  }
0x193: {  	s23 =	sadd.s32 $0x16680, s9  }
0x194: {  	[spmem:s3] =	stream.indirect.scatter.add.f32 [tilespmem:s14], [sflag:$0x3], $0x80, s23, s13, $0xb8;
	[tilespmem:$0x1E800] =	vst v63  }
0x195: {  	_ =	swait.ge [sflag:s12], $0x4000  }
0x196: {  	[sflag:s12] =	ssyncset.done $0x0  }
0x197: {  	[sflag:s12] =	ssyncadd.s32 $0xFFFFC000  }
0x198: {  	_ =	swait.ge [sflag:s4], $0x4000  }
0x199: {  	[sflag:s4] =	ssyncset.done $0x0  }
0x19a: {  	s23 =	sadd.s32 $0x16800, s9;
	[sflag:s4] =	ssyncadd.s32 $0xFFFFC000  }
0x19b: {  	[tilespmem:s14], [sflag:$0x1] =	stream.indirect.gather [hbm4b:s16+s13], $0x80, s23, s13, $0xb8;
	[tilespmem:$0x1E800] =	vst v63  }
.Ltmp6:
0x19c: {  	_ = 	snop;
	(pc) =	sbr.rel @p6 .LBB2_9-.Ltmp6, $4  }
0x19d: {  	s9 =	sadd.s32 $0x16780, s9  }
0x19e: {  	[spmem:s3] =	stream.indirect.scatter.add.f32 [tilespmem:s22], [sflag:$0x3], $0x80, s9, s13, $0xb8;
	[tilespmem:$0x1E800] =	vst v63  }
0x19f: {  	_ =	swait.ge [sflag:s12], $0x4000  }
0x1a0: {  	[sflag:s12] =	ssyncset.done $0x0  }
0x1a1: {  	[sflag:s12] =	ssyncadd.s32 $0xFFFFC000  }
0x1a2: {  	_ =	swait.ge [sflag:s15], $0x4000  }
0x1a3: {  	[sflag:s15] =	ssyncset.done $0x0  }
0x1a4: {  	s0 =	simm.s32 $0x16700;
	[sflag:s15] =	ssyncadd.s32 $0xFFFFC000  }
0x1a5: {  	[tilespmem:s22], [sflag:$0x2] =	stream.indirect.gather [hbm4b:s16+s13], $0x80, s0, s13, $0xb8;
	[tilespmem:$0x1E800] =	vst v63  }
0x1a6: {  	s29 =	simm.s32 $0x16680  }
0x1a7: {  	[spmem:s3] =	stream.indirect.scatter.add.f32 [tilespmem:s14], [sflag:$0x3], $0x80, s29, s13, $0xb8;
	[tilespmem:$0x1E800] =	vst v63  }
0x1a8: {  	_ =	swait.ge [sflag:s12], $0x4000  }
0x1a9: {  	[sflag:s12] =	ssyncset.done $0x0  }
0x1aa: {  	[sflag:s12] =	ssyncadd.s32 $0xFFFFC000  }
0x1ab: {  	_ =	swait.ge [sflag:s4], $0x4000  }
0x1ac: {  	[sflag:s4] =	ssyncset.done $0x0  }
0x1ad: {  	s9 =	simm.s32 $0x16780;
	[sflag:s4] =	ssyncadd.s32 $0xFFFFC000  }
0x1ae: {  	[spmem:s3] =	stream.indirect.scatter.add.f32 [tilespmem:s22], [sflag:$0x3], $0x80, s9, s13, $0xb8;
	[tilespmem:$0x1E800] =	vst v63  }
0x1af: {  	_ =	swait.ge [sflag:s12], $0x4000  }
0x1b0: {  	[sflag:s12] =	ssyncset.done $0x0  }
0x1b1: {  	s23 =	rddreg [dreg:$0x10];
	[sflag:s12] =	ssyncadd.s32 $0xFFFFC000  }
0x1b2: {  	[tilespmem:s11], [sflag:$0x3] =	stream.linear.gather [hbm4b:s23+s26], $0x2800, $0x38;
	[tilespmem:$0x1E800] =	vst v63  }
0x1b3: {  	_ =	swait.ge [sflag:s12], $0x2800  }
0x1b4: {  	[sflag:s12] =	ssyncset.done $0x0  }
0x1b5: {  	[sflag:s12] =	ssyncadd.s32 $0xFFFFD800  }
0x1b6: {  	[tilespmem:s14], [sflag:$0x1] =	stream.indirect.gather [hbm4b:s16+s13], $0x80, s11, s13, $0xb8;
	[tilespmem:$0x1E800] =	vst v63  }
0x1b7: {  	_ =	swait.ge [sflag:s15], $0x4000  }
0x1b8: {  	[sflag:s15] =	ssyncset.done $0x0  }
0x1b9: {  	s24 =	simm.s32 $0x14100;
	[sflag:s15] =	ssyncadd.s32 $0xFFFFC000  }
0x1ba: {  	[tilespmem:s22], [sflag:$0x2] =	stream.indirect.gather [hbm4b:s16+s13], $0x80, s24, s13, $0xb8;
	[tilespmem:$0x1E800] =	vst v63  }
0x1bb: {  	s25 =	simm.s32 $0x14080  }
0x1bc: {  	[spmem:s3] =	stream.indirect.scatter.add.f32 [tilespmem:s14], [sflag:$0x3], $0x80, s25, s13, $0xb8;
	[tilespmem:$0x1E800] =	vst v63  }
0x1bd: {  	_ =	swait.ge [sflag:s12], $0x4000  }
0x1be: {  	[sflag:s12] =	ssyncset.done $0x0  }
0x1bf: {  	[sflag:s12] =	ssyncadd.s32 $0xFFFFC000  }
0x1c0: {  	_ =	swait.ge [sflag:s4], $0x4000  }
0x1c1: {  	[sflag:s4] =	ssyncset.done $0x0  }
0x1c2: {  	s28 =	simm.s32 $0x14200;
	[sflag:s4] =	ssyncadd.s32 $0xFFFFC000  }
0x1c3: {  	[tilespmem:s14], [sflag:$0x1] =	stream.indirect.gather [hbm4b:s16+s13], $0x80, s28, s13, $0xb8;
	[tilespmem:$0x1E800] =	vst v63  }
0x1c4: {  	s29 =	simm.s32 $0x14180  }
0x1c5: {  	[spmem:s3] =	stream.indirect.scatter.add.f32 [tilespmem:s22], [sflag:$0x3], $0x80, s29, s13, $0xb8;
	[tilespmem:$0x1E800] =	vst v63  }
0x1c6: {  	_ =	swait.ge [sflag:s12], $0x4000  }
0x1c7: {  	s0 =	simm.s32 $0xFFFF7000;
	[sflag:s12] =	ssyncset.done $0x0  }
.LBB2_11:
0x1c8: {  	p6 =	sne.s32 s0, $0xFFFFF800  }
0x1c9: {  	[sflag:s12] =	ssyncadd.s32 $0xFFFFC000;
	s9 =	smov.u32 s0;
	s0 =	sadd.s32 $0x800, s0  }
0x1ca: {  	_ = 	snop  }
0x1cb: {  	_ =	swait.ge [sflag:s15], $0x4000  }
0x1cc: {  	s9 =	sshra.s32 s9, $0x2;
	[sflag:s15] =	ssyncset.done $0x0  }
0x1cd: {  	s23 =	sadd.s32 $0x16700, s9;
	[sflag:s15] =	ssyncadd.s32 $0xFFFFC000  }
0x1ce: {  	[tilespmem:s22], [sflag:$0x2] =	stream.indirect.gather [hbm4b:s16+s13], $0x80, s23, s13, $0xb8;
	[tilespmem:$0x1E800] =	vst v63  }
0x1cf: {  	s23 =	sadd.s32 $0x16680, s9  }
0x1d0: {  	[spmem:s3] =	stream.indirect.scatter.add.f32 [tilespmem:s14], [sflag:$0x3], $0x80, s23, s13, $0xb8;
	[tilespmem:$0x1E800] =	vst v63  }
0x1d1: {  	_ =	swait.ge [sflag:s12], $0x4000  }
0x1d2: {  	[sflag:s12] =	ssyncset.done $0x0  }
0x1d3: {  	[sflag:s12] =	ssyncadd.s32 $0xFFFFC000  }
0x1d4: {  	_ =	swait.ge [sflag:s4], $0x4000  }
0x1d5: {  	[sflag:s4] =	ssyncset.done $0x0  }
0x1d6: {  	s23 =	sadd.s32 $0x16800, s9;
	[sflag:s4] =	ssyncadd.s32 $0xFFFFC000  }
0x1d7: {  	[tilespmem:s14], [sflag:$0x1] =	stream.indirect.gather [hbm4b:s16+s13], $0x80, s23, s13, $0xb8;
	[tilespmem:$0x1E800] =	vst v63  }
.Ltmp7:
0x1d8: {  	_ = 	snop;
	(pc) =	sbr.rel @p6 .LBB2_11-.Ltmp7, $4  }
0x1d9: {  	s9 =	sadd.s32 $0x16780, s9  }
0x1da: {  	[spmem:s3] =	stream.indirect.scatter.add.f32 [tilespmem:s22], [sflag:$0x3], $0x80, s9, s13, $0xb8;
	[tilespmem:$0x1E800] =	vst v63  }
0x1db: {  	_ =	swait.ge [sflag:s12], $0x4000  }
0x1dc: {  	[sflag:s12] =	ssyncset.done $0x0  }
0x1dd: {  	[sflag:s12] =	ssyncadd.s32 $0xFFFFC000  }
0x1de: {  	_ =	swait.ge [sflag:s15], $0x4000  }
0x1df: {  	[sflag:s15] =	ssyncset.done $0x0  }
0x1e0: {  	s0 =	simm.s32 $0x16700;
	[sflag:s15] =	ssyncadd.s32 $0xFFFFC000  }
0x1e1: {  	[tilespmem:s22], [sflag:$0x2] =	stream.indirect.gather [hbm4b:s16+s13], $0x80, s0, s13, $0xb8;
	[tilespmem:$0x1E800] =	vst v63  }
0x1e2: {  	s28 =	simm.s32 $0x16680  }
0x1e3: {  	[spmem:s3] =	stream.indirect.scatter.add.f32 [tilespmem:s14], [sflag:$0x3], $0x80, s28, s13, $0xb8;
	[tilespmem:$0x1E800] =	vst v63  }
0x1e4: {  	_ =	swait.ge [sflag:s12], $0x4000  }
0x1e5: {  	[sflag:s12] =	ssyncset.done $0x0  }
0x1e6: {  	[sflag:s12] =	ssyncadd.s32 $0xFFFFC000  }
0x1e7: {  	_ =	swait.ge [sflag:s4], $0x4000  }
0x1e8: {  	[sflag:s4] =	ssyncset.done $0x0  }
0x1e9: {  	s29 =	simm.s32 $0x16780;
	[sflag:s4] =	ssyncadd.s32 $0xFFFFC000  }
0x1ea: {  	[spmem:s3] =	stream.indirect.scatter.add.f32 [tilespmem:s22], [sflag:$0x3], $0x80, s29, s13, $0xb8;
	[tilespmem:$0x1E800] =	vst v63  }
0x1eb: {  	_ =	swait.ge [sflag:s12], $0x4000  }
0x1ec: {  	[sflag:s12] =	ssyncset.done $0x0  }
0x1ed: {  	[sflag:s12] =	ssyncadd.s32 $0xFFFFC000  }
.LBB2_13:
.Ltmp8:
0x1ee: {  	(pc) =	sbr.rel @!p3 .LBB2_16-.Ltmp8, $2  }
0x1ef: {  	_ =	sdelay $0x1  }
0x1f0: {  	[bflag:$0x0] =	sbarrier.arrive $0xFFFF;
	_ =	sdelay $0x1  }
0x1f1: {  	s0 =	rddreg [dreg:$0x11]  }
0x1f2: {  	[tilespmem:s14], [sflag:$0x1] =	stream.linear.gather [spmem:s0], $0x4000, $0x38;
	[tilespmem:$0x1E800] =	vst v63  }
0x1f3: {  	_ =	swait.ge [sflag:s15], $0x4000  }
0x1f4: {  	[sflag:s15] =	ssyncset.done $0x0  }
0x1f5: {  	s28 =	rddreg [dreg:$0x12];
	[sflag:s15] =	ssyncadd.s32 $0xFFFFC000  }
0x1f6: {  	[tilespmem:s22], [sflag:$0x2] =	stream.linear.gather [spmem:s28], $0x4000, $0x38;
	[tilespmem:$0x1E800] =	vst v63  }
0x1f7: {  	s29 =	rddreg [dreg:$0x16]  }
0x1f8: {  	[hbm4b:s29+s2] =	stream.strided.scatter [tilespmem:s14], [sflag:$0x3], $0x4000, s31, s2, $0x38;
	[tilespmem:$0x1E800] =	vst v63  }
0x1f9: {  	_ =	swait.ge [sflag:s12], $0x4000  }
0x1fa: {  	[sflag:s12] =	ssyncset.done $0x0  }
0x1fb: {  	[sflag:s12] =	ssyncadd.s32 $0xFFFFC000  }
0x1fc: {  	_ =	swait.ge [sflag:s4], $0x4000  }
0x1fd: {  	[sflag:s4] =	ssyncset.done $0x0  }
0x1fe: {  	s9 =	rddreg [dreg:$0x13];
	[sflag:s4] =	ssyncadd.s32 $0xFFFFC000  }
0x1ff: {  	[tilespmem:s14], [sflag:$0x1] =	stream.linear.gather [spmem:s9], $0x4000, $0x38;
	[tilespmem:$0x1E800] =	vst v63  }
0x200: {  	s23 =	rddreg [dreg:$0x18]  }
0x201: {  	[hbm4b:s23+s2] =	stream.strided.scatter [tilespmem:s22], [sflag:$0x3], $0x4000, s31, s2, $0x38;
	[tilespmem:$0x1E800] =	vst v63  }
0x202: {  	_ =	swait.ge [sflag:s12], $0x4000  }
0x203: {  	[sflag:s12] =	ssyncset.done $0x0  }
0x204: {  	[sflag:s12] =	ssyncadd.s32 $0xFFFFC000  }
0x205: {  	_ =	swait.ge [sflag:s15], $0x4000  }
0x206: {  	[sflag:s15] =	ssyncset.done $0x0  }
0x207: {  	s24 =	rddreg [dreg:$0x14];
	[sflag:s15] =	ssyncadd.s32 $0xFFFFC000  }
0x208: {  	[tilespmem:s22], [sflag:$0x2] =	stream.linear.gather [spmem:s24], $0x4000, $0x38;
	[tilespmem:$0x1E800] =	vst v63  }
0x209: {  	s25 =	rddreg [dreg:$0x1a]  }
0x20a: {  	[hbm4b:s25+s2] =	stream.strided.scatter [tilespmem:s14], [sflag:$0x3], $0x4000, s31, s2, $0x38;
	[tilespmem:$0x1E800] =	vst v63  }
0x20b: {  	_ =	swait.ge [sflag:s12], $0x4000  }
0x20c: {  	[sflag:s12] =	ssyncset.done $0x0  }
0x20d: {  	[sflag:s12] =	ssyncadd.s32 $0xFFFFC000  }
0x20e: {  	_ =	swait.ge [sflag:s4], $0x4000  }
0x20f: {  	[sflag:s4] =	ssyncset.done $0x0  }
0x210: {  	s26 =	rddreg [dreg:$0x15];
	[sflag:s4] =	ssyncadd.s32 $0xFFFFC000  }
0x211: {  	[tilespmem:s14], [sflag:$0x1] =	stream.linear.gather [spmem:s26], $0x3C00, $0x38;
	[tilespmem:$0x1E800] =	vst v63  }
0x212: {  	s28 =	rddreg [dreg:$0x1c]  }
0x213: {  	[hbm4b:s28+s2] =	stream.strided.scatter [tilespmem:s22], [sflag:$0x3], $0x4000, s31, s2, $0x38;
	[tilespmem:$0x1E800] =	vst v63  }
0x214: {  	_ =	swait.ge [sflag:s12], $0x4000  }
0x215: {  	[sflag:s12] =	ssyncset.done $0x0  }
0x216: {  	[sflag:s12] =	ssyncadd.s32 $0xFFFFC000  }
0x217: {  	_ =	swait.ge [sflag:s15], $0x3C00  }
0x218: {  	[sflag:s15] =	ssyncset.done $0x0  }
.Ltmp9:
0x219: {  	s29 =	rddreg [dreg:$0x1f];
	[sflag:s15] =	ssyncadd.s32 $0xFFFFC400;
	(pc) =	sbr.rel .LBB2_15-.Ltmp9, $4  }
0x21a: {  	[hbm4b:s29+s2] =	stream.strided.scatter [tilespmem:s14], [sflag:$0x3], $0x3C00, s31, s2, $0x38;
	[tilespmem:$0x1E800] =	vst v63  }
0x21b: {  	_ =	swait.ge [sflag:s12], $0x3C00  }
0x21c: {  	[sflag:s12] =	ssyncset.done $0x0  }
0x21d: {  	p6 =	por $0x0, $0x0;
	[sflag:s12] =	ssyncadd.s32 $0xFFFFC400  }
.LBB2_16:
0x21e: {  	s0 =	sld [smem:$0x7F2];
	_ =	sdelay $0x2  }
0x21f: {  	p4 =	seq.s32 s0, $0x1  }
.Ltmp10:
0x220: {  	_ = 	snop;
	(pc) =	sbr.rel @p4 .LBB2_17-.Ltmp10, $2  }
0x221: {  	_ =	sdelay $0x2  }
0x222: {  	p6 =	por p1, p1  }
.LBB2_15:
0x223: {  	s0 =	simm.s32 @p5 $0x16800;
	s9 =	rddreg [dreg:$0x11]  }
0x224: {  	[tilespmem:s0], [sflag:$0x1] =	stream.linear.gather @p5 [spmem:s9], $0x4000, $0x38;
	[tilespmem:$0x1E800] =	vst v63  }
0x225: {  	s9 =	simm.s32 @p5 $0x1  }
0x226: {  	_ =	swait.ge @p5 [sflag:s9], $0x4000  }
0x227: {  	s23 =	simm.s32 @p5 $0x1A800;
	[sflag:s9] =	ssyncset.done @p5 $0x0  }
0x228: {  	s25 =	simm.s32 @p5 $0x800;
	s24 =	rddreg [dreg:$0x12];
	[sflag:s9] =	ssyncadd.s32 @p5 $0xFFFFC000  }
0x229: {  	[tilespmem:s23], [sflag:$0x2] =	stream.linear.gather @p5 [spmem:s24], $0x4000, $0x38;
	[tilespmem:$0x1E800] =	vst v63  }
0x22a: {  	s29 =	simm.s32 @p5 $0x3;
	s26 =	rddreg [dreg:$0x17];
	s24 =	simm.s32 @p5 $0x400  }
0x22b: {  	[hbm4b:s26+s24] =	stream.strided.scatter @p5 [tilespmem:s0], [sflag:$0x3], $0x4000, s25, s24, $0x38;
	[tilespmem:$0x1E800] =	vst v63  }
0x22c: {  	_ =	swait.ge @p5 [sflag:s29], $0x4000  }
0x22d: {  	[sflag:s29] =	ssyncset.done @p5 $0x0  }
0x22e: {  	s26 =	simm.s32 @p5 $0x2;
	[sflag:s29] =	ssyncadd.s32 @p5 $0xFFFFC000  }
0x22f: {  	_ =	swait.ge @p5 [sflag:s26], $0x4000  }
0x230: {  	[sflag:s26] =	ssyncset.done @p5 $0x0  }
0x231: {  	s28 =	rddreg [dreg:$0x13];
	[sflag:s26] =	ssyncadd.s32 @p5 $0xFFFFC000  }
0x232: {  	[tilespmem:s0], [sflag:$0x1] =	stream.linear.gather @p5 [spmem:s28], $0x4000, $0x38;
	[tilespmem:$0x1E800] =	vst v63  }
0x233: {  	s28 =	rddreg [dreg:$0x19]  }
0x234: {  	[hbm4b:s28+s24] =	stream.strided.scatter @p5 [tilespmem:s23], [sflag:$0x3], $0x4000, s25, s24, $0x38;
	[tilespmem:$0x1E800] =	vst v63  }
0x235: {  	_ =	swait.ge @p5 [sflag:s29], $0x4000  }
0x236: {  	[sflag:s29] =	ssyncset.done @p5 $0x0  }
0x237: {  	[sflag:s29] =	ssyncadd.s32 @p5 $0xFFFFC000  }
0x238: {  	_ =	swait.ge @p5 [sflag:s9], $0x4000  }
0x239: {  	[sflag:s9] =	ssyncset.done @p5 $0x0  }
0x23a: {  	s28 =	rddreg [dreg:$0x14];
	[sflag:s9] =	ssyncadd.s32 @p5 $0xFFFFC000  }
0x23b: {  	[tilespmem:s23], [sflag:$0x2] =	stream.linear.gather @p5 [spmem:s28], $0x4000, $0x38;
	[tilespmem:$0x1E800] =	vst v63  }
0x23c: {  	s28 =	rddreg [dreg:$0x1b]  }
0x23d: {  	[hbm4b:s28+s24] =	stream.strided.scatter @p5 [tilespmem:s0], [sflag:$0x3], $0x4000, s25, s24, $0x38;
	[tilespmem:$0x1E800] =	vst v63  }
0x23e: {  	_ =	swait.ge @p5 [sflag:s29], $0x4000  }
0x23f: {  	[sflag:s29] =	ssyncset.done @p5 $0x0  }
0x240: {  	[sflag:s29] =	ssyncadd.s32 @p5 $0xFFFFC000  }
0x241: {  	_ =	swait.ge @p5 [sflag:s26], $0x4000  }
0x242: {  	[sflag:s26] =	ssyncset.done @p5 $0x0  }
0x243: {  	[sflag:s26] =	ssyncadd.s32 @p5 $0xFFFFC000;
	s26 =	rddreg [dreg:$0x15]  }
0x244: {  	[tilespmem:s0], [sflag:$0x1] =	stream.linear.gather @p5 [spmem:s26], $0x3C00, $0x38;
	[tilespmem:$0x1E800] =	vst v63  }
0x245: {  	s26 =	rddreg [dreg:$0x1d]  }
0x246: {  	[hbm4b:s26+s24] =	stream.strided.scatter @p5 [tilespmem:s23], [sflag:$0x3], $0x4000, s25, s24, $0x38;
	[tilespmem:$0x1E800] =	vst v63  }
0x247: {  	_ =	swait.ge @p5 [sflag:s29], $0x4000  }
0x248: {  	[sflag:s29] =	ssyncset.done @p5 $0x0  }
0x249: {  	[sflag:s29] =	ssyncadd.s32 @p5 $0xFFFFC000  }
0x24a: {  	_ =	swait.ge @p5 [sflag:s9], $0x3C00  }
0x24b: {  	[sflag:s9] =	ssyncset.done @p5 $0x0  }
.Ltmp11:
0x24c: {  	[sflag:s9] =	ssyncadd.s32 @p5 $0xFFFFC400;
	s9 =	rddreg [dreg:$0x1e];
	(pc) =	sbr.rel .LBB2_18-.Ltmp11, $4  }
0x24d: {  	[hbm4b:s9+s24] =	stream.strided.scatter @p5 [tilespmem:s0], [sflag:$0x3], $0x3C00, s25, s24, $0x38;
	[tilespmem:$0x1E800] =	vst v63  }
0x24e: {  	_ =	swait.ge @p5 [sflag:s29], $0x3C00  }
0x24f: {  	[sflag:s29] =	ssyncset.done @p5 $0x0  }
0x250: {  	[sflag:s29] =	ssyncadd.s32 @p5 $0xFFFFC400  }
.LBB2_19:
0x251: {  	_ =	sfence.sel $0x180000  }
0x252: {  	[bflag:$0x0] =	sbarrier.arrive $0xFFFF  }
0x253: {  	_ =	strace $0x90000047  }
0x254: {  	s0 =	stileid.u32;
	[bflag:$0x2] =	sbarrier.arrive $0xFFFF  }
0x255: {  	p0 =	sne.s32 s0, $0x0;
	s0 =	rddreg [dreg:$0x4]  }
0x256: {  	s0 =	sadd.s32 @!p0 $0x100000, s0  }
0x257: {  	[sflag:s0] =	ssyncadd.tile.s32 @!p0 $0x1;
	_ =	shalt  }
.Lfunc_end2:
_tile_overlayer_lowered:
.L_overlay_start_2:
0x258: {  	(tag) =	ssettag $0x2  }
0x259: {  	s0 =	rddreg [dreg:$0x0];
	s2 =	stileid.u32  }
0x25a: {  	s1 =	rddreg [dreg:$0x1];
	p0 =	sne.s32 s2, $0x0  }
0x25b: {  	s3 =	rddreg [dreg:$0x2];
	[bflag:$0x3] =	sbarrier.arrive $0xFFFF;
	s2 =	simm.s32 @!p0 $0x1C03  }
0x25c: {  	[timem:s3], [sflag:s2] =	dma.local @!p0 [hbm:s0], s1  }
0x25d: {  	s0 =	simm.s32 @!p0 $0x3  }
0x25e: {  	_ =	swait.ge @!p0 [sflag:s0], s1  }
0x25f: {  	s1 =	ssub.s32 @!p0 $0x0, s1;
	[sflag:s0] =	ssyncset.done @!p0 $0x0  }
0x260: {  	[sflag:s0] =	ssyncadd.s32 @!p0 s1  }
0x261: {  	[bflag:$0x3] =	sbarrier.arrive $0xFFFF  }
0x262: {  	_ =	shalt  }

</sc_bundles>
